<compile_context>
chip_gen: v7x
topology: tpu7x:2x2x1
jax: 0.10.2.dev20260603
libtpu: 0.0.44.dev20260713+nightly
codegen_flags: <defaults>
</compile_context>

<pallas_src>
import numpy as np
import jax
import jax.numpy as jnp
from jax import lax
from jax.experimental import pallas as pl
from jax.experimental.pallas import tpu as pltpu
from jax.experimental.pallas import tpu_sc as plsc

NUM_USER = 100000
NUM_ITEM = 100000
DIM_E = 64
DIM_FEAT = 128
NUM_NEG = 127
BATCH = 1024
K = 1 + NUM_NEG
N = BATCH * K
TEMP_VALUE = 2.0
NUM_SAMPLE = 0.5
CONTRASTIVE = 0.5


def _np_threefry2x32(k0, k1, x0, x1):
    m = np.uint64(0xFFFFFFFF)
    x0 = x0.astype(np.uint64)
    x1 = x1.astype(np.uint64)
    ks = [np.uint64(k0), np.uint64(k1),
          (np.uint64(k0) ^ np.uint64(k1) ^ np.uint64(0x1BD11BDA)) & m]
    rots = [(13, 15, 26, 6), (17, 29, 16, 24)]
    x0 = (x0 + ks[0]) & m
    x1 = (x1 + ks[1]) & m
    for r in range(5):
        for d in rots[r % 2]:
            x0 = (x0 + x1) & m
            x1 = ((x1 << np.uint64(d)) | (x1 >> np.uint64(32 - d))) & m
            x1 = x1 ^ x0
        x0 = (x0 + ks[(r + 1) % 3]) & m
        x1 = (x1 + ks[(r + 2) % 3] + np.uint64(r + 1)) & m
    return x0.astype(np.uint32), x1.astype(np.uint32)


def _np_bits32(k0, k1, n):
    a, b = _np_threefry2x32(k0, k1, np.zeros(n, np.uint32),
                            np.arange(n, dtype=np.uint32))
    return a ^ b


def _np_rand_index():
    sk = _np_threefry2x32(np.uint32(0), np.uint32(42),
                          np.zeros(2, np.uint32), np.arange(2, dtype=np.uint32))
    hi = _np_bits32(sk[0][0], sk[1][0], int(N * NUM_SAMPLE)).astype(np.uint64)
    lo = _np_bits32(sk[0][1], sk[1][1], int(N * NUM_SAMPLE)).astype(np.uint64)
    span = np.uint64(N)
    mult = (np.uint64(2 ** 16) % span)
    mult = (mult * mult) % span
    return (((hi % span) * mult + (lo % span)) % span).astype(np.int64)


_MASK_NP = np.zeros((N,), np.float32)
_MASK_NP[_np_rand_index()] = 1.0

_MLP_BLK = 2000


def _mlp_body(v_ref, w1_ref, b1_ref, w2_ref, b2_ref, out_ref):
    x = v_ref[...]
    nrm = jnp.sqrt(jnp.sum(x * x, axis=1, keepdims=True))
    x = x / jnp.maximum(nrm, 1e-12)
    h = jnp.dot(x, w1_ref[...], preferred_element_type=jnp.float32) + b1_ref[...]
    h = jnp.where(h >= 0, h, 0.01 * h)
    y = jnp.dot(h, w2_ref[...], preferred_element_type=jnp.float32) + b2_ref[...]
    out_ref[...] = y


def _mlp(v_feat, W1, b1, W2, b2):
    grid = NUM_ITEM // _MLP_BLK
    return pl.pallas_call(
        _mlp_body,
        grid=(grid,),
        in_specs=[
            pl.BlockSpec((_MLP_BLK, DIM_FEAT), lambda i: (i, 0)),
            pl.BlockSpec((DIM_FEAT, 256), lambda i: (0, 0)),
            pl.BlockSpec((1, 256), lambda i: (0, 0)),
            pl.BlockSpec((256, DIM_E), lambda i: (0, 0)),
            pl.BlockSpec((1, DIM_E), lambda i: (0, 0)),
        ],
        out_specs=pl.BlockSpec((_MLP_BLK, DIM_E), lambda i: (i, 0)),
        out_shape=jax.ShapeDtypeStruct((NUM_ITEM, DIM_E), jnp.float32),
    )(v_feat, W1, b1.reshape(1, 256), W2, b2.reshape(1, DIM_E))


_NW = 32
_PW = N // _NW
_CH = 128
_SUB = 128


def _sc_body(emb, feat, uidx_h, iidx_h, fidx_h,
             uu_o, ee_o, ff_o, fp_o, ue_o, uf_o,
             uidx_v, iidx_v, fidx_v,
             u_r0, e_r0, f_r0, u_r1, e_r1, f_r1,
             pa0, pa1, pa2, pa3, pa4, pa5,
             pb0, pb1, pb2, pb3, pb4, pb5,
             sg0, sg1, so0, so1):
    wid = lax.axis_index("s") * 2 + lax.axis_index("c")
    base = wid * _PW
    pltpu.sync_copy(uidx_h.at[pl.ds(base, _PW)], uidx_v)
    pltpu.sync_copy(iidx_h.at[pl.ds(base, _PW)], iidx_v)
    pltpu.sync_copy(fidx_h.at[pl.ds(base, _PW)], fidx_v)

    outs = (uu_o, ee_o, ff_o, fp_o, ue_o, uf_o)
    bufs0 = (u_r0, e_r0, f_r0)
    bufs1 = (u_r1, e_r1, f_r1)
    parts0 = (pa0, pa1, pa2, pa3, pa4, pa5)
    parts1 = (pb0, pb1, pb2, pb3, pb4, pb5)
    nchunks = _PW // _CH
    half = nchunks // 2

    def issue_gathers(ci, bufs, sem):
        sl = pl.ds(ci * _CH, _CH)
        pltpu.async_copy(emb.at[uidx_v.at[sl]], bufs[0], sem)
        pltpu.async_copy(emb.at[iidx_v.at[sl]], bufs[1], sem)
        pltpu.async_copy(feat.at[fidx_v.at[sl]], bufs[2], sem)

    def wait_gathers(bufs, sem):
        pltpu.make_async_copy(emb.at[pl.ds(0, _CH)], bufs[0], sem).wait()
        pltpu.make_async_copy(emb.at[pl.ds(0, _CH)], bufs[1], sem).wait()
        pltpu.make_async_copy(feat.at[pl.ds(0, _CH)], bufs[2], sem).wait()

    def wait_parts(parts, sem):
        for k, p in enumerate(parts):
            pltpu.make_async_copy(outs[k].at[pl.ds(0, _CH * 16)], p, sem).wait()

    def issue_parts(ci, parts, sem):
        dst = pl.ds((base + ci * _CH) * 16, _CH * 16)
        for k, p in enumerate(parts):
            pltpu.async_copy(p, outs[k].at[dst], sem)

    def compute(bufs, parts):
        u_rows, e_rows, f_rows = bufs
        p0 = e_rows[0, pl.ds(0, 16)]
        p1 = e_rows[0, pl.ds(16, 16)]
        p2 = e_rows[0, pl.ds(32, 16)]
        p3 = e_rows[0, pl.ds(48, 16)]

        def row(r, c3):
            u0 = u_rows[r, pl.ds(0, 16)]
            u1 = u_rows[r, pl.ds(16, 16)]
            u2 = u_rows[r, pl.ds(32, 16)]
            u3 = u_rows[r, pl.ds(48, 16)]
            e0 = e_rows[r, pl.ds(0, 16)]
            e1 = e_rows[r, pl.ds(16, 16)]
            e2 = e_rows[r, pl.ds(32, 16)]
            e3 = e_rows[r, pl.ds(48, 16)]
            f0 = f_rows[r, pl.ds(0, 16)]
            f1 = f_rows[r, pl.ds(16, 16)]
            f2 = f_rows[r, pl.ds(32, 16)]
            f3 = f_rows[r, pl.ds(48, 16)]
            sl = pl.ds(r * 16, 16)
            parts[0][sl] = u0 * u0 + u1 * u1 + u2 * u2 + u3 * u3
            parts[1][sl] = e0 * e0 + e1 * e1 + e2 * e2 + e3 * e3
            parts[2][sl] = f0 * f0 + f1 * f1 + f2 * f2 + f3 * f3
            parts[3][sl] = f0 * p0 + f1 * p1 + f2 * p2 + f3 * p3
            parts[4][sl] = u0 * e0 + u1 * e1 + u2 * e2 + u3 * e3
            parts[5][sl] = u0 * f0 + u1 * f1 + u2 * f2 + u3 * f3
            return c3

        lax.fori_loop(0, _CH, row, 0, unroll=4)

    issue_gathers(0, bufs0, sg0)
    issue_gathers(1, bufs1, sg1)

    def step(ii, carry):
        ci0 = 2 * ii
        ci1 = 2 * ii + 1

        @pl.when(ii > 0)
        def _():
            wait_parts(parts0, so0)
        wait_gathers(bufs0, sg0)
        compute(bufs0, parts0)
        issue_parts(ci0, parts0, so0)

        @pl.when(ii < half - 1)
        def _():
            issue_gathers(ci0 + 2, bufs0, sg0)

        @pl.when(ii > 0)
        def _():
            wait_parts(parts1, so1)
        wait_gathers(bufs1, sg1)
        compute(bufs1, parts1)
        issue_parts(ci1, parts1, so1)

        @pl.when(ii < half - 1)
        def _():
            issue_gathers(ci1 + 2, bufs1, sg1)
        return carry

    lax.fori_loop(0, half, step, 0)
    wait_parts(parts0, so0)
    wait_parts(parts1, so1)


def _sc_dots(id_embedding, feature, uidx, iidx, fidx):
    mesh = plsc.VectorSubcoreMesh(core_axis_name="c", subcore_axis_name="s")
    vec = jax.ShapeDtypeStruct((N * 16,), jnp.float32)
    ivec = pltpu.VMEM((_PW,), jnp.int32)
    rows_ue = pltpu.VMEM((_CH, DIM_E), jnp.float32)
    rows_f = pltpu.VMEM((_CH, DIM_E), jnp.float32)
    part = pltpu.VMEM((_CH * 16,), jnp.float32)
    return pl.kernel(
        _sc_body,
        out_type=(vec, vec, vec, vec, vec, vec),
        mesh=mesh,
        scratch_types=[
            ivec, ivec, ivec,
            rows_ue, rows_ue, rows_f, rows_ue, rows_ue, rows_f,
            part, part, part, part, part, part,
            part, part, part, part, part, part,
            pltpu.SemaphoreType.DMA, pltpu.SemaphoreType.DMA,
            pltpu.SemaphoreType.DMA, pltpu.SemaphoreType.DMA,
        ],
        compiler_params=pltpu.CompilerParams(use_tc_tiling_on_sc=False,
                                             needs_layout_passes=False),
    )(id_embedding, feature, uidx, iidx, fidx)


_FGRID = 8
_FQ = (N // 8) // _FGRID
_FG = 128


def _fin_body(uu_ref, ee_ref, ff_ref, fp_ref, ue_ref, uf_ref, mp_ref,
              s1_ref, s2_ref, ru_ref, re_ref):
    step = pl.program_id(0)
    li = lax.broadcasted_iota(jnp.int32, (128, 8), 0) // 16
    ki = lax.broadcasted_iota(jnp.int32, (128, 8), 1)
    sel = (li == ki).astype(jnp.float32)
    red = lambda ref: lax.dot_general(ref[...], sel, (((1,), (0,)), ((), ())),
                                      preferred_element_type=jnp.float32)
    uu = red(uu_ref)
    ee = red(ee_ref)
    ff = red(ff_ref)
    fp = red(fp_ref)
    ue = red(ue_ref)
    uf = red(uf_ref)
    mp = mp_ref[...]
    um = ue + mp * (uf - ue)

    qi = lax.broadcasted_iota(jnp.int32, (_FG, _FQ), 1) // 16
    gi = lax.broadcasted_iota(jnp.int32, (_FG, _FQ), 0)
    gsel = (qi == gi).astype(jnp.float32)
    gsum = lambda x: jnp.sum(lax.dot_general(
        gsel, x, (((1,), (0,)), ((), ())),
        preferred_element_type=jnp.float32), axis=1)

    q0 = (lax.broadcasted_iota(jnp.int32, (_FQ, 8), 0) % 16 == 0)
    k0 = (lax.broadcasted_iota(jnp.int32, (_FQ, 8), 1) == 0)
    pm = (q0 & k0).astype(jnp.float32)

    pp = gsum(ee * pm)
    ppr = lax.dot_general(gsel, pp.reshape(_FG, 1), (((0,), (0,)), ((), ())),
                          preferred_element_type=jnp.float32)

    nf = jnp.maximum(jnp.sqrt(ff), 1e-12)
    npp = jnp.maximum(jnp.sqrt(ppr), 1e-12)
    d1 = fp / (nf * npp)
    e1 = jnp.exp(d1 * (1.0 / TEMP_VALUE))
    e2 = jnp.exp(um * (1.0 / TEMP_VALUE))

    tot1 = gsum(e1)
    tot2 = gsum(e2)
    pos1 = gsum(e1 * pm)
    pos2 = gsum(e2 * pm)
    s1_ref[step, :] = -jnp.log(pos1 / tot1) * CONTRASTIVE
    s2_ref[step, :] = -jnp.log(pos2 / tot2) * (1.0 - CONTRASTIVE)

    su = jnp.sum(jnp.sqrt(uu)).reshape(1, 1)
    se = jnp.sum(jnp.sqrt(ee)).reshape(1, 1)

    @pl.when(step == 0)
    def _():
        ru_ref[...] = jnp.zeros_like(ru_ref)
        re_ref[...] = jnp.zeros_like(re_ref)

    ru_ref[...] += su
    re_ref[...] += se


def _finalize(uu, ee, ff, fp, ue, uf, maskp):
    spec = pl.BlockSpec((_FQ, 128), lambda i: (i, 0))
    mspec = pl.BlockSpec((_FQ, 8), lambda i: (i, 0))
    return pl.pallas_call(
        _fin_body,
        grid=(_FGRID,),
        in_specs=[spec, spec, spec, spec, spec, spec, mspec],
        out_specs=[
            pl.BlockSpec((_FGRID, _FG), lambda i: (0, 0)),
            pl.BlockSpec((_FGRID, _FG), lambda i: (0, 0)),
            pl.BlockSpec((1, 1), lambda i: (0, 0)),
            pl.BlockSpec((1, 1), lambda i: (0, 0)),
        ],
        out_shape=(
            jax.ShapeDtypeStruct((_FGRID, _FG), jnp.float32),
            jax.ShapeDtypeStruct((_FGRID, _FG), jnp.float32),
            jax.ShapeDtypeStruct((1, 1), jnp.float32),
            jax.ShapeDtypeStruct((1, 1), jnp.float32),
        ),
    )(uu, ee, ff, fp, ue, uf, maskp)


def kernel(user_tensor, item_tensor, id_embedding, v_feat, W1, b1, W2, b2):
    feature = _mlp(v_feat, W1, b1, W2, b2)

    uidx = user_tensor.reshape(-1).astype(jnp.int32)
    iidx = item_tensor.reshape(-1).astype(jnp.int32)
    fidx = iidx - NUM_USER

    uu, ee, ff, fp, ue, uf = _sc_dots(id_embedding, feature, uidx, iidx, fidx)

    maskp = jnp.asarray(_MASK_NP.reshape(N // 8, 8))
    pk = (N // 8, 128)
    s1m, s2m, ru, re = _finalize(uu.reshape(pk), ee.reshape(pk), ff.reshape(pk),
                                 fp.reshape(pk), ue.reshape(pk), uf.reshape(pk),
                                 maskp)
    reg = (ru[0, 0] + re[0, 0]) / (2.0 * N)
    return (s1m.reshape(-1), s2m.reshape(-1), reg)

# --- scband reference (transcript-rebuilt; emitter-appended) ---
"""Pipeline reference for scband-clcrec-81269371174923 (READ-ONLY COPY).

The authoritative reference and input builder live on the scoring server;
editing this copy changes nothing except your own understanding.
"""

import jax, jax.numpy as jnp
import numpy as np

NUM_USER = 100000
NUM_ITEM = 100000
DIM_E = 64
DIM_FEAT = 128
NUM_NEG = 127
BATCH = 1024
TEMP_VALUE = 2.0
NUM_SAMPLE = 0.5
CONTRASTIVE = 0.5


def _normalize(x, eps=1e-12):
    # matches torch F.normalize(x, dim=1): x / max(||x||_2, eps)
    n = jnp.sqrt(jnp.sum(x * x, axis=1, keepdims=True))
    return x / jnp.maximum(n, eps)


def setup_inputs(seed: int = 0) -> dict:
    key = jax.random.key(seed)
    ks = jax.random.split(key, 8)
    user_tensor = jax.random.randint(ks[0], (BATCH, 1 + NUM_NEG), 0, NUM_USER, dtype=jnp.int64 if jax.config.jax_enable_x64 else jnp.int32)
    item_tensor = jax.random.randint(ks[1], (BATCH, 1 + NUM_NEG), 0, NUM_ITEM, dtype=jnp.int64 if jax.config.jax_enable_x64 else jnp.int32) + NUM_USER
    id_embedding = jax.random.normal(ks[2], (NUM_USER + NUM_ITEM, DIM_E), dtype=jnp.float32) * (2.0 / (NUM_USER + NUM_ITEM + DIM_E)) ** 0.5
    v_feat = jax.random.normal(ks[3], (NUM_ITEM, DIM_FEAT), dtype=jnp.float32)
    W1 = jax.random.normal(ks[4], (DIM_FEAT, 256), dtype=jnp.float32) * (2.0 / DIM_FEAT) ** 0.5
    b1 = jnp.zeros((256,), dtype=jnp.float32)
    W2 = jax.random.normal(ks[5], (256, DIM_E), dtype=jnp.float32) * (2.0 / 256.0) ** 0.5
    b2 = jnp.zeros((DIM_E,), dtype=jnp.float32)
    return {
        'user_tensor': user_tensor,
        'item_tensor': item_tensor,
        'id_embedding': id_embedding,
        'v_feat': v_feat,
        'W1': W1,
        'b1': b1,
        'W2': W2,
        'b2': b2,
    }


def reference(user_tensor, item_tensor, id_embedding, v_feat, W1, b1, W2, b2):
    # feature_extractor: v_feat normalized at init, then 2-layer MLP encoder
    feat_in = _normalize(v_feat)
    feature = jax.nn.leaky_relu(feat_in @ W1 + b1, negative_slope=0.01) @ W2 + b2

    pos_item = jnp.repeat(item_tensor[:, 0:1], 1 + NUM_NEG, axis=1).reshape(-1)
    user = user_tensor.reshape(-1)
    item = item_tensor.reshape(-1)

    all_item_feat = feature[item - NUM_USER]          # gather [B*(1+neg), dim_E]
    user_embedding = id_embedding[user]               # gather
    pos_item_embedding = id_embedding[pos_item]       # gather
    all_item_embedding = id_embedding[item]           # gather

    head_feat = _normalize(all_item_feat)
    head_embed = _normalize(pos_item_embedding)

    n = item.shape[0]
    rand_index = jax.random.randint(jax.random.key(42), (int(n * NUM_SAMPLE),), 0, n)
    all_item_input = all_item_embedding.at[rand_index].set(all_item_feat[rand_index])

    def loss_contrastive(anchor, allv):
        all_score = jnp.exp(jnp.sum(anchor * allv, axis=1) / TEMP_VALUE).reshape(-1, 1 + NUM_NEG)
        pos_score = all_score[:, 0]
        tot = jnp.sum(all_score, axis=1)
        return -jnp.log(pos_score / tot)

    sample_loss_1 = loss_contrastive(head_embed, head_feat)
    sample_loss_2 = loss_contrastive(user_embedding, all_item_input)

    reg_loss = (jnp.mean(jnp.sqrt(jnp.sum(user_embedding ** 2, axis=1))) +
                jnp.mean(jnp.sqrt(jnp.sum(all_item_embedding ** 2, axis=1)))) / 2.0

    return (sample_loss_1 * CONTRASTIVE, sample_loss_2 * (1.0 - CONTRASTIVE), reg_loss)

if __name__ == "__main__":
    import jax
    _d = setup_inputs()
    print(jax.jit(kernel)(*tuple(_d.values())))

</pallas_src>

<mosaic_0001>
#map = affine_map<(d0, d1) -> (0, 0)>
#map1 = affine_map<(d0, d1) -> (0)>
module attributes {stable_mosaic.version = 14 : i64} {
  func.func @_sc_body(%arg0: i32, %arg1: i32, %arg2: memref<200000x64xf32, #tpu.memory_space<hbm>>, %arg3: memref<100000x64xf32, #tpu.memory_space<hbm>>, %arg4: memref<131072xi32, #tpu.memory_space<hbm>>, %arg5: memref<131072xi32, #tpu.memory_space<hbm>>, %arg6: memref<131072xi32, #tpu.memory_space<hbm>>, %arg7: memref<2097152xf32, #tpu.memory_space<hbm>>, %arg8: memref<2097152xf32, #tpu.memory_space<hbm>>, %arg9: memref<2097152xf32, #tpu.memory_space<hbm>>, %arg10: memref<2097152xf32, #tpu.memory_space<hbm>>, %arg11: memref<2097152xf32, #tpu.memory_space<hbm>>, %arg12: memref<2097152xf32, #tpu.memory_space<hbm>>, %arg13: memref<4096xi32, #tpu.memory_space<vmem>>, %arg14: memref<4096xi32, #tpu.memory_space<vmem>>, %arg15: memref<4096xi32, #tpu.memory_space<vmem>>, %arg16: memref<128x64xf32, #tpu.memory_space<vmem>>, %arg17: memref<128x64xf32, #tpu.memory_space<vmem>>, %arg18: memref<128x64xf32, #tpu.memory_space<vmem>>, %arg19: memref<128x64xf32, #tpu.memory_space<vmem>>, %arg20: memref<128x64xf32, #tpu.memory_space<vmem>>, %arg21: memref<128x64xf32, #tpu.memory_space<vmem>>, %arg22: memref<2048xf32, #tpu.memory_space<vmem>>, %arg23: memref<2048xf32, #tpu.memory_space<vmem>>, %arg24: memref<2048xf32, #tpu.memory_space<vmem>>, %arg25: memref<2048xf32, #tpu.memory_space<vmem>>, %arg26: memref<2048xf32, #tpu.memory_space<vmem>>, %arg27: memref<2048xf32, #tpu.memory_space<vmem>>, %arg28: memref<2048xf32, #tpu.memory_space<vmem>>, %arg29: memref<2048xf32, #tpu.memory_space<vmem>>, %arg30: memref<2048xf32, #tpu.memory_space<vmem>>, %arg31: memref<2048xf32, #tpu.memory_space<vmem>>, %arg32: memref<2048xf32, #tpu.memory_space<vmem>>, %arg33: memref<2048xf32, #tpu.memory_space<vmem>>, %arg34: memref<!tpu.dma_semaphore, #tpu.memory_space<semaphore_mem>>, %arg35: memref<!tpu.dma_semaphore, #tpu.memory_space<semaphore_mem>>, %arg36: memref<!tpu.dma_semaphore, #tpu.memory_space<semaphore_mem>>, %arg37: memref<!tpu.dma_semaphore, #tpu.memory_space<semaphore_mem>>) attributes {dimension_semantics = [#tpu.dimension_semantics<core_parallel>, #tpu.dimension_semantics<subcore_parallel>], iteration_bounds = array<i64: 2, 16>, scalar_prefetch = 0 : i64, scratch_operands = 25 : i64, tpu.core_type = #tpu.core_type<sc_vector_subcore>, window_params = [{transform_indices = #map}, {transform_indices = #map}, {transform_indices = #map1}, {transform_indices = #map1}, {transform_indices = #map1}, {transform_indices = #map1}, {transform_indices = #map1}, {transform_indices = #map1}, {transform_indices = #map1}, {transform_indices = #map1}, {transform_indices = #map1}]} {
    %mul3A = arith.constant 2 : i32
    %mul3A_0 = arith.muli %arg1, %mul3A : i32
    %add3A = arith.addi %mul3A_0, %arg0 : i32
    %mul3A_1 = arith.constant 4096 : i32
    %mul3A_2 = arith.muli %add3A, %mul3A_1 : i32
    "tpu.region"() ({
      %run_scoped3A = tpu.sem_alloc : memref<!tpu.dma_semaphore, #tpu.memory_space<semaphore_mem>>
      %dma_start3A_84 = tpu.memref_slice %arg4[%mul3A_2] : memref<131072xi32, #tpu.memory_space<hbm>> -> memref<4096xi32, #tpu.memory_space<hbm>>
      %dma_start3A_85 = tpu.memref_slice %arg4[%mul3A_2] : memref<131072xi32, #tpu.memory_space<hbm>> -> memref<4096xi32, #tpu.memory_space<hbm>>
      tpu.enqueue_dma source(%dma_start3A_85 : memref<4096xi32, #tpu.memory_space<hbm>>) target(%arg13 : memref<4096xi32, #tpu.memory_space<vmem>>) target_semaphore(%run_scoped3A : memref<!tpu.dma_semaphore, #tpu.memory_space<semaphore_mem>>)
      %dma_wait3A_86 = tpu.memref_slice %arg4[%mul3A_2] : memref<131072xi32, #tpu.memory_space<hbm>> -> memref<4096xi32, #tpu.memory_space<hbm>>
      %dma_wait3A_87 = tpu.memref_slice %arg4[%mul3A_2] : memref<131072xi32, #tpu.memory_space<hbm>> -> memref<4096xi32, #tpu.memory_space<hbm>>
      tpu.wait_dma2 semaphore(%run_scoped3A : memref<!tpu.dma_semaphore, #tpu.memory_space<semaphore_mem>>) src(%dma_wait3A_87 : memref<4096xi32, #tpu.memory_space<hbm>>) dst(%arg13 : memref<4096xi32, #tpu.memory_space<vmem>>)
      tpu.yield
    }) : () -> ()
    "tpu.region"() ({
      %run_scoped3A = tpu.sem_alloc : memref<!tpu.dma_semaphore, #tpu.memory_space<semaphore_mem>>
      %dma_start3A_84 = tpu.memref_slice %arg5[%mul3A_2] : memref<131072xi32, #tpu.memory_space<hbm>> -> memref<4096xi32, #tpu.memory_space<hbm>>
      %dma_start3A_85 = tpu.memref_slice %arg5[%mul3A_2] : memref<131072xi32, #tpu.memory_space<hbm>> -> memref<4096xi32, #tpu.memory_space<hbm>>
      tpu.enqueue_dma source(%dma_start3A_85 : memref<4096xi32, #tpu.memory_space<hbm>>) target(%arg14 : memref<4096xi32, #tpu.memory_space<vmem>>) target_semaphore(%run_scoped3A : memref<!tpu.dma_semaphore, #tpu.memory_space<semaphore_mem>>)
      %dma_wait3A_86 = tpu.memref_slice %arg5[%mul3A_2] : memref<131072xi32, #tpu.memory_space<hbm>> -> memref<4096xi32, #tpu.memory_space<hbm>>
      %dma_wait3A_87 = tpu.memref_slice %arg5[%mul3A_2] : memref<131072xi32, #tpu.memory_space<hbm>> -> memref<4096xi32, #tpu.memory_space<hbm>>
      tpu.wait_dma2 semaphore(%run_scoped3A : memref<!tpu.dma_semaphore, #tpu.memory_space<semaphore_mem>>) src(%dma_wait3A_87 : memref<4096xi32, #tpu.memory_space<hbm>>) dst(%arg14 : memref<4096xi32, #tpu.memory_space<vmem>>)
      tpu.yield
    }) : () -> ()
    "tpu.region"() ({
      %run_scoped3A = tpu.sem_alloc : memref<!tpu.dma_semaphore, #tpu.memory_space<semaphore_mem>>
      %dma_start3A_84 = tpu.memref_slice %arg6[%mul3A_2] : memref<131072xi32, #tpu.memory_space<hbm>> -> memref<4096xi32, #tpu.memory_space<hbm>>
      %dma_start3A_85 = tpu.memref_slice %arg6[%mul3A_2] : memref<131072xi32, #tpu.memory_space<hbm>> -> memref<4096xi32, #tpu.memory_space<hbm>>
      tpu.enqueue_dma source(%dma_start3A_85 : memref<4096xi32, #tpu.memory_space<hbm>>) target(%arg15 : memref<4096xi32, #tpu.memory_space<vmem>>) target_semaphore(%run_scoped3A : memref<!tpu.dma_semaphore, #tpu.memory_space<semaphore_mem>>)
      %dma_wait3A_86 = tpu.memref_slice %arg6[%mul3A_2] : memref<131072xi32, #tpu.memory_space<hbm>> -> memref<4096xi32, #tpu.memory_space<hbm>>
      %dma_wait3A_87 = tpu.memref_slice %arg6[%mul3A_2] : memref<131072xi32, #tpu.memory_space<hbm>> -> memref<4096xi32, #tpu.memory_space<hbm>>
      tpu.wait_dma2 semaphore(%run_scoped3A : memref<!tpu.dma_semaphore, #tpu.memory_space<semaphore_mem>>) src(%dma_wait3A_87 : memref<4096xi32, #tpu.memory_space<hbm>>) dst(%arg15 : memref<4096xi32, #tpu.memory_space<vmem>>)
      tpu.yield
    }) : () -> ()
    %dma_start3A = arith.constant 0 : i32
    %dma_start3A_3 = tpu.memref_slice %arg13[%dma_start3A] : memref<4096xi32, #tpu.memory_space<vmem>> -> memref<128xi32, #tpu.memory_space<vmem>>
    %dma_start3A_4 = arith.constant 0 : i32
    %dma_start3A_5 = arith.constant 0 : i32
    %dma_start3A_6 = tpu.memref_slice %arg2[%dma_start3A_4, %dma_start3A_5] : memref<200000x64xf32, #tpu.memory_space<hbm>> -> memref<200000x64xf32, #tpu.memory_space<hbm>>
    tpu.enqueue_indirect_dma source(%dma_start3A_6 : memref<200000x64xf32, #tpu.memory_space<hbm>>) target(%arg16 : memref<128x64xf32, #tpu.memory_space<vmem>>) offsets(%dma_start3A_3 : memref<128xi32, #tpu.memory_space<vmem>>) semaphore(%arg34 : memref<!tpu.dma_semaphore, #tpu.memory_space<semaphore_mem>>)
    %dma_start3A_7 = arith.constant 0 : i32
    %dma_start3A_8 = tpu.memref_slice %arg14[%dma_start3A_7] : memref<4096xi32, #tpu.memory_space<vmem>> -> memref<128xi32, #tpu.memory_space<vmem>>
    %dma_start3A_9 = arith.constant 0 : i32
    %dma_start3A_10 = arith.constant 0 : i32
    %dma_start3A_11 = tpu.memref_slice %arg2[%dma_start3A_9, %dma_start3A_10] : memref<200000x64xf32, #tpu.memory_space<hbm>> -> memref<200000x64xf32, #tpu.memory_space<hbm>>
    tpu.enqueue_indirect_dma source(%dma_start3A_11 : memref<200000x64xf32, #tpu.memory_space<hbm>>) target(%arg17 : memref<128x64xf32, #tpu.memory_space<vmem>>) offsets(%dma_start3A_8 : memref<128xi32, #tpu.memory_space<vmem>>) semaphore(%arg34 : memref<!tpu.dma_semaphore, #tpu.memory_space<semaphore_mem>>)
    %dma_start3A_12 = arith.constant 0 : i32
    %dma_start3A_13 = tpu.memref_slice %arg15[%dma_start3A_12] : memref<4096xi32, #tpu.memory_space<vmem>> -> memref<128xi32, #tpu.memory_space<vmem>>
    %dma_start3A_14 = arith.constant 0 : i32
    %dma_start3A_15 = arith.constant 0 : i32
    %dma_start3A_16 = tpu.memref_slice %arg3[%dma_start3A_14, %dma_start3A_15] : memref<100000x64xf32, #tpu.memory_space<hbm>> -> memref<100000x64xf32, #tpu.memory_space<hbm>>
    tpu.enqueue_indirect_dma source(%dma_start3A_16 : memref<100000x64xf32, #tpu.memory_space<hbm>>) target(%arg18 : memref<128x64xf32, #tpu.memory_space<vmem>>) offsets(%dma_start3A_13 : memref<128xi32, #tpu.memory_space<vmem>>) semaphore(%arg34 : memref<!tpu.dma_semaphore, #tpu.memory_space<semaphore_mem>>)
    %dma_start3A_17 = arith.constant 128 : i32
    %dma_start3A_18 = tpu.memref_slice %arg13[%dma_start3A_17] : memref<4096xi32, #tpu.memory_space<vmem>> -> memref<128xi32, #tpu.memory_space<vmem>>
    %dma_start3A_19 = arith.constant 0 : i32
    %dma_start3A_20 = arith.constant 0 : i32
    %dma_start3A_21 = tpu.memref_slice %arg2[%dma_start3A_19, %dma_start3A_20] : memref<200000x64xf32, #tpu.memory_space<hbm>> -> memref<200000x64xf32, #tpu.memory_space<hbm>>
    tpu.enqueue_indirect_dma source(%dma_start3A_21 : memref<200000x64xf32, #tpu.memory_space<hbm>>) target(%arg19 : memref<128x64xf32, #tpu.memory_space<vmem>>) offsets(%dma_start3A_18 : memref<128xi32, #tpu.memory_space<vmem>>) semaphore(%arg35 : memref<!tpu.dma_semaphore, #tpu.memory_space<semaphore_mem>>)
    %dma_start3A_22 = arith.constant 128 : i32
    %dma_start3A_23 = tpu.memref_slice %arg14[%dma_start3A_22] : memref<4096xi32, #tpu.memory_space<vmem>> -> memref<128xi32, #tpu.memory_space<vmem>>
    %dma_start3A_24 = arith.constant 0 : i32
    %dma_start3A_25 = arith.constant 0 : i32
    %dma_start3A_26 = tpu.memref_slice %arg2[%dma_start3A_24, %dma_start3A_25] : memref<200000x64xf32, #tpu.memory_space<hbm>> -> memref<200000x64xf32, #tpu.memory_space<hbm>>
    tpu.enqueue_indirect_dma source(%dma_start3A_26 : memref<200000x64xf32, #tpu.memory_space<hbm>>) target(%arg20 : memref<128x64xf32, #tpu.memory_space<vmem>>) offsets(%dma_start3A_23 : memref<128xi32, #tpu.memory_space<vmem>>) semaphore(%arg35 : memref<!tpu.dma_semaphore, #tpu.memory_space<semaphore_mem>>)
    %dma_start3A_27 = arith.constant 128 : i32
    %dma_start3A_28 = tpu.memref_slice %arg15[%dma_start3A_27] : memref<4096xi32, #tpu.memory_space<vmem>> -> memref<128xi32, #tpu.memory_space<vmem>>
    %dma_start3A_29 = arith.constant 0 : i32
    %dma_start3A_30 = arith.constant 0 : i32
    %dma_start3A_31 = tpu.memref_slice %arg3[%dma_start3A_29, %dma_start3A_30] : memref<100000x64xf32, #tpu.memory_space<hbm>> -> memref<100000x64xf32, #tpu.memory_space<hbm>>
    tpu.enqueue_indirect_dma source(%dma_start3A_31 : memref<100000x64xf32, #tpu.memory_space<hbm>>) target(%arg21 : memref<128x64xf32, #tpu.memory_space<vmem>>) offsets(%dma_start3A_28 : memref<128xi32, #tpu.memory_space<vmem>>) semaphore(%arg35 : memref<!tpu.dma_semaphore, #tpu.memory_space<semaphore_mem>>)
    %scan3A = arith.constant 0 : i32
    %scan3A_32 = arith.constant 0 : i32
    %scan3A_33 = arith.constant 16 : i32
    %scan3A_34 = arith.addi %scan3A_32, %scan3A_33 : i32
    %scan3A_35 = arith.constant 1 : i32
    scf.for %scan3A_84 = %scan3A_32 to %scan3A_34 step %scan3A_35  : i32 {
      %mul3A_85 = arith.constant 2 : i32
      %mul3A_86 = arith.muli %mul3A_85, %scan3A_84 : i32
      %mul3A_87 = arith.constant 2 : i32
      %mul3A_88 = arith.muli %mul3A_87, %scan3A_84 : i32
      %add3A_89 = arith.constant 1 : i32
      %add3A_90 = arith.addi %mul3A_88, %add3A_89 : i32
      %gt3A = arith.constant 0 : i32
      %gt3A_91 = arith.cmpi sgt, %scan3A_84, %gt3A : i32
      %convert_element_type3A = arith.extui %gt3A_91 : i1 to i32
      %cond3A = arith.constant 0 : i32
      %cond3A_92 = arith.cmpi ne, %convert_element_type3A, %cond3A : i32
      scf.if %cond3A_92 {
        %dma_wait3A_220 = arith.constant 0 : i32
        %dma_wait3A_221 = tpu.memref_slice %arg7[%dma_wait3A_220] : memref<2097152xf32, #tpu.memory_space<hbm>> -> memref<2048xf32, #tpu.memory_space<hbm>>
        %dma_wait3A_222 = arith.constant 0 : i32
        %dma_wait3A_223 = tpu.memref_slice %arg7[%dma_wait3A_222] : memref<2097152xf32, #tpu.memory_space<hbm>> -> memref<2048xf32, #tpu.memory_space<hbm>>
        tpu.wait_dma2 semaphore(%arg36 : memref<!tpu.dma_semaphore, #tpu.memory_space<semaphore_mem>>) src(%dma_wait3A_223 : memref<2048xf32, #tpu.memory_space<hbm>>) dst(%arg22 : memref<2048xf32, #tpu.memory_space<vmem>>)
        %dma_wait3A_224 = arith.constant 0 : i32
        %dma_wait3A_225 = tpu.memref_slice %arg8[%dma_wait3A_224] : memref<2097152xf32, #tpu.memory_space<hbm>> -> memref<2048xf32, #tpu.memory_space<hbm>>
        %dma_wait3A_226 = arith.constant 0 : i32
        %dma_wait3A_227 = tpu.memref_slice %arg8[%dma_wait3A_226] : memref<2097152xf32, #tpu.memory_space<hbm>> -> memref<2048xf32, #tpu.memory_space<hbm>>
        tpu.wait_dma2 semaphore(%arg36 : memref<!tpu.dma_semaphore, #tpu.memory_space<semaphore_mem>>) src(%dma_wait3A_227 : memref<2048xf32, #tpu.memory_space<hbm>>) dst(%arg23 : memref<2048xf32, #tpu.memory_space<vmem>>)
        %dma_wait3A_228 = arith.constant 0 : i32
        %dma_wait3A_229 = tpu.memref_slice %arg9[%dma_wait3A_228] : memref<2097152xf32, #tpu.memory_space<hbm>> -> memref<2048xf32, #tpu.memory_space<hbm>>
        %dma_wait3A_230 = arith.constant 0 : i32
        %dma_wait3A_231 = tpu.memref_slice %arg9[%dma_wait3A_230] : memref<2097152xf32, #tpu.memory_space<hbm>> -> memref<2048xf32, #tpu.memory_space<hbm>>
        tpu.wait_dma2 semaphore(%arg36 : memref<!tpu.dma_semaphore, #tpu.memory_space<semaphore_mem>>) src(%dma_wait3A_231 : memref<2048xf32, #tpu.memory_space<hbm>>) dst(%arg24 : memref<2048xf32, #tpu.memory_space<vmem>>)
        %dma_wait3A_232 = arith.constant 0 : i32
        %dma_wait3A_233 = tpu.memref_slice %arg10[%dma_wait3A_232] : memref<2097152xf32, #tpu.memory_space<hbm>> -> memref<2048xf32, #tpu.memory_space<hbm>>
        %dma_wait3A_234 = arith.constant 0 : i32
        %dma_wait3A_235 = tpu.memref_slice %arg10[%dma_wait3A_234] : memref<2097152xf32, #tpu.memory_space<hbm>> -> memref<2048xf32, #tpu.memory_space<hbm>>
        tpu.wait_dma2 semaphore(%arg36 : memref<!tpu.dma_semaphore, #tpu.memory_space<semaphore_mem>>) src(%dma_wait3A_235 : memref<2048xf32, #tpu.memory_space<hbm>>) dst(%arg25 : memref<2048xf32, #tpu.memory_space<vmem>>)
        %dma_wait3A_236 = arith.constant 0 : i32
        %dma_wait3A_237 = tpu.memref_slice %arg11[%dma_wait3A_236] : memref<2097152xf32, #tpu.memory_space<hbm>> -> memref<2048xf32, #tpu.memory_space<hbm>>
        %dma_wait3A_238 = arith.constant 0 : i32
        %dma_wait3A_239 = tpu.memref_slice %arg11[%dma_wait3A_238] : memref<2097152xf32, #tpu.memory_space<hbm>> -> memref<2048xf32, #tpu.memory_space<hbm>>
        tpu.wait_dma2 semaphore(%arg36 : memref<!tpu.dma_semaphore, #tpu.memory_space<semaphore_mem>>) src(%dma_wait3A_239 : memref<2048xf32, #tpu.memory_space<hbm>>) dst(%arg26 : memref<2048xf32, #tpu.memory_space<vmem>>)
        %dma_wait3A_240 = arith.constant 0 : i32
        %dma_wait3A_241 = tpu.memref_slice %arg12[%dma_wait3A_240] : memref<2097152xf32, #tpu.memory_space<hbm>> -> memref<2048xf32, #tpu.memory_space<hbm>>
        %dma_wait3A_242 = arith.constant 0 : i32
        %dma_wait3A_243 = tpu.memref_slice %arg12[%dma_wait3A_242] : memref<2097152xf32, #tpu.memory_space<hbm>> -> memref<2048xf32, #tpu.memory_space<hbm>>
        tpu.wait_dma2 semaphore(%arg36 : memref<!tpu.dma_semaphore, #tpu.memory_space<semaphore_mem>>) src(%dma_wait3A_243 : memref<2048xf32, #tpu.memory_space<hbm>>) dst(%arg27 : memref<2048xf32, #tpu.memory_space<vmem>>)
      } else {
      }
      %dma_wait3A_93 = arith.constant 0 : i32
      %dma_wait3A_94 = arith.constant 0 : i32
      %dma_wait3A_95 = tpu.memref_slice %arg2[%dma_wait3A_93, %dma_wait3A_94] : memref<200000x64xf32, #tpu.memory_space<hbm>> -> memref<128x64xf32, #tpu.memory_space<hbm>>
      %dma_wait3A_96 = arith.constant 0 : i32
      %dma_wait3A_97 = arith.constant 0 : i32
      %dma_wait3A_98 = tpu.memref_slice %arg2[%dma_wait3A_96, %dma_wait3A_97] : memref<200000x64xf32, #tpu.memory_space<hbm>> -> memref<128x64xf32, #tpu.memory_space<hbm>>
      tpu.wait_dma2 semaphore(%arg34 : memref<!tpu.dma_semaphore, #tpu.memory_space<semaphore_mem>>) src(%dma_wait3A_98 : memref<128x64xf32, #tpu.memory_space<hbm>>) dst(%arg16 : memref<128x64xf32, #tpu.memory_space<vmem>>)
      %dma_wait3A_99 = arith.constant 0 : i32
      %dma_wait3A_100 = arith.constant 0 : i32
      %dma_wait3A_101 = tpu.memref_slice %arg2[%dma_wait3A_99, %dma_wait3A_100] : memref<200000x64xf32, #tpu.memory_space<hbm>> -> memref<128x64xf32, #tpu.memory_space<hbm>>
      %dma_wait3A_102 = arith.constant 0 : i32
      %dma_wait3A_103 = arith.constant 0 : i32
      %dma_wait3A_104 = tpu.memref_slice %arg2[%dma_wait3A_102, %dma_wait3A_103] : memref<200000x64xf32, #tpu.memory_space<hbm>> -> memref<128x64xf32, #tpu.memory_space<hbm>>
      tpu.wait_dma2 semaphore(%arg34 : memref<!tpu.dma_semaphore, #tpu.memory_space<semaphore_mem>>) src(%dma_wait3A_104 : memref<128x64xf32, #tpu.memory_space<hbm>>) dst(%arg17 : memref<128x64xf32, #tpu.memory_space<vmem>>)
      %dma_wait3A_105 = arith.constant 0 : i32
      %dma_wait3A_106 = arith.constant 0 : i32
      %dma_wait3A_107 = tpu.memref_slice %arg3[%dma_wait3A_105, %dma_wait3A_106] : memref<100000x64xf32, #tpu.memory_space<hbm>> -> memref<128x64xf32, #tpu.memory_space<hbm>>
      %dma_wait3A_108 = arith.constant 0 : i32
      %dma_wait3A_109 = arith.constant 0 : i32
      %dma_wait3A_110 = tpu.memref_slice %arg3[%dma_wait3A_108, %dma_wait3A_109] : memref<100000x64xf32, #tpu.memory_space<hbm>> -> memref<128x64xf32, #tpu.memory_space<hbm>>
      tpu.wait_dma2 semaphore(%arg34 : memref<!tpu.dma_semaphore, #tpu.memory_space<semaphore_mem>>) src(%dma_wait3A_110 : memref<128x64xf32, #tpu.memory_space<hbm>>) dst(%arg18 : memref<128x64xf32, #tpu.memory_space<vmem>>)
      %get3A = arith.constant 0 : i32
      %get3A_111 = arith.index_cast %get3A : i32 to index
      %get3A_112 = arith.constant 0 : index
      %get3A_113 = tpu.vector_load %arg17[%get3A_111, %get3A_112] {strides = array<i32>} : memref<128x64xf32, #tpu.memory_space<vmem>>, vector<16xf32>,
      %get3A_114 = arith.constant 0 : i32
      %get3A_115 = arith.index_cast %get3A_114 : i32 to index
      %get3A_116 = arith.constant 16 : index
      %get3A_117 = tpu.vector_load %arg17[%get3A_115, %get3A_116] {strides = array<i32>} : memref<128x64xf32, #tpu.memory_space<vmem>>, vector<16xf32>,
      %get3A_118 = arith.constant 0 : i32
      %get3A_119 = arith.index_cast %get3A_118 : i32 to index
      %get3A_120 = arith.constant 32 : index
      %get3A_121 = tpu.vector_load %arg17[%get3A_119, %get3A_120] {strides = array<i32>} : memref<128x64xf32, #tpu.memory_space<vmem>>, vector<16xf32>,
      %get3A_122 = arith.constant 0 : i32
      %get3A_123 = arith.index_cast %get3A_122 : i32 to index
      %get3A_124 = arith.constant 48 : index
      %get3A_125 = tpu.vector_load %arg17[%get3A_123, %get3A_124] {strides = array<i32>} : memref<128x64xf32, #tpu.memory_space<vmem>>, vector<16xf32>,
      %scan3A_126 = arith.constant 0 : i32
      %scan3A_127 = arith.constant 0 : i32
      %scan3A_128 = arith.constant 128 : i32
      %scan3A_129 = arith.addi %scan3A_127, %scan3A_128 : i32
      %scan3A_130 = arith.constant 4 : i32
      scf.for %scan3A_220 = %scan3A_127 to %scan3A_129 step %scan3A_130  : i32 {
        %get3A_221 = arith.index_cast %scan3A_220 : i32 to index
        %get3A_222 = arith.constant 0 : index
        %get3A_223 = tpu.vector_load %arg16[%get3A_221, %get3A_222] {strides = array<i32>} : memref<128x64xf32, #tpu.memory_space<vmem>>, vector<16xf32>,
        %get3A_224 = arith.index_cast %scan3A_220 : i32 to index
        %get3A_225 = arith.constant 16 : index
        %get3A_226 = tpu.vector_load %arg16[%get3A_224, %get3A_225] {strides = array<i32>} : memref<128x64xf32, #tpu.memory_space<vmem>>, vector<16xf32>,
        %get3A_227 = arith.index_cast %scan3A_220 : i32 to index
        %get3A_228 = arith.constant 32 : index
        %get3A_229 = tpu.vector_load %arg16[%get3A_227, %get3A_228] {strides = array<i32>} : memref<128x64xf32, #tpu.memory_space<vmem>>, vector<16xf32>,
        %get3A_230 = arith.index_cast %scan3A_220 : i32 to index
        %get3A_231 = arith.constant 48 : index
        %get3A_232 = tpu.vector_load %arg16[%get3A_230, %get3A_231] {strides = array<i32>} : memref<128x64xf32, #tpu.memory_space<vmem>>, vector<16xf32>,
        %get3A_233 = arith.index_cast %scan3A_220 : i32 to index
        %get3A_234 = arith.constant 0 : index
        %get3A_235 = tpu.vector_load %arg17[%get3A_233, %get3A_234] {strides = array<i32>} : memref<128x64xf32, #tpu.memory_space<vmem>>, vector<16xf32>,
        %get3A_236 = arith.index_cast %scan3A_220 : i32 to index
        %get3A_237 = arith.constant 16 : index
        %get3A_238 = tpu.vector_load %arg17[%get3A_236, %get3A_237] {strides = array<i32>} : memref<128x64xf32, #tpu.memory_space<vmem>>, vector<16xf32>,
        %get3A_239 = arith.index_cast %scan3A_220 : i32 to index
        %get3A_240 = arith.constant 32 : index
        %get3A_241 = tpu.vector_load %arg17[%get3A_239, %get3A_240] {strides = array<i32>} : memref<128x64xf32, #tpu.memory_space<vmem>>, vector<16xf32>,
        %get3A_242 = arith.index_cast %scan3A_220 : i32 to index
        %get3A_243 = arith.constant 48 : index
        %get3A_244 = tpu.vector_load %arg17[%get3A_242, %get3A_243] {strides = array<i32>} : memref<128x64xf32, #tpu.memory_space<vmem>>, vector<16xf32>,
        %get3A_245 = arith.index_cast %scan3A_220 : i32 to index
        %get3A_246 = arith.constant 0 : index
        %get3A_247 = tpu.vector_load %arg18[%get3A_245, %get3A_246] {strides = array<i32>} : memref<128x64xf32, #tpu.memory_space<vmem>>, vector<16xf32>,
        %get3A_248 = arith.index_cast %scan3A_220 : i32 to index
        %get3A_249 = arith.constant 16 : index
        %get3A_250 = tpu.vector_load %arg18[%get3A_248, %get3A_249] {strides = array<i32>} : memref<128x64xf32, #tpu.memory_space<vmem>>, vector<16xf32>,
        %get3A_251 = arith.index_cast %scan3A_220 : i32 to index
        %get3A_252 = arith.constant 32 : index
        %get3A_253 = tpu.vector_load %arg18[%get3A_251, %get3A_252] {strides = array<i32>} : memref<128x64xf32, #tpu.memory_space<vmem>>, vector<16xf32>,
        %get3A_254 = arith.index_cast %scan3A_220 : i32 to index
        %get3A_255 = arith.constant 48 : index
        %get3A_256 = tpu.vector_load %arg18[%get3A_254, %get3A_255] {strides = array<i32>} : memref<128x64xf32, #tpu.memory_space<vmem>>, vector<16xf32>,
        %mul3A_257 = arith.constant 16 : i32
        %mul3A_258 = arith.muli %scan3A_220, %mul3A_257 : i32
        %mul3A_259 = arith.mulf %get3A_223, %get3A_223 : vector<16xf32>
        %mul3A_260 = arith.mulf %get3A_226, %get3A_226 : vector<16xf32>
        %add3A_261 = arith.addf %mul3A_259, %mul3A_260 : vector<16xf32>
        %mul3A_262 = arith.mulf %get3A_229, %get3A_229 : vector<16xf32>
        %add3A_263 = arith.addf %add3A_261, %mul3A_262 : vector<16xf32>
        %mul3A_264 = arith.mulf %get3A_232, %get3A_232 : vector<16xf32>
        %add3A_265 = arith.addf %add3A_263, %mul3A_264 : vector<16xf32>
        %swap3A = arith.index_cast %mul3A_258 : i32 to index
        %swap3A_266 = tpu.vector_load %arg22[%swap3A] {strides = array<i32>} : memref<2048xf32, #tpu.memory_space<vmem>>, vector<16xf32>,
        tpu.vector_store %arg22[%swap3A], %add3A_265 {strides = array<i32>} : memref<2048xf32, #tpu.memory_space<vmem>>, vector<16xf32>,
        %mul3A_267 = arith.mulf %get3A_235, %get3A_235 : vector<16xf32>
        %mul3A_268 = arith.mulf %get3A_238, %get3A_238 : vector<16xf32>
        %add3A_269 = arith.addf %mul3A_267, %mul3A_268 : vector<16xf32>
        %mul3A_270 = arith.mulf %get3A_241, %get3A_241 : vector<16xf32>
        %add3A_271 = arith.addf %add3A_269, %mul3A_270 : vector<16xf32>
        %mul3A_272 = arith.mulf %get3A_244, %get3A_244 : vector<16xf32>
        %add3A_273 = arith.addf %add3A_271, %mul3A_272 : vector<16xf32>
        %swap3A_274 = arith.index_cast %mul3A_258 : i32 to index
        %swap3A_275 = tpu.vector_load %arg23[%swap3A_274] {strides = array<i32>} : memref<2048xf32, #tpu.memory_space<vmem>>, vector<16xf32>,
        tpu.vector_store %arg23[%swap3A_274], %add3A_273 {strides = array<i32>} : memref<2048xf32, #tpu.memory_space<vmem>>, vector<16xf32>,
        %mul3A_276 = arith.mulf %get3A_247, %get3A_247 : vector<16xf32>
        %mul3A_277 = arith.mulf %get3A_250, %get3A_250 : vector<16xf32>
        %add3A_278 = arith.addf %mul3A_276, %mul3A_277 : vector<16xf32>
        %mul3A_279 = arith.mulf %get3A_253, %get3A_253 : vector<16xf32>
        %add3A_280 = arith.addf %add3A_278, %mul3A_279 : vector<16xf32>
        %mul3A_281 = arith.mulf %get3A_256, %get3A_256 : vector<16xf32>
        %add3A_282 = arith.addf %add3A_280, %mul3A_281 : vector<16xf32>
        %swap3A_283 = arith.index_cast %mul3A_258 : i32 to index
        %swap3A_284 = tpu.vector_load %arg24[%swap3A_283] {strides = array<i32>} : memref<2048xf32, #tpu.memory_space<vmem>>, vector<16xf32>,
        tpu.vector_store %arg24[%swap3A_283], %add3A_282 {strides = array<i32>} : memref<2048xf32, #tpu.memory_space<vmem>>, vector<16xf32>,
        %mul3A_285 = arith.mulf %get3A_247, %get3A_113 : vector<16xf32>
        %mul3A_286 = arith.mulf %get3A_250, %get3A_117 : vector<16xf32>
        %add3A_287 = arith.addf %mul3A_285, %mul3A_286 : vector<16xf32>
        %mul3A_288 = arith.mulf %get3A_253, %get3A_121 : vector<16xf32>
        %add3A_289 = arith.addf %add3A_287, %mul3A_288 : vector<16xf32>
        %mul3A_290 = arith.mulf %get3A_256, %get3A_125 : vector<16xf32>
        %add3A_291 = arith.addf %add3A_289, %mul3A_290 : vector<16xf32>
        %swap3A_292 = arith.index_cast %mul3A_258 : i32 to index
        %swap3A_293 = tpu.vector_load %arg25[%swap3A_292] {strides = array<i32>} : memref<2048xf32, #tpu.memory_space<vmem>>, vector<16xf32>,
        tpu.vector_store %arg25[%swap3A_292], %add3A_291 {strides = array<i32>} : memref<2048xf32, #tpu.memory_space<vmem>>, vector<16xf32>,
        %mul3A_294 = arith.mulf %get3A_223, %get3A_235 : vector<16xf32>
        %mul3A_295 = arith.mulf %get3A_226, %get3A_238 : vector<16xf32>
        %add3A_296 = arith.addf %mul3A_294, %mul3A_295 : vector<16xf32>
        %mul3A_297 = arith.mulf %get3A_229, %get3A_241 : vector<16xf32>
        %add3A_298 = arith.addf %add3A_296, %mul3A_297 : vector<16xf32>
        %mul3A_299 = arith.mulf %get3A_232, %get3A_244 : vector<16xf32>
        %add3A_300 = arith.addf %add3A_298, %mul3A_299 : vector<16xf32>
        %swap3A_301 = arith.index_cast %mul3A_258 : i32 to index
        %swap3A_302 = tpu.vector_load %arg26[%swap3A_301] {strides = array<i32>} : memref<2048xf32, #tpu.memory_space<vmem>>, vector<16xf32>,
        tpu.vector_store %arg26[%swap3A_301], %add3A_300 {strides = array<i32>} : memref<2048xf32, #tpu.memory_space<vmem>>, vector<16xf32>,
        %mul3A_303 = arith.mulf %get3A_223, %get3A_247 : vector<16xf32>
        %mul3A_304 = arith.mulf %get3A_226, %get3A_250 : vector<16xf32>
        %add3A_305 = arith.addf %mul3A_303, %mul3A_304 : vector<16xf32>
        %mul3A_306 = arith.mulf %get3A_229, %get3A_253 : vector<16xf32>
        %add3A_307 = arith.addf %add3A_305, %mul3A_306 : vector<16xf32>
        %mul3A_308 = arith.mulf %get3A_232, %get3A_256 : vector<16xf32>
        %add3A_309 = arith.addf %add3A_307, %mul3A_308 : vector<16xf32>
        %swap3A_310 = arith.index_cast %mul3A_258 : i32 to index
        %swap3A_311 = tpu.vector_load %arg27[%swap3A_310] {strides = array<i32>} : memref<2048xf32, #tpu.memory_space<vmem>>, vector<16xf32>,
        tpu.vector_store %arg27[%swap3A_310], %add3A_309 {strides = array<i32>} : memref<2048xf32, #tpu.memory_space<vmem>>, vector<16xf32>,
        %scan3A_312 = arith.constant 1 : i32
        %scan3A_313 = arith.addi %scan3A_220, %scan3A_312 : i32
        %get3A_314 = arith.index_cast %scan3A_313 : i32 to index
        %get3A_315 = arith.constant 0 : index
        %get3A_316 = tpu.vector_load %arg16[%get3A_314, %get3A_315] {strides = array<i32>} : memref<128x64xf32, #tpu.memory_space<vmem>>, vector<16xf32>,
        %get3A_317 = arith.index_cast %scan3A_313 : i32 to index
        %get3A_318 = arith.constant 16 : index
        %get3A_319 = tpu.vector_load %arg16[%get3A_317, %get3A_318] {strides = array<i32>} : memref<128x64xf32, #tpu.memory_space<vmem>>, vector<16xf32>,
        %get3A_320 = arith.index_cast %scan3A_313 : i32 to index
        %get3A_321 = arith.constant 32 : index
        %get3A_322 = tpu.vector_load %arg16[%get3A_320, %get3A_321] {strides = array<i32>} : memref<128x64xf32, #tpu.memory_space<vmem>>, vector<16xf32>,
        %get3A_323 = arith.index_cast %scan3A_313 : i32 to index
        %get3A_324 = arith.constant 48 : index
        %get3A_325 = tpu.vector_load %arg16[%get3A_323, %get3A_324] {strides = array<i32>} : memref<128x64xf32, #tpu.memory_space<vmem>>, vector<16xf32>,
        %get3A_326 = arith.index_cast %scan3A_313 : i32 to index
        %get3A_327 = arith.constant 0 : index
        %get3A_328 = tpu.vector_load %arg17[%get3A_326, %get3A_327] {strides = array<i32>} : memref<128x64xf32, #tpu.memory_space<vmem>>, vector<16xf32>,
        %get3A_329 = arith.index_cast %scan3A_313 : i32 to index
        %get3A_330 = arith.constant 16 : index
        %get3A_331 = tpu.vector_load %arg17[%get3A_329, %get3A_330] {strides = array<i32>} : memref<128x64xf32, #tpu.memory_space<vmem>>, vector<16xf32>,
        %get3A_332 = arith.index_cast %scan3A_313 : i32 to index
        %get3A_333 = arith.constant 32 : index
        %get3A_334 = tpu.vector_load %arg17[%get3A_332, %get3A_333] {strides = array<i32>} : memref<128x64xf32, #tpu.memory_space<vmem>>, vector<16xf32>,
        %get3A_335 = arith.index_cast %scan3A_313 : i32 to index
        %get3A_336 = arith.constant 48 : index
        %get3A_337 = tpu.vector_load %arg17[%get3A_335, %get3A_336] {strides = array<i32>} : memref<128x64xf32, #tpu.memory_space<vmem>>, vector<16xf32>,
        %get3A_338 = arith.index_cast %scan3A_313 : i32 to index
        %get3A_339 = arith.constant 0 : index
        %get3A_340 = tpu.vector_load %arg18[%get3A_338, %get3A_339] {strides = array<i32>} : memref<128x64xf32, #tpu.memory_space<vmem>>, vector<16xf32>,
        %get3A_341 = arith.index_cast %scan3A_313 : i32 to index
        %get3A_342 = arith.constant 16 : index
        %get3A_343 = tpu.vector_load %arg18[%get3A_341, %get3A_342] {strides = array<i32>} : memref<128x64xf32, #tpu.memory_space<vmem>>, vector<16xf32>,
        %get3A_344 = arith.index_cast %scan3A_313 : i32 to index
        %get3A_345 = arith.constant 32 : index
        %get3A_346 = tpu.vector_load %arg18[%get3A_344, %get3A_345] {strides = array<i32>} : memref<128x64xf32, #tpu.memory_space<vmem>>, vector<16xf32>,
        %get3A_347 = arith.index_cast %scan3A_313 : i32 to index
        %get3A_348 = arith.constant 48 : index
        %get3A_349 = tpu.vector_load %arg18[%get3A_347, %get3A_348] {strides = array<i32>} : memref<128x64xf32, #tpu.memory_space<vmem>>, vector<16xf32>,
        %mul3A_350 = arith.constant 16 : i32
        %mul3A_351 = arith.muli %scan3A_313, %mul3A_350 : i32
        %mul3A_352 = arith.mulf %get3A_316, %get3A_316 : vector<16xf32>
        %mul3A_353 = arith.mulf %get3A_319, %get3A_319 : vector<16xf32>
        %add3A_354 = arith.addf %mul3A_352, %mul3A_353 : vector<16xf32>
        %mul3A_355 = arith.mulf %get3A_322, %get3A_322 : vector<16xf32>
        %add3A_356 = arith.addf %add3A_354, %mul3A_355 : vector<16xf32>
        %mul3A_357 = arith.mulf %get3A_325, %get3A_325 : vector<16xf32>
        %add3A_358 = arith.addf %add3A_356, %mul3A_357 : vector<16xf32>
        %swap3A_359 = arith.index_cast %mul3A_351 : i32 to index
        %swap3A_360 = tpu.vector_load %arg22[%swap3A_359] {strides = array<i32>} : memref<2048xf32, #tpu.memory_space<vmem>>, vector<16xf32>,
        tpu.vector_store %arg22[%swap3A_359], %add3A_358 {strides = array<i32>} : memref<2048xf32, #tpu.memory_space<vmem>>, vector<16xf32>,
        %mul3A_361 = arith.mulf %get3A_328, %get3A_328 : vector<16xf32>
        %mul3A_362 = arith.mulf %get3A_331, %get3A_331 : vector<16xf32>
        %add3A_363 = arith.addf %mul3A_361, %mul3A_362 : vector<16xf32>
        %mul3A_364 = arith.mulf %get3A_334, %get3A_334 : vector<16xf32>
        %add3A_365 = arith.addf %add3A_363, %mul3A_364 : vector<16xf32>
        %mul3A_366 = arith.mulf %get3A_337, %get3A_337 : vector<16xf32>
        %add3A_367 = arith.addf %add3A_365, %mul3A_366 : vector<16xf32>
        %swap3A_368 = arith.index_cast %mul3A_351 : i32 to index
        %swap3A_369 = tpu.vector_load %arg23[%swap3A_368] {strides = array<i32>} : memref<2048xf32, #tpu.memory_space<vmem>>, vector<16xf32>,
        tpu.vector_store %arg23[%swap3A_368], %add3A_367 {strides = array<i32>} : memref<2048xf32, #tpu.memory_space<vmem>>, vector<16xf32>,
        %mul3A_370 = arith.mulf %get3A_340, %get3A_340 : vector<16xf32>
        %mul3A_371 = arith.mulf %get3A_343, %get3A_343 : vector<16xf32>
        %add3A_372 = arith.addf %mul3A_370, %mul3A_371 : vector<16xf32>
        %mul3A_373 = arith.mulf %get3A_346, %get3A_346 : vector<16xf32>
        %add3A_374 = arith.addf %add3A_372, %mul3A_373 : vector<16xf32>
        %mul3A_375 = arith.mulf %get3A_349, %get3A_349 : vector<16xf32>
        %add3A_376 = arith.addf %add3A_374, %mul3A_375 : vector<16xf32>
        %swap3A_377 = arith.index_cast %mul3A_351 : i32 to index
        %swap3A_378 = tpu.vector_load %arg24[%swap3A_377] {strides = array<i32>} : memref<2048xf32, #tpu.memory_space<vmem>>, vector<16xf32>,
        tpu.vector_store %arg24[%swap3A_377], %add3A_376 {strides = array<i32>} : memref<2048xf32, #tpu.memory_space<vmem>>, vector<16xf32>,
        %mul3A_379 = arith.mulf %get3A_340, %get3A_113 : vector<16xf32>
        %mul3A_380 = arith.mulf %get3A_343, %get3A_117 : vector<16xf32>
        %add3A_381 = arith.addf %mul3A_379, %mul3A_380 : vector<16xf32>
        %mul3A_382 = arith.mulf %get3A_346, %get3A_121 : vector<16xf32>
        %add3A_383 = arith.addf %add3A_381, %mul3A_382 : vector<16xf32>
        %mul3A_384 = arith.mulf %get3A_349, %get3A_125 : vector<16xf32>
        %add3A_385 = arith.addf %add3A_383, %mul3A_384 : vector<16xf32>
        %swap3A_386 = arith.index_cast %mul3A_351 : i32 to index
        %swap3A_387 = tpu.vector_load %arg25[%swap3A_386] {strides = array<i32>} : memref<2048xf32, #tpu.memory_space<vmem>>, vector<16xf32>,
        tpu.vector_store %arg25[%swap3A_386], %add3A_385 {strides = array<i32>} : memref<2048xf32, #tpu.memory_space<vmem>>, vector<16xf32>,
        %mul3A_388 = arith.mulf %get3A_316, %get3A_328 : vector<16xf32>
        %mul3A_389 = arith.mulf %get3A_319, %get3A_331 : vector<16xf32>
        %add3A_390 = arith.addf %mul3A_388, %mul3A_389 : vector<16xf32>
        %mul3A_391 = arith.mulf %get3A_322, %get3A_334 : vector<16xf32>
        %add3A_392 = arith.addf %add3A_390, %mul3A_391 : vector<16xf32>
        %mul3A_393 = arith.mulf %get3A_325, %get3A_337 : vector<16xf32>
        %add3A_394 = arith.addf %add3A_392, %mul3A_393 : vector<16xf32>
        %swap3A_395 = arith.index_cast %mul3A_351 : i32 to index
        %swap3A_396 = tpu.vector_load %arg26[%swap3A_395] {strides = array<i32>} : memref<2048xf32, #tpu.memory_space<vmem>>, vector<16xf32>,
        tpu.vector_store %arg26[%swap3A_395], %add3A_394 {strides = array<i32>} : memref<2048xf32, #tpu.memory_space<vmem>>, vector<16xf32>,
        %mul3A_397 = arith.mulf %get3A_316, %get3A_340 : vector<16xf32>
        %mul3A_398 = arith.mulf %get3A_319, %get3A_343 : vector<16xf32>
        %add3A_399 = arith.addf %mul3A_397, %mul3A_398 : vector<16xf32>
        %mul3A_400 = arith.mulf %get3A_322, %get3A_346 : vector<16xf32>
        %add3A_401 = arith.addf %add3A_399, %mul3A_400 : vector<16xf32>
        %mul3A_402 = arith.mulf %get3A_325, %get3A_349 : vector<16xf32>
        %add3A_403 = arith.addf %add3A_401, %mul3A_402 : vector<16xf32>
        %swap3A_404 = arith.index_cast %mul3A_351 : i32 to index
        %swap3A_405 = tpu.vector_load %arg27[%swap3A_404] {strides = array<i32>} : memref<2048xf32, #tpu.memory_space<vmem>>, vector<16xf32>,
        tpu.vector_store %arg27[%swap3A_404], %add3A_403 {strides = array<i32>} : memref<2048xf32, #tpu.memory_space<vmem>>, vector<16xf32>,
        %scan3A_406 = arith.constant 2 : i32
        %scan3A_407 = arith.addi %scan3A_220, %scan3A_406 : i32
        %get3A_408 = arith.index_cast %scan3A_407 : i32 to index
        %get3A_409 = arith.constant 0 : index
        %get3A_410 = tpu.vector_load %arg16[%get3A_408, %get3A_409] {strides = array<i32>} : memref<128x64xf32, #tpu.memory_space<vmem>>, vector<16xf32>,
        %get3A_411 = arith.index_cast %scan3A_407 : i32 to index
        %get3A_412 = arith.constant 16 : index
        %get3A_413 = tpu.vector_load %arg16[%get3A_411, %get3A_412] {strides = array<i32>} : memref<128x64xf32, #tpu.memory_space<vmem>>, vector<16xf32>,
        %get3A_414 = arith.index_cast %scan3A_407 : i32 to index
        %get3A_415 = arith.constant 32 : index
        %get3A_416 = tpu.vector_load %arg16[%get3A_414, %get3A_415] {strides = array<i32>} : memref<128x64xf32, #tpu.memory_space<vmem>>, vector<16xf32>,
        %get3A_417 = arith.index_cast %scan3A_407 : i32 to index
        %get3A_418 = arith.constant 48 : index
        %get3A_419 = tpu.vector_load %arg16[%get3A_417, %get3A_418] {strides = array<i32>} : memref<128x64xf32, #tpu.memory_space<vmem>>, vector<16xf32>,
        %get3A_420 = arith.index_cast %scan3A_407 : i32 to index
        %get3A_421 = arith.constant 0 : index
        %get3A_422 = tpu.vector_load %arg17[%get3A_420, %get3A_421] {strides = array<i32>} : memref<128x64xf32, #tpu.memory_space<vmem>>, vector<16xf32>,
        %get3A_423 = arith.index_cast %scan3A_407 : i32 to index
        %get3A_424 = arith.constant 16 : index
        %get3A_425 = tpu.vector_load %arg17[%get3A_423, %get3A_424] {strides = array<i32>} : memref<128x64xf32, #tpu.memory_space<vmem>>, vector<16xf32>,
        %get3A_426 = arith.index_cast %scan3A_407 : i32 to index
        %get3A_427 = arith.constant 32 : index
        %get3A_428 = tpu.vector_load %arg17[%get3A_426, %get3A_427] {strides = array<i32>} : memref<128x64xf32, #tpu.memory_space<vmem>>, vector<16xf32>,
        %get3A_429 = arith.index_cast %scan3A_407 : i32 to index
        %get3A_430 = arith.constant 48 : index
        %get3A_431 = tpu.vector_load %arg17[%get3A_429, %get3A_430] {strides = array<i32>} : memref<128x64xf32, #tpu.memory_space<vmem>>, vector<16xf32>,
        %get3A_432 = arith.index_cast %scan3A_407 : i32 to index
        %get3A_433 = arith.constant 0 : index
        %get3A_434 = tpu.vector_load %arg18[%get3A_432, %get3A_433] {strides = array<i32>} : memref<128x64xf32, #tpu.memory_space<vmem>>, vector<16xf32>,
        %get3A_435 = arith.index_cast %scan3A_407 : i32 to index
        %get3A_436 = arith.constant 16 : index
        %get3A_437 = tpu.vector_load %arg18[%get3A_435, %get3A_436] {strides = array<i32>} : memref<128x64xf32, #tpu.memory_space<vmem>>, vector<16xf32>,
        %get3A_438 = arith.index_cast %scan3A_407 : i32 to index
        %get3A_439 = arith.constant 32 : index
        %get3A_440 = tpu.vector_load %arg18[%get3A_438, %get3A_439] {strides = array<i32>} : memref<128x64xf32, #tpu.memory_space<vmem>>, vector<16xf32>,
        %get3A_441 = arith.index_cast %scan3A_407 : i32 to index
        %get3A_442 = arith.constant 48 : index
        %get3A_443 = tpu.vector_load %arg18[%get3A_441, %get3A_442] {strides = array<i32>} : memref<128x64xf32, #tpu.memory_space<vmem>>, vector<16xf32>,
        %mul3A_444 = arith.constant 16 : i32
        %mul3A_445 = arith.muli %scan3A_407, %mul3A_444 : i32
        %mul3A_446 = arith.mulf %get3A_410, %get3A_410 : vector<16xf32>
        %mul3A_447 = arith.mulf %get3A_413, %get3A_413 : vector<16xf32>
        %add3A_448 = arith.addf %mul3A_446, %mul3A_447 : vector<16xf32>
        %mul3A_449 = arith.mulf %get3A_416, %get3A_416 : vector<16xf32>
        %add3A_450 = arith.addf %add3A_448, %mul3A_449 : vector<16xf32>
        %mul3A_451 = arith.mulf %get3A_419, %get3A_419 : vector<16xf32>
        %add3A_452 = arith.addf %add3A_450, %mul3A_451 : vector<16xf32>
        %swap3A_453 = arith.index_cast %mul3A_445 : i32 to index
        %swap3A_454 = tpu.vector_load %arg22[%swap3A_453] {strides = array<i32>} : memref<2048xf32, #tpu.memory_space<vmem>>, vector<16xf32>,
        tpu.vector_store %arg22[%swap3A_453], %add3A_452 {strides = array<i32>} : memref<2048xf32, #tpu.memory_space<vmem>>, vector<16xf32>,
        %mul3A_455 = arith.mulf %get3A_422, %get3A_422 : vector<16xf32>
        %mul3A_456 = arith.mulf %get3A_425, %get3A_425 : vector<16xf32>
        %add3A_457 = arith.addf %mul3A_455, %mul3A_456 : vector<16xf32>
        %mul3A_458 = arith.mulf %get3A_428, %get3A_428 : vector<16xf32>
        %add3A_459 = arith.addf %add3A_457, %mul3A_458 : vector<16xf32>
        %mul3A_460 = arith.mulf %get3A_431, %get3A_431 : vector<16xf32>
        %add3A_461 = arith.addf %add3A_459, %mul3A_460 : vector<16xf32>
        %swap3A_462 = arith.index_cast %mul3A_445 : i32 to index
        %swap3A_463 = tpu.vector_load %arg23[%swap3A_462] {strides = array<i32>} : memref<2048xf32, #tpu.memory_space<vmem>>, vector<16xf32>,
        tpu.vector_store %arg23[%swap3A_462], %add3A_461 {strides = array<i32>} : memref<2048xf32, #tpu.memory_space<vmem>>, vector<16xf32>,
        %mul3A_464 = arith.mulf %get3A_434, %get3A_434 : vector<16xf32>
        %mul3A_465 = arith.mulf %get3A_437, %get3A_437 : vector<16xf32>
        %add3A_466 = arith.addf %mul3A_464, %mul3A_465 : vector<16xf32>
        %mul3A_467 = arith.mulf %get3A_440, %get3A_440 : vector<16xf32>
        %add3A_468 = arith.addf %add3A_466, %mul3A_467 : vector<16xf32>
        %mul3A_469 = arith.mulf %get3A_443, %get3A_443 : vector<16xf32>
        %add3A_470 = arith.addf %add3A_468, %mul3A_469 : vector<16xf32>
        %swap3A_471 = arith.index_cast %mul3A_445 : i32 to index
        %swap3A_472 = tpu.vector_load %arg24[%swap3A_471] {strides = array<i32>} : memref<2048xf32, #tpu.memory_space<vmem>>, vector<16xf32>,
        tpu.vector_store %arg24[%swap3A_471], %add3A_470 {strides = array<i32>} : memref<2048xf32, #tpu.memory_space<vmem>>, vector<16xf32>,
        %mul3A_473 = arith.mulf %get3A_434, %get3A_113 : vector<16xf32>
        %mul3A_474 = arith.mulf %get3A_437, %get3A_117 : vector<16xf32>
        %add3A_475 = arith.addf %mul3A_473, %mul3A_474 : vector<16xf32>
        %mul3A_476 = arith.mulf %get3A_440, %get3A_121 : vector<16xf32>
        %add3A_477 = arith.addf %add3A_475, %mul3A_476 : vector<16xf32>
        %mul3A_478 = arith.mulf %get3A_443, %get3A_125 : vector<16xf32>
        %add3A_479 = arith.addf %add3A_477, %mul3A_478 : vector<16xf32>
        %swap3A_480 = arith.index_cast %mul3A_445 : i32 to index
        %swap3A_481 = tpu.vector_load %arg25[%swap3A_480] {strides = array<i32>} : memref<2048xf32, #tpu.memory_space<vmem>>, vector<16xf32>,
        tpu.vector_store %arg25[%swap3A_480], %add3A_479 {strides = array<i32>} : memref<2048xf32, #tpu.memory_space<vmem>>, vector<16xf32>,
        %mul3A_482 = arith.mulf %get3A_410, %get3A_422 : vector<16xf32>
        %mul3A_483 = arith.mulf %get3A_413, %get3A_425 : vector<16xf32>
        %add3A_484 = arith.addf %mul3A_482, %mul3A_483 : vector<16xf32>
        %mul3A_485 = arith.mulf %get3A_416, %get3A_428 : vector<16xf32>
        %add3A_486 = arith.addf %add3A_484, %mul3A_485 : vector<16xf32>
        %mul3A_487 = arith.mulf %get3A_419, %get3A_431 : vector<16xf32>
        %add3A_488 = arith.addf %add3A_486, %mul3A_487 : vector<16xf32>
        %swap3A_489 = arith.index_cast %mul3A_445 : i32 to index
        %swap3A_490 = tpu.vector_load %arg26[%swap3A_489] {strides = array<i32>} : memref<2048xf32, #tpu.memory_space<vmem>>, vector<16xf32>,
        tpu.vector_store %arg26[%swap3A_489], %add3A_488 {strides = array<i32>} : memref<2048xf32, #tpu.memory_space<vmem>>, vector<16xf32>,
        %mul3A_491 = arith.mulf %get3A_410, %get3A_434 : vector<16xf32>
        %mul3A_492 = arith.mulf %get3A_413, %get3A_437 : vector<16xf32>
        %add3A_493 = arith.addf %mul3A_491, %mul3A_492 : vector<16xf32>
        %mul3A_494 = arith.mulf %get3A_416, %get3A_440 : vector<16xf32>
        %add3A_495 = arith.addf %add3A_493, %mul3A_494 : vector<16xf32>
        %mul3A_496 = arith.mulf %get3A_419, %get3A_443 : vector<16xf32>
        %add3A_497 = arith.addf %add3A_495, %mul3A_496 : vector<16xf32>
        %swap3A_498 = arith.index_cast %mul3A_445 : i32 to index
        %swap3A_499 = tpu.vector_load %arg27[%swap3A_498] {strides = array<i32>} : memref<2048xf32, #tpu.memory_space<vmem>>, vector<16xf32>,
        tpu.vector_store %arg27[%swap3A_498], %add3A_497 {strides = array<i32>} : memref<2048xf32, #tpu.memory_space<vmem>>, vector<16xf32>,
        %scan3A_500 = arith.constant 3 : i32
        %scan3A_501 = arith.addi %scan3A_220, %scan3A_500 : i32
        %get3A_502 = arith.index_cast %scan3A_501 : i32 to index
        %get3A_503 = arith.constant 0 : index
        %get3A_504 = tpu.vector_load %arg16[%get3A_502, %get3A_503] {strides = array<i32>} : memref<128x64xf32, #tpu.memory_space<vmem>>, vector<16xf32>,
        %get3A_505 = arith.index_cast %scan3A_501 : i32 to index
        %get3A_506 = arith.constant 16 : index
        %get3A_507 = tpu.vector_load %arg16[%get3A_505, %get3A_506] {strides = array<i32>} : memref<128x64xf32, #tpu.memory_space<vmem>>, vector<16xf32>,
        %get3A_508 = arith.index_cast %scan3A_501 : i32 to index
        %get3A_509 = arith.constant 32 : index
        %get3A_510 = tpu.vector_load %arg16[%get3A_508, %get3A_509] {strides = array<i32>} : memref<128x64xf32, #tpu.memory_space<vmem>>, vector<16xf32>,
        %get3A_511 = arith.index_cast %scan3A_501 : i32 to index
        %get3A_512 = arith.constant 48 : index
        %get3A_513 = tpu.vector_load %arg16[%get3A_511, %get3A_512] {strides = array<i32>} : memref<128x64xf32, #tpu.memory_space<vmem>>, vector<16xf32>,
        %get3A_514 = arith.index_cast %scan3A_501 : i32 to index
        %get3A_515 = arith.constant 0 : index
        %get3A_516 = tpu.vector_load %arg17[%get3A_514, %get3A_515] {strides = array<i32>} : memref<128x64xf32, #tpu.memory_space<vmem>>, vector<16xf32>,
        %get3A_517 = arith.index_cast %scan3A_501 : i32 to index
        %get3A_518 = arith.constant 16 : index
        %get3A_519 = tpu.vector_load %arg17[%get3A_517, %get3A_518] {strides = array<i32>} : memref<128x64xf32, #tpu.memory_space<vmem>>, vector<16xf32>,
        %get3A_520 = arith.index_cast %scan3A_501 : i32 to index
        %get3A_521 = arith.constant 32 : index
        %get3A_522 = tpu.vector_load %arg17[%get3A_520, %get3A_521] {strides = array<i32>} : memref<128x64xf32, #tpu.memory_space<vmem>>, vector<16xf32>,
        %get3A_523 = arith.index_cast %scan3A_501 : i32 to index
        %get3A_524 = arith.constant 48 : index
        %get3A_525 = tpu.vector_load %arg17[%get3A_523, %get3A_524] {strides = array<i32>} : memref<128x64xf32, #tpu.memory_space<vmem>>, vector<16xf32>,
        %get3A_526 = arith.index_cast %scan3A_501 : i32 to index
        %get3A_527 = arith.constant 0 : index
        %get3A_528 = tpu.vector_load %arg18[%get3A_526, %get3A_527] {strides = array<i32>} : memref<128x64xf32, #tpu.memory_space<vmem>>, vector<16xf32>,
        %get3A_529 = arith.index_cast %scan3A_501 : i32 to index
        %get3A_530 = arith.constant 16 : index
        %get3A_531 = tpu.vector_load %arg18[%get3A_529, %get3A_530] {strides = array<i32>} : memref<128x64xf32, #tpu.memory_space<vmem>>, vector<16xf32>,
        %get3A_532 = arith.index_cast %scan3A_501 : i32 to index
        %get3A_533 = arith.constant 32 : index
        %get3A_534 = tpu.vector_load %arg18[%get3A_532, %get3A_533] {strides = array<i32>} : memref<128x64xf32, #tpu.memory_space<vmem>>, vector<16xf32>,
        %get3A_535 = arith.index_cast %scan3A_501 : i32 to index
        %get3A_536 = arith.constant 48 : index
        %get3A_537 = tpu.vector_load %arg18[%get3A_535, %get3A_536] {strides = array<i32>} : memref<128x64xf32, #tpu.memory_space<vmem>>, vector<16xf32>,
        %mul3A_538 = arith.constant 16 : i32
        %mul3A_539 = arith.muli %scan3A_501, %mul3A_538 : i32
        %mul3A_540 = arith.mulf %get3A_504, %get3A_504 : vector<16xf32>
        %mul3A_541 = arith.mulf %get3A_507, %get3A_507 : vector<16xf32>
        %add3A_542 = arith.addf %mul3A_540, %mul3A_541 : vector<16xf32>
        %mul3A_543 = arith.mulf %get3A_510, %get3A_510 : vector<16xf32>
        %add3A_544 = arith.addf %add3A_542, %mul3A_543 : vector<16xf32>
        %mul3A_545 = arith.mulf %get3A_513, %get3A_513 : vector<16xf32>
        %add3A_546 = arith.addf %add3A_544, %mul3A_545 : vector<16xf32>
        %swap3A_547 = arith.index_cast %mul3A_539 : i32 to index
        %swap3A_548 = tpu.vector_load %arg22[%swap3A_547] {strides = array<i32>} : memref<2048xf32, #tpu.memory_space<vmem>>, vector<16xf32>,
        tpu.vector_store %arg22[%swap3A_547], %add3A_546 {strides = array<i32>} : memref<2048xf32, #tpu.memory_space<vmem>>, vector<16xf32>,
        %mul3A_549 = arith.mulf %get3A_516, %get3A_516 : vector<16xf32>
        %mul3A_550 = arith.mulf %get3A_519, %get3A_519 : vector<16xf32>
        %add3A_551 = arith.addf %mul3A_549, %mul3A_550 : vector<16xf32>
        %mul3A_552 = arith.mulf %get3A_522, %get3A_522 : vector<16xf32>
        %add3A_553 = arith.addf %add3A_551, %mul3A_552 : vector<16xf32>
        %mul3A_554 = arith.mulf %get3A_525, %get3A_525 : vector<16xf32>
        %add3A_555 = arith.addf %add3A_553, %mul3A_554 : vector<16xf32>
        %swap3A_556 = arith.index_cast %mul3A_539 : i32 to index
        %swap3A_557 = tpu.vector_load %arg23[%swap3A_556] {strides = array<i32>} : memref<2048xf32, #tpu.memory_space<vmem>>, vector<16xf32>,
        tpu.vector_store %arg23[%swap3A_556], %add3A_555 {strides = array<i32>} : memref<2048xf32, #tpu.memory_space<vmem>>, vector<16xf32>,
        %mul3A_558 = arith.mulf %get3A_528, %get3A_528 : vector<16xf32>
        %mul3A_559 = arith.mulf %get3A_531, %get3A_531 : vector<16xf32>
        %add3A_560 = arith.addf %mul3A_558, %mul3A_559 : vector<16xf32>
        %mul3A_561 = arith.mulf %get3A_534, %get3A_534 : vector<16xf32>
        %add3A_562 = arith.addf %add3A_560, %mul3A_561 : vector<16xf32>
        %mul3A_563 = arith.mulf %get3A_537, %get3A_537 : vector<16xf32>
        %add3A_564 = arith.addf %add3A_562, %mul3A_563 : vector<16xf32>
        %swap3A_565 = arith.index_cast %mul3A_539 : i32 to index
        %swap3A_566 = tpu.vector_load %arg24[%swap3A_565] {strides = array<i32>} : memref<2048xf32, #tpu.memory_space<vmem>>, vector<16xf32>,
        tpu.vector_store %arg24[%swap3A_565], %add3A_564 {strides = array<i32>} : memref<2048xf32, #tpu.memory_space<vmem>>, vector<16xf32>,
        %mul3A_567 = arith.mulf %get3A_528, %get3A_113 : vector<16xf32>
        %mul3A_568 = arith.mulf %get3A_531, %get3A_117 : vector<16xf32>
        %add3A_569 = arith.addf %mul3A_567, %mul3A_568 : vector<16xf32>
        %mul3A_570 = arith.mulf %get3A_534, %get3A_121 : vector<16xf32>
        %add3A_571 = arith.addf %add3A_569, %mul3A_570 : vector<16xf32>
        %mul3A_572 = arith.mulf %get3A_537, %get3A_125 : vector<16xf32>
        %add3A_573 = arith.addf %add3A_571, %mul3A_572 : vector<16xf32>
        %swap3A_574 = arith.index_cast %mul3A_539 : i32 to index
        %swap3A_575 = tpu.vector_load %arg25[%swap3A_574] {strides = array<i32>} : memref<2048xf32, #tpu.memory_space<vmem>>, vector<16xf32>,
        tpu.vector_store %arg25[%swap3A_574], %add3A_573 {strides = array<i32>} : memref<2048xf32, #tpu.memory_space<vmem>>, vector<16xf32>,
        %mul3A_576 = arith.mulf %get3A_504, %get3A_516 : vector<16xf32>
        %mul3A_577 = arith.mulf %get3A_507, %get3A_519 : vector<16xf32>
        %add3A_578 = arith.addf %mul3A_576, %mul3A_577 : vector<16xf32>
        %mul3A_579 = arith.mulf %get3A_510, %get3A_522 : vector<16xf32>
        %add3A_580 = arith.addf %add3A_578, %mul3A_579 : vector<16xf32>
        %mul3A_581 = arith.mulf %get3A_513, %get3A_525 : vector<16xf32>
        %add3A_582 = arith.addf %add3A_580, %mul3A_581 : vector<16xf32>
        %swap3A_583 = arith.index_cast %mul3A_539 : i32 to index
        %swap3A_584 = tpu.vector_load %arg26[%swap3A_583] {strides = array<i32>} : memref<2048xf32, #tpu.memory_space<vmem>>, vector<16xf32>,
        tpu.vector_store %arg26[%swap3A_583], %add3A_582 {strides = array<i32>} : memref<2048xf32, #tpu.memory_space<vmem>>, vector<16xf32>,
        %mul3A_585 = arith.mulf %get3A_504, %get3A_528 : vector<16xf32>
        %mul3A_586 = arith.mulf %get3A_507, %get3A_531 : vector<16xf32>
        %add3A_587 = arith.addf %mul3A_585, %mul3A_586 : vector<16xf32>
        %mul3A_588 = arith.mulf %get3A_510, %get3A_534 : vector<16xf32>
        %add3A_589 = arith.addf %add3A_587, %mul3A_588 : vector<16xf32>
        %mul3A_590 = arith.mulf %get3A_513, %get3A_537 : vector<16xf32>
        %add3A_591 = arith.addf %add3A_589, %mul3A_590 : vector<16xf32>
        %swap3A_592 = arith.index_cast %mul3A_539 : i32 to index
        %swap3A_593 = tpu.vector_load %arg27[%swap3A_592] {strides = array<i32>} : memref<2048xf32, #tpu.memory_space<vmem>>, vector<16xf32>,
        tpu.vector_store %arg27[%swap3A_592], %add3A_591 {strides = array<i32>} : memref<2048xf32, #tpu.memory_space<vmem>>, vector<16xf32>,
      }
      %scan3A_131 = arith.constant 128 : i32
      %mul3A_132 = arith.constant 128 : i32
      %mul3A_133 = arith.muli %mul3A_86, %mul3A_132 : i32
      %add3A_134 = arith.addi %mul3A_2, %mul3A_133 : i32
      %mul3A_135 = arith.constant 16 : i32
      %mul3A_136 = arith.muli %add3A_134, %mul3A_135 : i32
      %dma_start3A_137 = tpu.memref_slice %arg7[%mul3A_136] : memref<2097152xf32, #tpu.memory_space<hbm>> -> memref<2048xf32, #tpu.memory_space<hbm>>
      %dma_start3A_138 = tpu.memref_slice %arg7[%mul3A_136] : memref<2097152xf32, #tpu.memory_space<hbm>> -> memref<2048xf32, #tpu.memory_space<hbm>>
      tpu.enqueue_dma source(%arg22 : memref<2048xf32, #tpu.memory_space<vmem>>) target(%dma_start3A_138 : memref<2048xf32, #tpu.memory_space<hbm>>) target_semaphore(%arg36 : memref<!tpu.dma_semaphore, #tpu.memory_space<semaphore_mem>>)
      %dma_start3A_139 = tpu.memref_slice %arg8[%mul3A_136] : memref<2097152xf32, #tpu.memory_space<hbm>> -> memref<2048xf32, #tpu.memory_space<hbm>>
      %dma_start3A_140 = tpu.memref_slice %arg8[%mul3A_136] : memref<2097152xf32, #tpu.memory_space<hbm>> -> memref<2048xf32, #tpu.memory_space<hbm>>
      tpu.enqueue_dma source(%arg23 : memref<2048xf32, #tpu.memory_space<vmem>>) target(%dma_start3A_140 : memref<2048xf32, #tpu.memory_space<hbm>>) target_semaphore(%arg36 : memref<!tpu.dma_semaphore, #tpu.memory_space<semaphore_mem>>)
      %dma_start3A_141 = tpu.memref_slice %arg9[%mul3A_136] : memref<2097152xf32, #tpu.memory_space<hbm>> -> memref<2048xf32, #tpu.memory_space<hbm>>
      %dma_start3A_142 = tpu.memref_slice %arg9[%mul3A_136] : memref<2097152xf32, #tpu.memory_space<hbm>> -> memref<2048xf32, #tpu.memory_space<hbm>>
      tpu.enqueue_dma source(%arg24 : memref<2048xf32, #tpu.memory_space<vmem>>) target(%dma_start3A_142 : memref<2048xf32, #tpu.memory_space<hbm>>) target_semaphore(%arg36 : memref<!tpu.dma_semaphore, #tpu.memory_space<semaphore_mem>>)
      %dma_start3A_143 = tpu.memref_slice %arg10[%mul3A_136] : memref<2097152xf32, #tpu.memory_space<hbm>> -> memref<2048xf32, #tpu.memory_space<hbm>>
      %dma_start3A_144 = tpu.memref_slice %arg10[%mul3A_136] : memref<2097152xf32, #tpu.memory_space<hbm>> -> memref<2048xf32, #tpu.memory_space<hbm>>
      tpu.enqueue_dma source(%arg25 : memref<2048xf32, #tpu.memory_space<vmem>>) target(%dma_start3A_144 : memref<2048xf32, #tpu.memory_space<hbm>>) target_semaphore(%arg36 : memref<!tpu.dma_semaphore, #tpu.memory_space<semaphore_mem>>)
      %dma_start3A_145 = tpu.memref_slice %arg11[%mul3A_136] : memref<2097152xf32, #tpu.memory_space<hbm>> -> memref<2048xf32, #tpu.memory_space<hbm>>
      %dma_start3A_146 = tpu.memref_slice %arg11[%mul3A_136] : memref<2097152xf32, #tpu.memory_space<hbm>> -> memref<2048xf32, #tpu.memory_space<hbm>>
      tpu.enqueue_dma source(%arg26 : memref<2048xf32, #tpu.memory_space<vmem>>) target(%dma_start3A_146 : memref<2048xf32, #tpu.memory_space<hbm>>) target_semaphore(%arg36 : memref<!tpu.dma_semaphore, #tpu.memory_space<semaphore_mem>>)
      %dma_start3A_147 = tpu.memref_slice %arg12[%mul3A_136] : memref<2097152xf32, #tpu.memory_space<hbm>> -> memref<2048xf32, #tpu.memory_space<hbm>>
      %dma_start3A_148 = tpu.memref_slice %arg12[%mul3A_136] : memref<2097152xf32, #tpu.memory_space<hbm>> -> memref<2048xf32, #tpu.memory_space<hbm>>
      tpu.enqueue_dma source(%arg27 : memref<2048xf32, #tpu.memory_space<vmem>>) target(%dma_start3A_148 : memref<2048xf32, #tpu.memory_space<hbm>>) target_semaphore(%arg36 : memref<!tpu.dma_semaphore, #tpu.memory_space<semaphore_mem>>)
      %lt3A = arith.constant 15 : i32
      %lt3A_149 = arith.cmpi slt, %scan3A_84, %lt3A : i32
      %convert_element_type3A_150 = arith.extui %lt3A_149 : i1 to i32
      %cond3A_151 = arith.constant 0 : i32
      %cond3A_152 = arith.cmpi ne, %convert_element_type3A_150, %cond3A_151 : i32
      scf.if %cond3A_152 {
        %add3A_220 = arith.constant 2 : i32
        %add3A_221 = arith.addi %mul3A_86, %add3A_220 : i32
        %mul3A_222 = arith.constant 128 : i32
        %mul3A_223 = arith.muli %add3A_221, %mul3A_222 : i32
        %dma_start3A_224 = tpu.memref_slice %arg13[%mul3A_223] : memref<4096xi32, #tpu.memory_space<vmem>> -> memref<128xi32, #tpu.memory_space<vmem>>
        %dma_start3A_225 = arith.constant 0 : i32
        %dma_start3A_226 = arith.constant 0 : i32
        %dma_start3A_227 = tpu.memref_slice %arg2[%dma_start3A_225, %dma_start3A_226] : memref<200000x64xf32, #tpu.memory_space<hbm>> -> memref<200000x64xf32, #tpu.memory_space<hbm>>
        tpu.enqueue_indirect_dma source(%dma_start3A_227 : memref<200000x64xf32, #tpu.memory_space<hbm>>) target(%arg16 : memref<128x64xf32, #tpu.memory_space<vmem>>) offsets(%dma_start3A_224 : memref<128xi32, #tpu.memory_space<vmem>>) semaphore(%arg34 : memref<!tpu.dma_semaphore, #tpu.memory_space<semaphore_mem>>)
        %dma_start3A_228 = tpu.memref_slice %arg14[%mul3A_223] : memref<4096xi32, #tpu.memory_space<vmem>> -> memref<128xi32, #tpu.memory_space<vmem>>
        %dma_start3A_229 = arith.constant 0 : i32
        %dma_start3A_230 = arith.constant 0 : i32
        %dma_start3A_231 = tpu.memref_slice %arg2[%dma_start3A_229, %dma_start3A_230] : memref<200000x64xf32, #tpu.memory_space<hbm>> -> memref<200000x64xf32, #tpu.memory_space<hbm>>
        tpu.enqueue_indirect_dma source(%dma_start3A_231 : memref<200000x64xf32, #tpu.memory_space<hbm>>) target(%arg17 : memref<128x64xf32, #tpu.memory_space<vmem>>) offsets(%dma_start3A_228 : memref<128xi32, #tpu.memory_space<vmem>>) semaphore(%arg34 : memref<!tpu.dma_semaphore, #tpu.memory_space<semaphore_mem>>)
        %dma_start3A_232 = tpu.memref_slice %arg15[%mul3A_223] : memref<4096xi32, #tpu.memory_space<vmem>> -> memref<128xi32, #tpu.memory_space<vmem>>
        %dma_start3A_233 = arith.constant 0 : i32
        %dma_start3A_234 = arith.constant 0 : i32
        %dma_start3A_235 = tpu.memref_slice %arg3[%dma_start3A_233, %dma_start3A_234] : memref<100000x64xf32, #tpu.memory_space<hbm>> -> memref<100000x64xf32, #tpu.memory_space<hbm>>
        tpu.enqueue_indirect_dma source(%dma_start3A_235 : memref<100000x64xf32, #tpu.memory_space<hbm>>) target(%arg18 : memref<128x64xf32, #tpu.memory_space<vmem>>) offsets(%dma_start3A_232 : memref<128xi32, #tpu.memory_space<vmem>>) semaphore(%arg34 : memref<!tpu.dma_semaphore, #tpu.memory_space<semaphore_mem>>)
      } else {
      }
      %gt3A_153 = arith.constant 0 : i32
      %gt3A_154 = arith.cmpi sgt, %scan3A_84, %gt3A_153 : i32
      %convert_element_type3A_155 = arith.extui %gt3A_154 : i1 to i32
      %cond3A_156 = arith.constant 0 : i32
      %cond3A_157 = arith.cmpi ne, %convert_element_type3A_155, %cond3A_156 : i32
      scf.if %cond3A_157 {
        %dma_wait3A_220 = arith.constant 0 : i32
        %dma_wait3A_221 = tpu.memref_slice %arg7[%dma_wait3A_220] : memref<2097152xf32, #tpu.memory_space<hbm>> -> memref<2048xf32, #tpu.memory_space<hbm>>
        %dma_wait3A_222 = arith.constant 0 : i32
        %dma_wait3A_223 = tpu.memref_slice %arg7[%dma_wait3A_222] : memref<2097152xf32, #tpu.memory_space<hbm>> -> memref<2048xf32, #tpu.memory_space<hbm>>
        tpu.wait_dma2 semaphore(%arg37 : memref<!tpu.dma_semaphore, #tpu.memory_space<semaphore_mem>>) src(%dma_wait3A_223 : memref<2048xf32, #tpu.memory_space<hbm>>) dst(%arg28 : memref<2048xf32, #tpu.memory_space<vmem>>)
        %dma_wait3A_224 = arith.constant 0 : i32
        %dma_wait3A_225 = tpu.memref_slice %arg8[%dma_wait3A_224] : memref<2097152xf32, #tpu.memory_space<hbm>> -> memref<2048xf32, #tpu.memory_space<hbm>>
        %dma_wait3A_226 = arith.constant 0 : i32
        %dma_wait3A_227 = tpu.memref_slice %arg8[%dma_wait3A_226] : memref<2097152xf32, #tpu.memory_space<hbm>> -> memref<2048xf32, #tpu.memory_space<hbm>>
        tpu.wait_dma2 semaphore(%arg37 : memref<!tpu.dma_semaphore, #tpu.memory_space<semaphore_mem>>) src(%dma_wait3A_227 : memref<2048xf32, #tpu.memory_space<hbm>>) dst(%arg29 : memref<2048xf32, #tpu.memory_space<vmem>>)
        %dma_wait3A_228 = arith.constant 0 : i32
        %dma_wait3A_229 = tpu.memref_slice %arg9[%dma_wait3A_228] : memref<2097152xf32, #tpu.memory_space<hbm>> -> memref<2048xf32, #tpu.memory_space<hbm>>
        %dma_wait3A_230 = arith.constant 0 : i32
        %dma_wait3A_231 = tpu.memref_slice %arg9[%dma_wait3A_230] : memref<2097152xf32, #tpu.memory_space<hbm>> -> memref<2048xf32, #tpu.memory_space<hbm>>
        tpu.wait_dma2 semaphore(%arg37 : memref<!tpu.dma_semaphore, #tpu.memory_space<semaphore_mem>>) src(%dma_wait3A_231 : memref<2048xf32, #tpu.memory_space<hbm>>) dst(%arg30 : memref<2048xf32, #tpu.memory_space<vmem>>)
        %dma_wait3A_232 = arith.constant 0 : i32
        %dma_wait3A_233 = tpu.memref_slice %arg10[%dma_wait3A_232] : memref<2097152xf32, #tpu.memory_space<hbm>> -> memref<2048xf32, #tpu.memory_space<hbm>>
        %dma_wait3A_234 = arith.constant 0 : i32
        %dma_wait3A_235 = tpu.memref_slice %arg10[%dma_wait3A_234] : memref<2097152xf32, #tpu.memory_space<hbm>> -> memref<2048xf32, #tpu.memory_space<hbm>>
        tpu.wait_dma2 semaphore(%arg37 : memref<!tpu.dma_semaphore, #tpu.memory_space<semaphore_mem>>) src(%dma_wait3A_235 : memref<2048xf32, #tpu.memory_space<hbm>>) dst(%arg31 : memref<2048xf32, #tpu.memory_space<vmem>>)
        %dma_wait3A_236 = arith.constant 0 : i32
        %dma_wait3A_237 = tpu.memref_slice %arg11[%dma_wait3A_236] : memref<2097152xf32, #tpu.memory_space<hbm>> -> memref<2048xf32, #tpu.memory_space<hbm>>
        %dma_wait3A_238 = arith.constant 0 : i32
        %dma_wait3A_239 = tpu.memref_slice %arg11[%dma_wait3A_238] : memref<2097152xf32, #tpu.memory_space<hbm>> -> memref<2048xf32, #tpu.memory_space<hbm>>
        tpu.wait_dma2 semaphore(%arg37 : memref<!tpu.dma_semaphore, #tpu.memory_space<semaphore_mem>>) src(%dma_wait3A_239 : memref<2048xf32, #tpu.memory_space<hbm>>) dst(%arg32 : memref<2048xf32, #tpu.memory_space<vmem>>)
        %dma_wait3A_240 = arith.constant 0 : i32
        %dma_wait3A_241 = tpu.memref_slice %arg12[%dma_wait3A_240] : memref<2097152xf32, #tpu.memory_space<hbm>> -> memref<2048xf32, #tpu.memory_space<hbm>>
        %dma_wait3A_242 = arith.constant 0 : i32
        %dma_wait3A_243 = tpu.memref_slice %arg12[%dma_wait3A_242] : memref<2097152xf32, #tpu.memory_space<hbm>> -> memref<2048xf32, #tpu.memory_space<hbm>>
        tpu.wait_dma2 semaphore(%arg37 : memref<!tpu.dma_semaphore, #tpu.memory_space<semaphore_mem>>) src(%dma_wait3A_243 : memref<2048xf32, #tpu.memory_space<hbm>>) dst(%arg33 : memref<2048xf32, #tpu.memory_space<vmem>>)
      } else {
      }
      %dma_wait3A_158 = arith.constant 0 : i32
      %dma_wait3A_159 = arith.constant 0 : i32
      %dma_wait3A_160 = tpu.memref_slice %arg2[%dma_wait3A_158, %dma_wait3A_159] : memref<200000x64xf32, #tpu.memory_space<hbm>> -> memref<128x64xf32, #tpu.memory_space<hbm>>
      %dma_wait3A_161 = arith.constant 0 : i32
      %dma_wait3A_162 = arith.constant 0 : i32
      %dma_wait3A_163 = tpu.memref_slice %arg2[%dma_wait3A_161, %dma_wait3A_162] : memref<200000x64xf32, #tpu.memory_space<hbm>> -> memref<128x64xf32, #tpu.memory_space<hbm>>
      tpu.wait_dma2 semaphore(%arg35 : memref<!tpu.dma_semaphore, #tpu.memory_space<semaphore_mem>>) src(%dma_wait3A_163 : memref<128x64xf32, #tpu.memory_space<hbm>>) dst(%arg19 : memref<128x64xf32, #tpu.memory_space<vmem>>)
      %dma_wait3A_164 = arith.constant 0 : i32
      %dma_wait3A_165 = arith.constant 0 : i32
      %dma_wait3A_166 = tpu.memref_slice %arg2[%dma_wait3A_164, %dma_wait3A_165] : memref<200000x64xf32, #tpu.memory_space<hbm>> -> memref<128x64xf32, #tpu.memory_space<hbm>>
      %dma_wait3A_167 = arith.constant 0 : i32
      %dma_wait3A_168 = arith.constant 0 : i32
      %dma_wait3A_169 = tpu.memref_slice %arg2[%dma_wait3A_167, %dma_wait3A_168] : memref<200000x64xf32, #tpu.memory_space<hbm>> -> memref<128x64xf32, #tpu.memory_space<hbm>>
      tpu.wait_dma2 semaphore(%arg35 : memref<!tpu.dma_semaphore, #tpu.memory_space<semaphore_mem>>) src(%dma_wait3A_169 : memref<128x64xf32, #tpu.memory_space<hbm>>) dst(%arg20 : memref<128x64xf32, #tpu.memory_space<vmem>>)
      %dma_wait3A_170 = arith.constant 0 : i32
      %dma_wait3A_171 = arith.constant 0 : i32
      %dma_wait3A_172 = tpu.memref_slice %arg3[%dma_wait3A_170, %dma_wait3A_171] : memref<100000x64xf32, #tpu.memory_space<hbm>> -> memref<128x64xf32, #tpu.memory_space<hbm>>
      %dma_wait3A_173 = arith.constant 0 : i32
      %dma_wait3A_174 = arith.constant 0 : i32
      %dma_wait3A_175 = tpu.memref_slice %arg3[%dma_wait3A_173, %dma_wait3A_174] : memref<100000x64xf32, #tpu.memory_space<hbm>> -> memref<128x64xf32, #tpu.memory_space<hbm>>
      tpu.wait_dma2 semaphore(%arg35 : memref<!tpu.dma_semaphore, #tpu.memory_space<semaphore_mem>>) src(%dma_wait3A_175 : memref<128x64xf32, #tpu.memory_space<hbm>>) dst(%arg21 : memref<128x64xf32, #tpu.memory_space<vmem>>)
      %get3A_176 = arith.constant 0 : i32
      %get3A_177 = arith.index_cast %get3A_176 : i32 to index
      %get3A_178 = arith.constant 0 : index
      %get3A_179 = tpu.vector_load %arg20[%get3A_177, %get3A_178] {strides = array<i32>} : memref<128x64xf32, #tpu.memory_space<vmem>>, vector<16xf32>,
      %get3A_180 = arith.constant 0 : i32
      %get3A_181 = arith.index_cast %get3A_180 : i32 to index
      %get3A_182 = arith.constant 16 : index
      %get3A_183 = tpu.vector_load %arg20[%get3A_181, %get3A_182] {strides = array<i32>} : memref<128x64xf32, #tpu.memory_space<vmem>>, vector<16xf32>,
      %get3A_184 = arith.constant 0 : i32
      %get3A_185 = arith.index_cast %get3A_184 : i32 to index
      %get3A_186 = arith.constant 32 : index
      %get3A_187 = tpu.vector_load %arg20[%get3A_185, %get3A_186] {strides = array<i32>} : memref<128x64xf32, #tpu.memory_space<vmem>>, vector<16xf32>,
      %get3A_188 = arith.constant 0 : i32
      %get3A_189 = arith.index_cast %get3A_188 : i32 to index
      %get3A_190 = arith.constant 48 : index
      %get3A_191 = tpu.vector_load %arg20[%get3A_189, %get3A_190] {strides = array<i32>} : memref<128x64xf32, #tpu.memory_space<vmem>>, vector<16xf32>,
      %scan3A_192 = arith.constant 0 : i32
      %scan3A_193 = arith.constant 0 : i32
      %scan3A_194 = arith.constant 128 : i32
      %scan3A_195 = arith.addi %scan3A_193, %scan3A_194 : i32
      %scan3A_196 = arith.constant 4 : i32
      scf.for %scan3A_220 = %scan3A_193 to %scan3A_195 step %scan3A_196  : i32 {
        %get3A_221 = arith.index_cast %scan3A_220 : i32 to index
        %get3A_222 = arith.constant 0 : index
        %get3A_223 = tpu.vector_load %arg19[%get3A_221, %get3A_222] {strides = array<i32>} : memref<128x64xf32, #tpu.memory_space<vmem>>, vector<16xf32>,
        %get3A_224 = arith.index_cast %scan3A_220 : i32 to index
        %get3A_225 = arith.constant 16 : index
        %get3A_226 = tpu.vector_load %arg19[%get3A_224, %get3A_225] {strides = array<i32>} : memref<128x64xf32, #tpu.memory_space<vmem>>, vector<16xf32>,
        %get3A_227 = arith.index_cast %scan3A_220 : i32 to index
        %get3A_228 = arith.constant 32 : index
        %get3A_229 = tpu.vector_load %arg19[%get3A_227, %get3A_228] {strides = array<i32>} : memref<128x64xf32, #tpu.memory_space<vmem>>, vector<16xf32>,
        %get3A_230 = arith.index_cast %scan3A_220 : i32 to index
        %get3A_231 = arith.constant 48 : index
        %get3A_232 = tpu.vector_load %arg19[%get3A_230, %get3A_231] {strides = array<i32>} : memref<128x64xf32, #tpu.memory_space<vmem>>, vector<16xf32>,
        %get3A_233 = arith.index_cast %scan3A_220 : i32 to index
        %get3A_234 = arith.constant 0 : index
        %get3A_235 = tpu.vector_load %arg20[%get3A_233, %get3A_234] {strides = array<i32>} : memref<128x64xf32, #tpu.memory_space<vmem>>, vector<16xf32>,
        %get3A_236 = arith.index_cast %scan3A_220 : i32 to index
        %get3A_237 = arith.constant 16 : index
        %get3A_238 = tpu.vector_load %arg20[%get3A_236, %get3A_237] {strides = array<i32>} : memref<128x64xf32, #tpu.memory_space<vmem>>, vector<16xf32>,
        %get3A_239 = arith.index_cast %scan3A_220 : i32 to index
        %get3A_240 = arith.constant 32 : index
        %get3A_241 = tpu.vector_load %arg20[%get3A_239, %get3A_240] {strides = array<i32>} : memref<128x64xf32, #tpu.memory_space<vmem>>, vector<16xf32>,
        %get3A_242 = arith.index_cast %scan3A_220 : i32 to index
        %get3A_243 = arith.constant 48 : index
        %get3A_244 = tpu.vector_load %arg20[%get3A_242, %get3A_243] {strides = array<i32>} : memref<128x64xf32, #tpu.memory_space<vmem>>, vector<16xf32>,
        %get3A_245 = arith.index_cast %scan3A_220 : i32 to index
        %get3A_246 = arith.constant 0 : index
        %get3A_247 = tpu.vector_load %arg21[%get3A_245, %get3A_246] {strides = array<i32>} : memref<128x64xf32, #tpu.memory_space<vmem>>, vector<16xf32>,
        %get3A_248 = arith.index_cast %scan3A_220 : i32 to index
        %get3A_249 = arith.constant 16 : index
        %get3A_250 = tpu.vector_load %arg21[%get3A_248, %get3A_249] {strides = array<i32>} : memref<128x64xf32, #tpu.memory_space<vmem>>, vector<16xf32>,
        %get3A_251 = arith.index_cast %scan3A_220 : i32 to index
        %get3A_252 = arith.constant 32 : index
        %get3A_253 = tpu.vector_load %arg21[%get3A_251, %get3A_252] {strides = array<i32>} : memref<128x64xf32, #tpu.memory_space<vmem>>, vector<16xf32>,
        %get3A_254 = arith.index_cast %scan3A_220 : i32 to index
        %get3A_255 = arith.constant 48 : index
        %get3A_256 = tpu.vector_load %arg21[%get3A_254, %get3A_255] {strides = array<i32>} : memref<128x64xf32, #tpu.memory_space<vmem>>, vector<16xf32>,
        %mul3A_257 = arith.constant 16 : i32
        %mul3A_258 = arith.muli %scan3A_220, %mul3A_257 : i32
        %mul3A_259 = arith.mulf %get3A_223, %get3A_223 : vector<16xf32>
        %mul3A_260 = arith.mulf %get3A_226, %get3A_226 : vector<16xf32>
        %add3A_261 = arith.addf %mul3A_259, %mul3A_260 : vector<16xf32>
        %mul3A_262 = arith.mulf %get3A_229, %get3A_229 : vector<16xf32>
        %add3A_263 = arith.addf %add3A_261, %mul3A_262 : vector<16xf32>
        %mul3A_264 = arith.mulf %get3A_232, %get3A_232 : vector<16xf32>
        %add3A_265 = arith.addf %add3A_263, %mul3A_264 : vector<16xf32>
        %swap3A = arith.index_cast %mul3A_258 : i32 to index
        %swap3A_266 = tpu.vector_load %arg28[%swap3A] {strides = array<i32>} : memref<2048xf32, #tpu.memory_space<vmem>>, vector<16xf32>,
        tpu.vector_store %arg28[%swap3A], %add3A_265 {strides = array<i32>} : memref<2048xf32, #tpu.memory_space<vmem>>, vector<16xf32>,
        %mul3A_267 = arith.mulf %get3A_235, %get3A_235 : vector<16xf32>
        %mul3A_268 = arith.mulf %get3A_238, %get3A_238 : vector<16xf32>
        %add3A_269 = arith.addf %mul3A_267, %mul3A_268 : vector<16xf32>
        %mul3A_270 = arith.mulf %get3A_241, %get3A_241 : vector<16xf32>
        %add3A_271 = arith.addf %add3A_269, %mul3A_270 : vector<16xf32>
        %mul3A_272 = arith.mulf %get3A_244, %get3A_244 : vector<16xf32>
        %add3A_273 = arith.addf %add3A_271, %mul3A_272 : vector<16xf32>
        %swap3A_274 = arith.index_cast %mul3A_258 : i32 to index
        %swap3A_275 = tpu.vector_load %arg29[%swap3A_274] {strides = array<i32>} : memref<2048xf32, #tpu.memory_space<vmem>>, vector<16xf32>,
        tpu.vector_store %arg29[%swap3A_274], %add3A_273 {strides = array<i32>} : memref<2048xf32, #tpu.memory_space<vmem>>, vector<16xf32>,
        %mul3A_276 = arith.mulf %get3A_247, %get3A_247 : vector<16xf32>
        %mul3A_277 = arith.mulf %get3A_250, %get3A_250 : vector<16xf32>
        %add3A_278 = arith.addf %mul3A_276, %mul3A_277 : vector<16xf32>
        %mul3A_279 = arith.mulf %get3A_253, %get3A_253 : vector<16xf32>
        %add3A_280 = arith.addf %add3A_278, %mul3A_279 : vector<16xf32>
        %mul3A_281 = arith.mulf %get3A_256, %get3A_256 : vector<16xf32>
        %add3A_282 = arith.addf %add3A_280, %mul3A_281 : vector<16xf32>
        %swap3A_283 = arith.index_cast %mul3A_258 : i32 to index
        %swap3A_284 = tpu.vector_load %arg30[%swap3A_283] {strides = array<i32>} : memref<2048xf32, #tpu.memory_space<vmem>>, vector<16xf32>,
        tpu.vector_store %arg30[%swap3A_283], %add3A_282 {strides = array<i32>} : memref<2048xf32, #tpu.memory_space<vmem>>, vector<16xf32>,
        %mul3A_285 = arith.mulf %get3A_247, %get3A_179 : vector<16xf32>
        %mul3A_286 = arith.mulf %get3A_250, %get3A_183 : vector<16xf32>
        %add3A_287 = arith.addf %mul3A_285, %mul3A_286 : vector<16xf32>
        %mul3A_288 = arith.mulf %get3A_253, %get3A_187 : vector<16xf32>
        %add3A_289 = arith.addf %add3A_287, %mul3A_288 : vector<16xf32>
        %mul3A_290 = arith.mulf %get3A_256, %get3A_191 : vector<16xf32>
        %add3A_291 = arith.addf %add3A_289, %mul3A_290 : vector<16xf32>
        %swap3A_292 = arith.index_cast %mul3A_258 : i32 to index
        %swap3A_293 = tpu.vector_load %arg31[%swap3A_292] {strides = array<i32>} : memref<2048xf32, #tpu.memory_space<vmem>>, vector<16xf32>,
        tpu.vector_store %arg31[%swap3A_292], %add3A_291 {strides = array<i32>} : memref<2048xf32, #tpu.memory_space<vmem>>, vector<16xf32>,
        %mul3A_294 = arith.mulf %get3A_223, %get3A_235 : vector<16xf32>
        %mul3A_295 = arith.mulf %get3A_226, %get3A_238 : vector<16xf32>
        %add3A_296 = arith.addf %mul3A_294, %mul3A_295 : vector<16xf32>
        %mul3A_297 = arith.mulf %get3A_229, %get3A_241 : vector<16xf32>
        %add3A_298 = arith.addf %add3A_296, %mul3A_297 : vector<16xf32>
        %mul3A_299 = arith.mulf %get3A_232, %get3A_244 : vector<16xf32>
        %add3A_300 = arith.addf %add3A_298, %mul3A_299 : vector<16xf32>
        %swap3A_301 = arith.index_cast %mul3A_258 : i32 to index
        %swap3A_302 = tpu.vector_load %arg32[%swap3A_301] {strides = array<i32>} : memref<2048xf32, #tpu.memory_space<vmem>>, vector<16xf32>,
        tpu.vector_store %arg32[%swap3A_301], %add3A_300 {strides = array<i32>} : memref<2048xf32, #tpu.memory_space<vmem>>, vector<16xf32>,
        %mul3A_303 = arith.mulf %get3A_223, %get3A_247 : vector<16xf32>
        %mul3A_304 = arith.mulf %get3A_226, %get3A_250 : vector<16xf32>
        %add3A_305 = arith.addf %mul3A_303, %mul3A_304 : vector<16xf32>
        %mul3A_306 = arith.mulf %get3A_229, %get3A_253 : vector<16xf32>
        %add3A_307 = arith.addf %add3A_305, %mul3A_306 : vector<16xf32>
        %mul3A_308 = arith.mulf %get3A_232, %get3A_256 : vector<16xf32>
        %add3A_309 = arith.addf %add3A_307, %mul3A_308 : vector<16xf32>
        %swap3A_310 = arith.index_cast %mul3A_258 : i32 to index
        %swap3A_311 = tpu.vector_load %arg33[%swap3A_310] {strides = array<i32>} : memref<2048xf32, #tpu.memory_space<vmem>>, vector<16xf32>,
        tpu.vector_store %arg33[%swap3A_310], %add3A_309 {strides = array<i32>} : memref<2048xf32, #tpu.memory_space<vmem>>, vector<16xf32>,
        %scan3A_312 = arith.constant 1 : i32
        %scan3A_313 = arith.addi %scan3A_220, %scan3A_312 : i32
        %get3A_314 = arith.index_cast %scan3A_313 : i32 to index
        %get3A_315 = arith.constant 0 : index
        %get3A_316 = tpu.vector_load %arg19[%get3A_314, %get3A_315] {strides = array<i32>} : memref<128x64xf32, #tpu.memory_space<vmem>>, vector<16xf32>,
        %get3A_317 = arith.index_cast %scan3A_313 : i32 to index
        %get3A_318 = arith.constant 16 : index
        %get3A_319 = tpu.vector_load %arg19[%get3A_317, %get3A_318] {strides = array<i32>} : memref<128x64xf32, #tpu.memory_space<vmem>>, vector<16xf32>,
        %get3A_320 = arith.index_cast %scan3A_313 : i32 to index
        %get3A_321 = arith.constant 32 : index
        %get3A_322 = tpu.vector_load %arg19[%get3A_320, %get3A_321] {strides = array<i32>} : memref<128x64xf32, #tpu.memory_space<vmem>>, vector<16xf32>,
        %get3A_323 = arith.index_cast %scan3A_313 : i32 to index
        %get3A_324 = arith.constant 48 : index
        %get3A_325 = tpu.vector_load %arg19[%get3A_323, %get3A_324] {strides = array<i32>} : memref<128x64xf32, #tpu.memory_space<vmem>>, vector<16xf32>,
        %get3A_326 = arith.index_cast %scan3A_313 : i32 to index
        %get3A_327 = arith.constant 0 : index
        %get3A_328 = tpu.vector_load %arg20[%get3A_326, %get3A_327] {strides = array<i32>} : memref<128x64xf32, #tpu.memory_space<vmem>>, vector<16xf32>,
        %get3A_329 = arith.index_cast %scan3A_313 : i32 to index
        %get3A_330 = arith.constant 16 : index
        %get3A_331 = tpu.vector_load %arg20[%get3A_329, %get3A_330] {strides = array<i32>} : memref<128x64xf32, #tpu.memory_space<vmem>>, vector<16xf32>,
        %get3A_332 = arith.index_cast %scan3A_313 : i32 to index
        %get3A_333 = arith.constant 32 : index
        %get3A_334 = tpu.vector_load %arg20[%get3A_332, %get3A_333] {strides = array<i32>} : memref<128x64xf32, #tpu.memory_space<vmem>>, vector<16xf32>,
        %get3A_335 = arith.index_cast %scan3A_313 : i32 to index
        %get3A_336 = arith.constant 48 : index
        %get3A_337 = tpu.vector_load %arg20[%get3A_335, %get3A_336] {strides = array<i32>} : memref<128x64xf32, #tpu.memory_space<vmem>>, vector<16xf32>,
        %get3A_338 = arith.index_cast %scan3A_313 : i32 to index
        %get3A_339 = arith.constant 0 : index
        %get3A_340 = tpu.vector_load %arg21[%get3A_338, %get3A_339] {strides = array<i32>} : memref<128x64xf32, #tpu.memory_space<vmem>>, vector<16xf32>,
        %get3A_341 = arith.index_cast %scan3A_313 : i32 to index
        %get3A_342 = arith.constant 16 : index
        %get3A_343 = tpu.vector_load %arg21[%get3A_341, %get3A_342] {strides = array<i32>} : memref<128x64xf32, #tpu.memory_space<vmem>>, vector<16xf32>,
        %get3A_344 = arith.index_cast %scan3A_313 : i32 to index
        %get3A_345 = arith.constant 32 : index
        %get3A_346 = tpu.vector_load %arg21[%get3A_344, %get3A_345] {strides = array<i32>} : memref<128x64xf32, #tpu.memory_space<vmem>>, vector<16xf32>,
        %get3A_347 = arith.index_cast %scan3A_313 : i32 to index
        %get3A_348 = arith.constant 48 : index
        %get3A_349 = tpu.vector_load %arg21[%get3A_347, %get3A_348] {strides = array<i32>} : memref<128x64xf32, #tpu.memory_space<vmem>>, vector<16xf32>,
        %mul3A_350 = arith.constant 16 : i32
        %mul3A_351 = arith.muli %scan3A_313, %mul3A_350 : i32
        %mul3A_352 = arith.mulf %get3A_316, %get3A_316 : vector<16xf32>
        %mul3A_353 = arith.mulf %get3A_319, %get3A_319 : vector<16xf32>
        %add3A_354 = arith.addf %mul3A_352, %mul3A_353 : vector<16xf32>
        %mul3A_355 = arith.mulf %get3A_322, %get3A_322 : vector<16xf32>
        %add3A_356 = arith.addf %add3A_354, %mul3A_355 : vector<16xf32>
        %mul3A_357 = arith.mulf %get3A_325, %get3A_325 : vector<16xf32>
        %add3A_358 = arith.addf %add3A_356, %mul3A_357 : vector<16xf32>
        %swap3A_359 = arith.index_cast %mul3A_351 : i32 to index
        %swap3A_360 = tpu.vector_load %arg28[%swap3A_359] {strides = array<i32>} : memref<2048xf32, #tpu.memory_space<vmem>>, vector<16xf32>,
        tpu.vector_store %arg28[%swap3A_359], %add3A_358 {strides = array<i32>} : memref<2048xf32, #tpu.memory_space<vmem>>, vector<16xf32>,
        %mul3A_361 = arith.mulf %get3A_328, %get3A_328 : vector<16xf32>
        %mul3A_362 = arith.mulf %get3A_331, %get3A_331 : vector<16xf32>
        %add3A_363 = arith.addf %mul3A_361, %mul3A_362 : vector<16xf32>
        %mul3A_364 = arith.mulf %get3A_334, %get3A_334 : vector<16xf32>
        %add3A_365 = arith.addf %add3A_363, %mul3A_364 : vector<16xf32>
        %mul3A_366 = arith.mulf %get3A_337, %get3A_337 : vector<16xf32>
        %add3A_367 = arith.addf %add3A_365, %mul3A_366 : vector<16xf32>
        %swap3A_368 = arith.index_cast %mul3A_351 : i32 to index
        %swap3A_369 = tpu.vector_load %arg29[%swap3A_368] {strides = array<i32>} : memref<2048xf32, #tpu.memory_space<vmem>>, vector<16xf32>,
        tpu.vector_store %arg29[%swap3A_368], %add3A_367 {strides = array<i32>} : memref<2048xf32, #tpu.memory_space<vmem>>, vector<16xf32>,
        %mul3A_370 = arith.mulf %get3A_340, %get3A_340 : vector<16xf32>
        %mul3A_371 = arith.mulf %get3A_343, %get3A_343 : vector<16xf32>
        %add3A_372 = arith.addf %mul3A_370, %mul3A_371 : vector<16xf32>
        %mul3A_373 = arith.mulf %get3A_346, %get3A_346 : vector<16xf32>
        %add3A_374 = arith.addf %add3A_372, %mul3A_373 : vector<16xf32>
        %mul3A_375 = arith.mulf %get3A_349, %get3A_349 : vector<16xf32>
        %add3A_376 = arith.addf %add3A_374, %mul3A_375 : vector<16xf32>
        %swap3A_377 = arith.index_cast %mul3A_351 : i32 to index
        %swap3A_378 = tpu.vector_load %arg30[%swap3A_377] {strides = array<i32>} : memref<2048xf32, #tpu.memory_space<vmem>>, vector<16xf32>,
        tpu.vector_store %arg30[%swap3A_377], %add3A_376 {strides = array<i32>} : memref<2048xf32, #tpu.memory_space<vmem>>, vector<16xf32>,
        %mul3A_379 = arith.mulf %get3A_340, %get3A_179 : vector<16xf32>
        %mul3A_380 = arith.mulf %get3A_343, %get3A_183 : vector<16xf32>
        %add3A_381 = arith.addf %mul3A_379, %mul3A_380 : vector<16xf32>
        %mul3A_382 = arith.mulf %get3A_346, %get3A_187 : vector<16xf32>
        %add3A_383 = arith.addf %add3A_381, %mul3A_382 : vector<16xf32>
        %mul3A_384 = arith.mulf %get3A_349, %get3A_191 : vector<16xf32>
        %add3A_385 = arith.addf %add3A_383, %mul3A_384 : vector<16xf32>
        %swap3A_386 = arith.index_cast %mul3A_351 : i32 to index
        %swap3A_387 = tpu.vector_load %arg31[%swap3A_386] {strides = array<i32>} : memref<2048xf32, #tpu.memory_space<vmem>>, vector<16xf32>,
        tpu.vector_store %arg31[%swap3A_386], %add3A_385 {strides = array<i32>} : memref<2048xf32, #tpu.memory_space<vmem>>, vector<16xf32>,
        %mul3A_388 = arith.mulf %get3A_316, %get3A_328 : vector<16xf32>
        %mul3A_389 = arith.mulf %get3A_319, %get3A_331 : vector<16xf32>
        %add3A_390 = arith.addf %mul3A_388, %mul3A_389 : vector<16xf32>
        %mul3A_391 = arith.mulf %get3A_322, %get3A_334 : vector<16xf32>
        %add3A_392 = arith.addf %add3A_390, %mul3A_391 : vector<16xf32>
        %mul3A_393 = arith.mulf %get3A_325, %get3A_337 : vector<16xf32>
        %add3A_394 = arith.addf %add3A_392, %mul3A_393 : vector<16xf32>
        %swap3A_395 = arith.index_cast %mul3A_351 : i32 to index
        %swap3A_396 = tpu.vector_load %arg32[%swap3A_395] {strides = array<i32>} : memref<2048xf32, #tpu.memory_space<vmem>>, vector<16xf32>,
        tpu.vector_store %arg32[%swap3A_395], %add3A_394 {strides = array<i32>} : memref<2048xf32, #tpu.memory_space<vmem>>, vector<16xf32>,
        %mul3A_397 = arith.mulf %get3A_316, %get3A_340 : vector<16xf32>
        %mul3A_398 = arith.mulf %get3A_319, %get3A_343 : vector<16xf32>
        %add3A_399 = arith.addf %mul3A_397, %mul3A_398 : vector<16xf32>
        %mul3A_400 = arith.mulf %get3A_322, %get3A_346 : vector<16xf32>
        %add3A_401 = arith.addf %add3A_399, %mul3A_400 : vector<16xf32>
        %mul3A_402 = arith.mulf %get3A_325, %get3A_349 : vector<16xf32>
        %add3A_403 = arith.addf %add3A_401, %mul3A_402 : vector<16xf32>
        %swap3A_404 = arith.index_cast %mul3A_351 : i32 to index
        %swap3A_405 = tpu.vector_load %arg33[%swap3A_404] {strides = array<i32>} : memref<2048xf32, #tpu.memory_space<vmem>>, vector<16xf32>,
        tpu.vector_store %arg33[%swap3A_404], %add3A_403 {strides = array<i32>} : memref<2048xf32, #tpu.memory_space<vmem>>, vector<16xf32>,
        %scan3A_406 = arith.constant 2 : i32
        %scan3A_407 = arith.addi %scan3A_220, %scan3A_406 : i32
        %get3A_408 = arith.index_cast %scan3A_407 : i32 to index
        %get3A_409 = arith.constant 0 : index
        %get3A_410 = tpu.vector_load %arg19[%get3A_408, %get3A_409] {strides = array<i32>} : memref<128x64xf32, #tpu.memory_space<vmem>>, vector<16xf32>,
        %get3A_411 = arith.index_cast %scan3A_407 : i32 to index
        %get3A_412 = arith.constant 16 : index
        %get3A_413 = tpu.vector_load %arg19[%get3A_411, %get3A_412] {strides = array<i32>} : memref<128x64xf32, #tpu.memory_space<vmem>>, vector<16xf32>,
        %get3A_414 = arith.index_cast %scan3A_407 : i32 to index
        %get3A_415 = arith.constant 32 : index
        %get3A_416 = tpu.vector_load %arg19[%get3A_414, %get3A_415] {strides = array<i32>} : memref<128x64xf32, #tpu.memory_space<vmem>>, vector<16xf32>,
        %get3A_417 = arith.index_cast %scan3A_407 : i32 to index
        %get3A_418 = arith.constant 48 : index
        %get3A_419 = tpu.vector_load %arg19[%get3A_417, %get3A_418] {strides = array<i32>} : memref<128x64xf32, #tpu.memory_space<vmem>>, vector<16xf32>,
        %get3A_420 = arith.index_cast %scan3A_407 : i32 to index
        %get3A_421 = arith.constant 0 : index
        %get3A_422 = tpu.vector_load %arg20[%get3A_420, %get3A_421] {strides = array<i32>} : memref<128x64xf32, #tpu.memory_space<vmem>>, vector<16xf32>,
        %get3A_423 = arith.index_cast %scan3A_407 : i32 to index
        %get3A_424 = arith.constant 16 : index
        %get3A_425 = tpu.vector_load %arg20[%get3A_423, %get3A_424] {strides = array<i32>} : memref<128x64xf32, #tpu.memory_space<vmem>>, vector<16xf32>,
        %get3A_426 = arith.index_cast %scan3A_407 : i32 to index
        %get3A_427 = arith.constant 32 : index
        %get3A_428 = tpu.vector_load %arg20[%get3A_426, %get3A_427] {strides = array<i32>} : memref<128x64xf32, #tpu.memory_space<vmem>>, vector<16xf32>,
        %get3A_429 = arith.index_cast %scan3A_407 : i32 to index
        %get3A_430 = arith.constant 48 : index
        %get3A_431 = tpu.vector_load %arg20[%get3A_429, %get3A_430] {strides = array<i32>} : memref<128x64xf32, #tpu.memory_space<vmem>>, vector<16xf32>,
        %get3A_432 = arith.index_cast %scan3A_407 : i32 to index
        %get3A_433 = arith.constant 0 : index
        %get3A_434 = tpu.vector_load %arg21[%get3A_432, %get3A_433] {strides = array<i32>} : memref<128x64xf32, #tpu.memory_space<vmem>>, vector<16xf32>,
        %get3A_435 = arith.index_cast %scan3A_407 : i32 to index
        %get3A_436 = arith.constant 16 : index
        %get3A_437 = tpu.vector_load %arg21[%get3A_435, %get3A_436] {strides = array<i32>} : memref<128x64xf32, #tpu.memory_space<vmem>>, vector<16xf32>,
        %get3A_438 = arith.index_cast %scan3A_407 : i32 to index
        %get3A_439 = arith.constant 32 : index
        %get3A_440 = tpu.vector_load %arg21[%get3A_438, %get3A_439] {strides = array<i32>} : memref<128x64xf32, #tpu.memory_space<vmem>>, vector<16xf32>,
        %get3A_441 = arith.index_cast %scan3A_407 : i32 to index
        %get3A_442 = arith.constant 48 : index
        %get3A_443 = tpu.vector_load %arg21[%get3A_441, %get3A_442] {strides = array<i32>} : memref<128x64xf32, #tpu.memory_space<vmem>>, vector<16xf32>,
        %mul3A_444 = arith.constant 16 : i32
        %mul3A_445 = arith.muli %scan3A_407, %mul3A_444 : i32
        %mul3A_446 = arith.mulf %get3A_410, %get3A_410 : vector<16xf32>
        %mul3A_447 = arith.mulf %get3A_413, %get3A_413 : vector<16xf32>
        %add3A_448 = arith.addf %mul3A_446, %mul3A_447 : vector<16xf32>
        %mul3A_449 = arith.mulf %get3A_416, %get3A_416 : vector<16xf32>
        %add3A_450 = arith.addf %add3A_448, %mul3A_449 : vector<16xf32>
        %mul3A_451 = arith.mulf %get3A_419, %get3A_419 : vector<16xf32>
        %add3A_452 = arith.addf %add3A_450, %mul3A_451 : vector<16xf32>
        %swap3A_453 = arith.index_cast %mul3A_445 : i32 to index
        %swap3A_454 = tpu.vector_load %arg28[%swap3A_453] {strides = array<i32>} : memref<2048xf32, #tpu.memory_space<vmem>>, vector<16xf32>,
        tpu.vector_store %arg28[%swap3A_453], %add3A_452 {strides = array<i32>} : memref<2048xf32, #tpu.memory_space<vmem>>, vector<16xf32>,
        %mul3A_455 = arith.mulf %get3A_422, %get3A_422 : vector<16xf32>
        %mul3A_456 = arith.mulf %get3A_425, %get3A_425 : vector<16xf32>
        %add3A_457 = arith.addf %mul3A_455, %mul3A_456 : vector<16xf32>
        %mul3A_458 = arith.mulf %get3A_428, %get3A_428 : vector<16xf32>
        %add3A_459 = arith.addf %add3A_457, %mul3A_458 : vector<16xf32>
        %mul3A_460 = arith.mulf %get3A_431, %get3A_431 : vector<16xf32>
        %add3A_461 = arith.addf %add3A_459, %mul3A_460 : vector<16xf32>
        %swap3A_462 = arith.index_cast %mul3A_445 : i32 to index
        %swap3A_463 = tpu.vector_load %arg29[%swap3A_462] {strides = array<i32>} : memref<2048xf32, #tpu.memory_space<vmem>>, vector<16xf32>,
        tpu.vector_store %arg29[%swap3A_462], %add3A_461 {strides = array<i32>} : memref<2048xf32, #tpu.memory_space<vmem>>, vector<16xf32>,
        %mul3A_464 = arith.mulf %get3A_434, %get3A_434 : vector<16xf32>
        %mul3A_465 = arith.mulf %get3A_437, %get3A_437 : vector<16xf32>
        %add3A_466 = arith.addf %mul3A_464, %mul3A_465 : vector<16xf32>
        %mul3A_467 = arith.mulf %get3A_440, %get3A_440 : vector<16xf32>
        %add3A_468 = arith.addf %add3A_466, %mul3A_467 : vector<16xf32>
        %mul3A_469 = arith.mulf %get3A_443, %get3A_443 : vector<16xf32>
        %add3A_470 = arith.addf %add3A_468, %mul3A_469 : vector<16xf32>
        %swap3A_471 = arith.index_cast %mul3A_445 : i32 to index
        %swap3A_472 = tpu.vector_load %arg30[%swap3A_471] {strides = array<i32>} : memref<2048xf32, #tpu.memory_space<vmem>>, vector<16xf32>,
        tpu.vector_store %arg30[%swap3A_471], %add3A_470 {strides = array<i32>} : memref<2048xf32, #tpu.memory_space<vmem>>, vector<16xf32>,
        %mul3A_473 = arith.mulf %get3A_434, %get3A_179 : vector<16xf32>
        %mul3A_474 = arith.mulf %get3A_437, %get3A_183 : vector<16xf32>
        %add3A_475 = arith.addf %mul3A_473, %mul3A_474 : vector<16xf32>
        %mul3A_476 = arith.mulf %get3A_440, %get3A_187 : vector<16xf32>
        %add3A_477 = arith.addf %add3A_475, %mul3A_476 : vector<16xf32>
        %mul3A_478 = arith.mulf %get3A_443, %get3A_191 : vector<16xf32>
        %add3A_479 = arith.addf %add3A_477, %mul3A_478 : vector<16xf32>
        %swap3A_480 = arith.index_cast %mul3A_445 : i32 to index
        %swap3A_481 = tpu.vector_load %arg31[%swap3A_480] {strides = array<i32>} : memref<2048xf32, #tpu.memory_space<vmem>>, vector<16xf32>,
        tpu.vector_store %arg31[%swap3A_480], %add3A_479 {strides = array<i32>} : memref<2048xf32, #tpu.memory_space<vmem>>, vector<16xf32>,
        %mul3A_482 = arith.mulf %get3A_410, %get3A_422 : vector<16xf32>
        %mul3A_483 = arith.mulf %get3A_413, %get3A_425 : vector<16xf32>
        %add3A_484 = arith.addf %mul3A_482, %mul3A_483 : vector<16xf32>
        %mul3A_485 = arith.mulf %get3A_416, %get3A_428 : vector<16xf32>
        %add3A_486 = arith.addf %add3A_484, %mul3A_485 : vector<16xf32>
        %mul3A_487 = arith.mulf %get3A_419, %get3A_431 : vector<16xf32>
        %add3A_488 = arith.addf %add3A_486, %mul3A_487 : vector<16xf32>
        %swap3A_489 = arith.index_cast %mul3A_445 : i32 to index
        %swap3A_490 = tpu.vector_load %arg32[%swap3A_489] {strides = array<i32>} : memref<2048xf32, #tpu.memory_space<vmem>>, vector<16xf32>,
        tpu.vector_store %arg32[%swap3A_489], %add3A_488 {strides = array<i32>} : memref<2048xf32, #tpu.memory_space<vmem>>, vector<16xf32>,
        %mul3A_491 = arith.mulf %get3A_410, %get3A_434 : vector<16xf32>
        %mul3A_492 = arith.mulf %get3A_413, %get3A_437 : vector<16xf32>
        %add3A_493 = arith.addf %mul3A_491, %mul3A_492 : vector<16xf32>
        %mul3A_494 = arith.mulf %get3A_416, %get3A_440 : vector<16xf32>
        %add3A_495 = arith.addf %add3A_493, %mul3A_494 : vector<16xf32>
        %mul3A_496 = arith.mulf %get3A_419, %get3A_443 : vector<16xf32>
        %add3A_497 = arith.addf %add3A_495, %mul3A_496 : vector<16xf32>
        %swap3A_498 = arith.index_cast %mul3A_445 : i32 to index
        %swap3A_499 = tpu.vector_load %arg33[%swap3A_498] {strides = array<i32>} : memref<2048xf32, #tpu.memory_space<vmem>>, vector<16xf32>,
        tpu.vector_store %arg33[%swap3A_498], %add3A_497 {strides = array<i32>} : memref<2048xf32, #tpu.memory_space<vmem>>, vector<16xf32>,
        %scan3A_500 = arith.constant 3 : i32
        %scan3A_501 = arith.addi %scan3A_220, %scan3A_500 : i32
        %get3A_502 = arith.index_cast %scan3A_501 : i32 to index
        %get3A_503 = arith.constant 0 : index
        %get3A_504 = tpu.vector_load %arg19[%get3A_502, %get3A_503] {strides = array<i32>} : memref<128x64xf32, #tpu.memory_space<vmem>>, vector<16xf32>,
        %get3A_505 = arith.index_cast %scan3A_501 : i32 to index
        %get3A_506 = arith.constant 16 : index
        %get3A_507 = tpu.vector_load %arg19[%get3A_505, %get3A_506] {strides = array<i32>} : memref<128x64xf32, #tpu.memory_space<vmem>>, vector<16xf32>,
        %get3A_508 = arith.index_cast %scan3A_501 : i32 to index
        %get3A_509 = arith.constant 32 : index
        %get3A_510 = tpu.vector_load %arg19[%get3A_508, %get3A_509] {strides = array<i32>} : memref<128x64xf32, #tpu.memory_space<vmem>>, vector<16xf32>,
        %get3A_511 = arith.index_cast %scan3A_501 : i32 to index
        %get3A_512 = arith.constant 48 : index
        %get3A_513 = tpu.vector_load %arg19[%get3A_511, %get3A_512] {strides = array<i32>} : memref<128x64xf32, #tpu.memory_space<vmem>>, vector<16xf32>,
        %get3A_514 = arith.index_cast %scan3A_501 : i32 to index
        %get3A_515 = arith.constant 0 : index
        %get3A_516 = tpu.vector_load %arg20[%get3A_514, %get3A_515] {strides = array<i32>} : memref<128x64xf32, #tpu.memory_space<vmem>>, vector<16xf32>,
        %get3A_517 = arith.index_cast %scan3A_501 : i32 to index
        %get3A_518 = arith.constant 16 : index
        %get3A_519 = tpu.vector_load %arg20[%get3A_517, %get3A_518] {strides = array<i32>} : memref<128x64xf32, #tpu.memory_space<vmem>>, vector<16xf32>,
        %get3A_520 = arith.index_cast %scan3A_501 : i32 to index
        %get3A_521 = arith.constant 32 : index
        %get3A_522 = tpu.vector_load %arg20[%get3A_520, %get3A_521] {strides = array<i32>} : memref<128x64xf32, #tpu.memory_space<vmem>>, vector<16xf32>,
        %get3A_523 = arith.index_cast %scan3A_501 : i32 to index
        %get3A_524 = arith.constant 48 : index
        %get3A_525 = tpu.vector_load %arg20[%get3A_523, %get3A_524] {strides = array<i32>} : memref<128x64xf32, #tpu.memory_space<vmem>>, vector<16xf32>,
        %get3A_526 = arith.index_cast %scan3A_501 : i32 to index
        %get3A_527 = arith.constant 0 : index
        %get3A_528 = tpu.vector_load %arg21[%get3A_526, %get3A_527] {strides = array<i32>} : memref<128x64xf32, #tpu.memory_space<vmem>>, vector<16xf32>,
        %get3A_529 = arith.index_cast %scan3A_501 : i32 to index
        %get3A_530 = arith.constant 16 : index
        %get3A_531 = tpu.vector_load %arg21[%get3A_529, %get3A_530] {strides = array<i32>} : memref<128x64xf32, #tpu.memory_space<vmem>>, vector<16xf32>,
        %get3A_532 = arith.index_cast %scan3A_501 : i32 to index
        %get3A_533 = arith.constant 32 : index
        %get3A_534 = tpu.vector_load %arg21[%get3A_532, %get3A_533] {strides = array<i32>} : memref<128x64xf32, #tpu.memory_space<vmem>>, vector<16xf32>,
        %get3A_535 = arith.index_cast %scan3A_501 : i32 to index
        %get3A_536 = arith.constant 48 : index
        %get3A_537 = tpu.vector_load %arg21[%get3A_535, %get3A_536] {strides = array<i32>} : memref<128x64xf32, #tpu.memory_space<vmem>>, vector<16xf32>,
        %mul3A_538 = arith.constant 16 : i32
        %mul3A_539 = arith.muli %scan3A_501, %mul3A_538 : i32
        %mul3A_540 = arith.mulf %get3A_504, %get3A_504 : vector<16xf32>
        %mul3A_541 = arith.mulf %get3A_507, %get3A_507 : vector<16xf32>
        %add3A_542 = arith.addf %mul3A_540, %mul3A_541 : vector<16xf32>
        %mul3A_543 = arith.mulf %get3A_510, %get3A_510 : vector<16xf32>
        %add3A_544 = arith.addf %add3A_542, %mul3A_543 : vector<16xf32>
        %mul3A_545 = arith.mulf %get3A_513, %get3A_513 : vector<16xf32>
        %add3A_546 = arith.addf %add3A_544, %mul3A_545 : vector<16xf32>
        %swap3A_547 = arith.index_cast %mul3A_539 : i32 to index
        %swap3A_548 = tpu.vector_load %arg28[%swap3A_547] {strides = array<i32>} : memref<2048xf32, #tpu.memory_space<vmem>>, vector<16xf32>,
        tpu.vector_store %arg28[%swap3A_547], %add3A_546 {strides = array<i32>} : memref<2048xf32, #tpu.memory_space<vmem>>, vector<16xf32>,
        %mul3A_549 = arith.mulf %get3A_516, %get3A_516 : vector<16xf32>
        %mul3A_550 = arith.mulf %get3A_519, %get3A_519 : vector<16xf32>
        %add3A_551 = arith.addf %mul3A_549, %mul3A_550 : vector<16xf32>
        %mul3A_552 = arith.mulf %get3A_522, %get3A_522 : vector<16xf32>
        %add3A_553 = arith.addf %add3A_551, %mul3A_552 : vector<16xf32>
        %mul3A_554 = arith.mulf %get3A_525, %get3A_525 : vector<16xf32>
        %add3A_555 = arith.addf %add3A_553, %mul3A_554 : vector<16xf32>
        %swap3A_556 = arith.index_cast %mul3A_539 : i32 to index
        %swap3A_557 = tpu.vector_load %arg29[%swap3A_556] {strides = array<i32>} : memref<2048xf32, #tpu.memory_space<vmem>>, vector<16xf32>,
        tpu.vector_store %arg29[%swap3A_556], %add3A_555 {strides = array<i32>} : memref<2048xf32, #tpu.memory_space<vmem>>, vector<16xf32>,
        %mul3A_558 = arith.mulf %get3A_528, %get3A_528 : vector<16xf32>
        %mul3A_559 = arith.mulf %get3A_531, %get3A_531 : vector<16xf32>
        %add3A_560 = arith.addf %mul3A_558, %mul3A_559 : vector<16xf32>
        %mul3A_561 = arith.mulf %get3A_534, %get3A_534 : vector<16xf32>
        %add3A_562 = arith.addf %add3A_560, %mul3A_561 : vector<16xf32>
        %mul3A_563 = arith.mulf %get3A_537, %get3A_537 : vector<16xf32>
        %add3A_564 = arith.addf %add3A_562, %mul3A_563 : vector<16xf32>
        %swap3A_565 = arith.index_cast %mul3A_539 : i32 to index
        %swap3A_566 = tpu.vector_load %arg30[%swap3A_565] {strides = array<i32>} : memref<2048xf32, #tpu.memory_space<vmem>>, vector<16xf32>,
        tpu.vector_store %arg30[%swap3A_565], %add3A_564 {strides = array<i32>} : memref<2048xf32, #tpu.memory_space<vmem>>, vector<16xf32>,
        %mul3A_567 = arith.mulf %get3A_528, %get3A_179 : vector<16xf32>
        %mul3A_568 = arith.mulf %get3A_531, %get3A_183 : vector<16xf32>
        %add3A_569 = arith.addf %mul3A_567, %mul3A_568 : vector<16xf32>
        %mul3A_570 = arith.mulf %get3A_534, %get3A_187 : vector<16xf32>
        %add3A_571 = arith.addf %add3A_569, %mul3A_570 : vector<16xf32>
        %mul3A_572 = arith.mulf %get3A_537, %get3A_191 : vector<16xf32>
        %add3A_573 = arith.addf %add3A_571, %mul3A_572 : vector<16xf32>
        %swap3A_574 = arith.index_cast %mul3A_539 : i32 to index
        %swap3A_575 = tpu.vector_load %arg31[%swap3A_574] {strides = array<i32>} : memref<2048xf32, #tpu.memory_space<vmem>>, vector<16xf32>,
        tpu.vector_store %arg31[%swap3A_574], %add3A_573 {strides = array<i32>} : memref<2048xf32, #tpu.memory_space<vmem>>, vector<16xf32>,
        %mul3A_576 = arith.mulf %get3A_504, %get3A_516 : vector<16xf32>
        %mul3A_577 = arith.mulf %get3A_507, %get3A_519 : vector<16xf32>
        %add3A_578 = arith.addf %mul3A_576, %mul3A_577 : vector<16xf32>
        %mul3A_579 = arith.mulf %get3A_510, %get3A_522 : vector<16xf32>
        %add3A_580 = arith.addf %add3A_578, %mul3A_579 : vector<16xf32>
        %mul3A_581 = arith.mulf %get3A_513, %get3A_525 : vector<16xf32>
        %add3A_582 = arith.addf %add3A_580, %mul3A_581 : vector<16xf32>
        %swap3A_583 = arith.index_cast %mul3A_539 : i32 to index
        %swap3A_584 = tpu.vector_load %arg32[%swap3A_583] {strides = array<i32>} : memref<2048xf32, #tpu.memory_space<vmem>>, vector<16xf32>,
        tpu.vector_store %arg32[%swap3A_583], %add3A_582 {strides = array<i32>} : memref<2048xf32, #tpu.memory_space<vmem>>, vector<16xf32>,
        %mul3A_585 = arith.mulf %get3A_504, %get3A_528 : vector<16xf32>
        %mul3A_586 = arith.mulf %get3A_507, %get3A_531 : vector<16xf32>
        %add3A_587 = arith.addf %mul3A_585, %mul3A_586 : vector<16xf32>
        %mul3A_588 = arith.mulf %get3A_510, %get3A_534 : vector<16xf32>
        %add3A_589 = arith.addf %add3A_587, %mul3A_588 : vector<16xf32>
        %mul3A_590 = arith.mulf %get3A_513, %get3A_537 : vector<16xf32>
        %add3A_591 = arith.addf %add3A_589, %mul3A_590 : vector<16xf32>
        %swap3A_592 = arith.index_cast %mul3A_539 : i32 to index
        %swap3A_593 = tpu.vector_load %arg33[%swap3A_592] {strides = array<i32>} : memref<2048xf32, #tpu.memory_space<vmem>>, vector<16xf32>,
        tpu.vector_store %arg33[%swap3A_592], %add3A_591 {strides = array<i32>} : memref<2048xf32, #tpu.memory_space<vmem>>, vector<16xf32>,
      }
      %scan3A_197 = arith.constant 128 : i32
      %mul3A_198 = arith.constant 128 : i32
      %mul3A_199 = arith.muli %add3A_90, %mul3A_198 : i32
      %add3A_200 = arith.addi %mul3A_2, %mul3A_199 : i32
      %mul3A_201 = arith.constant 16 : i32
      %mul3A_202 = arith.muli %add3A_200, %mul3A_201 : i32
      %dma_start3A_203 = tpu.memref_slice %arg7[%mul3A_202] : memref<2097152xf32, #tpu.memory_space<hbm>> -> memref<2048xf32, #tpu.memory_space<hbm>>
      %dma_start3A_204 = tpu.memref_slice %arg7[%mul3A_202] : memref<2097152xf32, #tpu.memory_space<hbm>> -> memref<2048xf32, #tpu.memory_space<hbm>>
      tpu.enqueue_dma source(%arg28 : memref<2048xf32, #tpu.memory_space<vmem>>) target(%dma_start3A_204 : memref<2048xf32, #tpu.memory_space<hbm>>) target_semaphore(%arg37 : memref<!tpu.dma_semaphore, #tpu.memory_space<semaphore_mem>>)
      %dma_start3A_205 = tpu.memref_slice %arg8[%mul3A_202] : memref<2097152xf32, #tpu.memory_space<hbm>> -> memref<2048xf32, #tpu.memory_space<hbm>>
      %dma_start3A_206 = tpu.memref_slice %arg8[%mul3A_202] : memref<2097152xf32, #tpu.memory_space<hbm>> -> memref<2048xf32, #tpu.memory_space<hbm>>
      tpu.enqueue_dma source(%arg29 : memref<2048xf32, #tpu.memory_space<vmem>>) target(%dma_start3A_206 : memref<2048xf32, #tpu.memory_space<hbm>>) target_semaphore(%arg37 : memref<!tpu.dma_semaphore, #tpu.memory_space<semaphore_mem>>)
      %dma_start3A_207 = tpu.memref_slice %arg9[%mul3A_202] : memref<2097152xf32, #tpu.memory_space<hbm>> -> memref<2048xf32, #tpu.memory_space<hbm>>
      %dma_start3A_208 = tpu.memref_slice %arg9[%mul3A_202] : memref<2097152xf32, #tpu.memory_space<hbm>> -> memref<2048xf32, #tpu.memory_space<hbm>>
      tpu.enqueue_dma source(%arg30 : memref<2048xf32, #tpu.memory_space<vmem>>) target(%dma_start3A_208 : memref<2048xf32, #tpu.memory_space<hbm>>) target_semaphore(%arg37 : memref<!tpu.dma_semaphore, #tpu.memory_space<semaphore_mem>>)
      %dma_start3A_209 = tpu.memref_slice %arg10[%mul3A_202] : memref<2097152xf32, #tpu.memory_space<hbm>> -> memref<2048xf32, #tpu.memory_space<hbm>>
      %dma_start3A_210 = tpu.memref_slice %arg10[%mul3A_202] : memref<2097152xf32, #tpu.memory_space<hbm>> -> memref<2048xf32, #tpu.memory_space<hbm>>
      tpu.enqueue_dma source(%arg31 : memref<2048xf32, #tpu.memory_space<vmem>>) target(%dma_start3A_210 : memref<2048xf32, #tpu.memory_space<hbm>>) target_semaphore(%arg37 : memref<!tpu.dma_semaphore, #tpu.memory_space<semaphore_mem>>)
      %dma_start3A_211 = tpu.memref_slice %arg11[%mul3A_202] : memref<2097152xf32, #tpu.memory_space<hbm>> -> memref<2048xf32, #tpu.memory_space<hbm>>
      %dma_start3A_212 = tpu.memref_slice %arg11[%mul3A_202] : memref<2097152xf32, #tpu.memory_space<hbm>> -> memref<2048xf32, #tpu.memory_space<hbm>>
      tpu.enqueue_dma source(%arg32 : memref<2048xf32, #tpu.memory_space<vmem>>) target(%dma_start3A_212 : memref<2048xf32, #tpu.memory_space<hbm>>) target_semaphore(%arg37 : memref<!tpu.dma_semaphore, #tpu.memory_space<semaphore_mem>>)
      %dma_start3A_213 = tpu.memref_slice %arg12[%mul3A_202] : memref<2097152xf32, #tpu.memory_space<hbm>> -> memref<2048xf32, #tpu.memory_space<hbm>>
      %dma_start3A_214 = tpu.memref_slice %arg12[%mul3A_202] : memref<2097152xf32, #tpu.memory_space<hbm>> -> memref<2048xf32, #tpu.memory_space<hbm>>
      tpu.enqueue_dma source(%arg33 : memref<2048xf32, #tpu.memory_space<vmem>>) target(%dma_start3A_214 : memref<2048xf32, #tpu.memory_space<hbm>>) target_semaphore(%arg37 : memref<!tpu.dma_semaphore, #tpu.memory_space<semaphore_mem>>)
      %lt3A_215 = arith.constant 15 : i32
      %lt3A_216 = arith.cmpi slt, %scan3A_84, %lt3A_215 : i32
      %convert_element_type3A_217 = arith.extui %lt3A_216 : i1 to i32
      %cond3A_218 = arith.constant 0 : i32
      %cond3A_219 = arith.cmpi ne, %convert_element_type3A_217, %cond3A_218 : i32
      scf.if %cond3A_219 {
        %add3A_220 = arith.constant 2 : i32
        %add3A_221 = arith.addi %add3A_90, %add3A_220 : i32
        %mul3A_222 = arith.constant 128 : i32
        %mul3A_223 = arith.muli %add3A_221, %mul3A_222 : i32
        %dma_start3A_224 = tpu.memref_slice %arg13[%mul3A_223] : memref<4096xi32, #tpu.memory_space<vmem>> -> memref<128xi32, #tpu.memory_space<vmem>>
        %dma_start3A_225 = arith.constant 0 : i32
        %dma_start3A_226 = arith.constant 0 : i32
        %dma_start3A_227 = tpu.memref_slice %arg2[%dma_start3A_225, %dma_start3A_226] : memref<200000x64xf32, #tpu.memory_space<hbm>> -> memref<200000x64xf32, #tpu.memory_space<hbm>>
        tpu.enqueue_indirect_dma source(%dma_start3A_227 : memref<200000x64xf32, #tpu.memory_space<hbm>>) target(%arg19 : memref<128x64xf32, #tpu.memory_space<vmem>>) offsets(%dma_start3A_224 : memref<128xi32, #tpu.memory_space<vmem>>) semaphore(%arg35 : memref<!tpu.dma_semaphore, #tpu.memory_space<semaphore_mem>>)
        %dma_start3A_228 = tpu.memref_slice %arg14[%mul3A_223] : memref<4096xi32, #tpu.memory_space<vmem>> -> memref<128xi32, #tpu.memory_space<vmem>>
        %dma_start3A_229 = arith.constant 0 : i32
        %dma_start3A_230 = arith.constant 0 : i32
        %dma_start3A_231 = tpu.memref_slice %arg2[%dma_start3A_229, %dma_start3A_230] : memref<200000x64xf32, #tpu.memory_space<hbm>> -> memref<200000x64xf32, #tpu.memory_space<hbm>>
        tpu.enqueue_indirect_dma source(%dma_start3A_231 : memref<200000x64xf32, #tpu.memory_space<hbm>>) target(%arg20 : memref<128x64xf32, #tpu.memory_space<vmem>>) offsets(%dma_start3A_228 : memref<128xi32, #tpu.memory_space<vmem>>) semaphore(%arg35 : memref<!tpu.dma_semaphore, #tpu.memory_space<semaphore_mem>>)
        %dma_start3A_232 = tpu.memref_slice %arg15[%mul3A_223] : memref<4096xi32, #tpu.memory_space<vmem>> -> memref<128xi32, #tpu.memory_space<vmem>>
        %dma_start3A_233 = arith.constant 0 : i32
        %dma_start3A_234 = arith.constant 0 : i32
        %dma_start3A_235 = tpu.memref_slice %arg3[%dma_start3A_233, %dma_start3A_234] : memref<100000x64xf32, #tpu.memory_space<hbm>> -> memref<100000x64xf32, #tpu.memory_space<hbm>>
        tpu.enqueue_indirect_dma source(%dma_start3A_235 : memref<100000x64xf32, #tpu.memory_space<hbm>>) target(%arg21 : memref<128x64xf32, #tpu.memory_space<vmem>>) offsets(%dma_start3A_232 : memref<128xi32, #tpu.memory_space<vmem>>) semaphore(%arg35 : memref<!tpu.dma_semaphore, #tpu.memory_space<semaphore_mem>>)
      } else {
      }
    }
    %scan3A_36 = arith.constant 16 : i32
    %dma_wait3A = arith.constant 0 : i32
    %dma_wait3A_37 = tpu.memref_slice %arg7[%dma_wait3A] : memref<2097152xf32, #tpu.memory_space<hbm>> -> memref<2048xf32, #tpu.memory_space<hbm>>
    %dma_wait3A_38 = arith.constant 0 : i32
    %dma_wait3A_39 = tpu.memref_slice %arg7[%dma_wait3A_38] : memref<2097152xf32, #tpu.memory_space<hbm>> -> memref<2048xf32, #tpu.memory_space<hbm>>
    tpu.wait_dma2 semaphore(%arg36 : memref<!tpu.dma_semaphore, #tpu.memory_space<semaphore_mem>>) src(%dma_wait3A_39 : memref<2048xf32, #tpu.memory_space<hbm>>) dst(%arg22 : memref<2048xf32, #tpu.memory_space<vmem>>)
    %dma_wait3A_40 = arith.constant 0 : i32
    %dma_wait3A_41 = tpu.memref_slice %arg8[%dma_wait3A_40] : memref<2097152xf32, #tpu.memory_space<hbm>> -> memref<2048xf32, #tpu.memory_space<hbm>>
    %dma_wait3A_42 = arith.constant 0 : i32
    %dma_wait3A_43 = tpu.memref_slice %arg8[%dma_wait3A_42] : memref<2097152xf32, #tpu.memory_space<hbm>> -> memref<2048xf32, #tpu.memory_space<hbm>>
    tpu.wait_dma2 semaphore(%arg36 : memref<!tpu.dma_semaphore, #tpu.memory_space<semaphore_mem>>) src(%dma_wait3A_43 : memref<2048xf32, #tpu.memory_space<hbm>>) dst(%arg23 : memref<2048xf32, #tpu.memory_space<vmem>>)
    %dma_wait3A_44 = arith.constant 0 : i32
    %dma_wait3A_45 = tpu.memref_slice %arg9[%dma_wait3A_44] : memref<2097152xf32, #tpu.memory_space<hbm>> -> memref<2048xf32, #tpu.memory_space<hbm>>
    %dma_wait3A_46 = arith.constant 0 : i32
    %dma_wait3A_47 = tpu.memref_slice %arg9[%dma_wait3A_46] : memref<2097152xf32, #tpu.memory_space<hbm>> -> memref<2048xf32, #tpu.memory_space<hbm>>
    tpu.wait_dma2 semaphore(%arg36 : memref<!tpu.dma_semaphore, #tpu.memory_space<semaphore_mem>>) src(%dma_wait3A_47 : memref<2048xf32, #tpu.memory_space<hbm>>) dst(%arg24 : memref<2048xf32, #tpu.memory_space<vmem>>)
    %dma_wait3A_48 = arith.constant 0 : i32
    %dma_wait3A_49 = tpu.memref_slice %arg10[%dma_wait3A_48] : memref<2097152xf32, #tpu.memory_space<hbm>> -> memref<2048xf32, #tpu.memory_space<hbm>>
    %dma_wait3A_50 = arith.constant 0 : i32
    %dma_wait3A_51 = tpu.memref_slice %arg10[%dma_wait3A_50] : memref<2097152xf32, #tpu.memory_space<hbm>> -> memref<2048xf32, #tpu.memory_space<hbm>>
    tpu.wait_dma2 semaphore(%arg36 : memref<!tpu.dma_semaphore, #tpu.memory_space<semaphore_mem>>) src(%dma_wait3A_51 : memref<2048xf32, #tpu.memory_space<hbm>>) dst(%arg25 : memref<2048xf32, #tpu.memory_space<vmem>>)
    %dma_wait3A_52 = arith.constant 0 : i32
    %dma_wait3A_53 = tpu.memref_slice %arg11[%dma_wait3A_52] : memref<2097152xf32, #tpu.memory_space<hbm>> -> memref<2048xf32, #tpu.memory_space<hbm>>
    %dma_wait3A_54 = arith.constant 0 : i32
    %dma_wait3A_55 = tpu.memref_slice %arg11[%dma_wait3A_54] : memref<2097152xf32, #tpu.memory_space<hbm>> -> memref<2048xf32, #tpu.memory_space<hbm>>
    tpu.wait_dma2 semaphore(%arg36 : memref<!tpu.dma_semaphore, #tpu.memory_space<semaphore_mem>>) src(%dma_wait3A_55 : memref<2048xf32, #tpu.memory_space<hbm>>) dst(%arg26 : memref<2048xf32, #tpu.memory_space<vmem>>)
    %dma_wait3A_56 = arith.constant 0 : i32
    %dma_wait3A_57 = tpu.memref_slice %arg12[%dma_wait3A_56] : memref<2097152xf32, #tpu.memory_space<hbm>> -> memref<2048xf32, #tpu.memory_space<hbm>>
    %dma_wait3A_58 = arith.constant 0 : i32
    %dma_wait3A_59 = tpu.memref_slice %arg12[%dma_wait3A_58] : memref<2097152xf32, #tpu.memory_space<hbm>> -> memref<2048xf32, #tpu.memory_space<hbm>>
    tpu.wait_dma2 semaphore(%arg36 : memref<!tpu.dma_semaphore, #tpu.memory_space<semaphore_mem>>) src(%dma_wait3A_59 : memref<2048xf32, #tpu.memory_space<hbm>>) dst(%arg27 : memref<2048xf32, #tpu.memory_space<vmem>>)
    %dma_wait3A_60 = arith.constant 0 : i32
    %dma_wait3A_61 = tpu.memref_slice %arg7[%dma_wait3A_60] : memref<2097152xf32, #tpu.memory_space<hbm>> -> memref<2048xf32, #tpu.memory_space<hbm>>
    %dma_wait3A_62 = arith.constant 0 : i32
    %dma_wait3A_63 = tpu.memref_slice %arg7[%dma_wait3A_62] : memref<2097152xf32, #tpu.memory_space<hbm>> -> memref<2048xf32, #tpu.memory_space<hbm>>
    tpu.wait_dma2 semaphore(%arg37 : memref<!tpu.dma_semaphore, #tpu.memory_space<semaphore_mem>>) src(%dma_wait3A_63 : memref<2048xf32, #tpu.memory_space<hbm>>) dst(%arg28 : memref<2048xf32, #tpu.memory_space<vmem>>)
    %dma_wait3A_64 = arith.constant 0 : i32
    %dma_wait3A_65 = tpu.memref_slice %arg8[%dma_wait3A_64] : memref<2097152xf32, #tpu.memory_space<hbm>> -> memref<2048xf32, #tpu.memory_space<hbm>>
    %dma_wait3A_66 = arith.constant 0 : i32
    %dma_wait3A_67 = tpu.memref_slice %arg8[%dma_wait3A_66] : memref<2097152xf32, #tpu.memory_space<hbm>> -> memref<2048xf32, #tpu.memory_space<hbm>>
    tpu.wait_dma2 semaphore(%arg37 : memref<!tpu.dma_semaphore, #tpu.memory_space<semaphore_mem>>) src(%dma_wait3A_67 : memref<2048xf32, #tpu.memory_space<hbm>>) dst(%arg29 : memref<2048xf32, #tpu.memory_space<vmem>>)
    %dma_wait3A_68 = arith.constant 0 : i32
    %dma_wait3A_69 = tpu.memref_slice %arg9[%dma_wait3A_68] : memref<2097152xf32, #tpu.memory_space<hbm>> -> memref<2048xf32, #tpu.memory_space<hbm>>
    %dma_wait3A_70 = arith.constant 0 : i32
    %dma_wait3A_71 = tpu.memref_slice %arg9[%dma_wait3A_70] : memref<2097152xf32, #tpu.memory_space<hbm>> -> memref<2048xf32, #tpu.memory_space<hbm>>
    tpu.wait_dma2 semaphore(%arg37 : memref<!tpu.dma_semaphore, #tpu.memory_space<semaphore_mem>>) src(%dma_wait3A_71 : memref<2048xf32, #tpu.memory_space<hbm>>) dst(%arg30 : memref<2048xf32, #tpu.memory_space<vmem>>)
    %dma_wait3A_72 = arith.constant 0 : i32
    %dma_wait3A_73 = tpu.memref_slice %arg10[%dma_wait3A_72] : memref<2097152xf32, #tpu.memory_space<hbm>> -> memref<2048xf32, #tpu.memory_space<hbm>>
    %dma_wait3A_74 = arith.constant 0 : i32
    %dma_wait3A_75 = tpu.memref_slice %arg10[%dma_wait3A_74] : memref<2097152xf32, #tpu.memory_space<hbm>> -> memref<2048xf32, #tpu.memory_space<hbm>>
    tpu.wait_dma2 semaphore(%arg37 : memref<!tpu.dma_semaphore, #tpu.memory_space<semaphore_mem>>) src(%dma_wait3A_75 : memref<2048xf32, #tpu.memory_space<hbm>>) dst(%arg31 : memref<2048xf32, #tpu.memory_space<vmem>>)
    %dma_wait3A_76 = arith.constant 0 : i32
    %dma_wait3A_77 = tpu.memref_slice %arg11[%dma_wait3A_76] : memref<2097152xf32, #tpu.memory_space<hbm>> -> memref<2048xf32, #tpu.memory_space<hbm>>
    %dma_wait3A_78 = arith.constant 0 : i32
    %dma_wait3A_79 = tpu.memref_slice %arg11[%dma_wait3A_78] : memref<2097152xf32, #tpu.memory_space<hbm>> -> memref<2048xf32, #tpu.memory_space<hbm>>
    tpu.wait_dma2 semaphore(%arg37 : memref<!tpu.dma_semaphore, #tpu.memory_space<semaphore_mem>>) src(%dma_wait3A_79 : memref<2048xf32, #tpu.memory_space<hbm>>) dst(%arg32 : memref<2048xf32, #tpu.memory_space<vmem>>)
    %dma_wait3A_80 = arith.constant 0 : i32
    %dma_wait3A_81 = tpu.memref_slice %arg12[%dma_wait3A_80] : memref<2097152xf32, #tpu.memory_space<hbm>> -> memref<2048xf32, #tpu.memory_space<hbm>>
    %dma_wait3A_82 = arith.constant 0 : i32
    %dma_wait3A_83 = tpu.memref_slice %arg12[%dma_wait3A_82] : memref<2097152xf32, #tpu.memory_space<hbm>> -> memref<2048xf32, #tpu.memory_space<hbm>>
    tpu.wait_dma2 semaphore(%arg37 : memref<!tpu.dma_semaphore, #tpu.memory_space<semaphore_mem>>) src(%dma_wait3A_83 : memref<2048xf32, #tpu.memory_space<hbm>>) dst(%arg33 : memref<2048xf32, #tpu.memory_space<vmem>>)
    return
  }
}

module attributes {stable_mosaic.version = 14 : i64} {
  func.func @_mlp_body(%arg0: i32, %arg1: memref<2000x128xf32, #tpu.memory_space<vmem>>, %arg2: memref<128x256xf32, #tpu.memory_space<vmem>>, %arg3: memref<1x256xf32, #tpu.memory_space<vmem>>, %arg4: memref<256x64xf32, #tpu.memory_space<vmem>>, %arg5: memref<1x64xf32, #tpu.memory_space<vmem>>, %arg6: memref<2000x64xf32, #tpu.memory_space<vmem>>) attributes {dimension_semantics = [#tpu.dimension_semantics<arbitrary>], iteration_bounds = array<i64: 50>, scalar_prefetch = 0 : i64, scratch_operands = 0 : i64, tpu.core_type = #tpu.core_type<tc>, window_params = [{transform_indices = @transform_0, window_bounds = array<i64: 2000, 128>}, {pipeline_mode = #tpu.pipeline_mode<synchronous>, transform_indices = @transform_1, window_bounds = array<i64: 128, 256>}, {pipeline_mode = #tpu.pipeline_mode<synchronous>, transform_indices = @transform_2, window_bounds = array<i64: 1, 256>}, {pipeline_mode = #tpu.pipeline_mode<synchronous>, transform_indices = @transform_3, window_bounds = array<i64: 256, 64>}, {pipeline_mode = #tpu.pipeline_mode<synchronous>, transform_indices = @transform_4, window_bounds = array<i64: 1, 64>}, {transform_indices = @transform_5, window_bounds = array<i64: 2000, 64>}]} {
    %get3A = arith.constant 0 : index
    %get3A_0 = arith.constant 0 : index
    %get3A_1 = vector.load %arg1[%get3A, %get3A_0] : memref<2000x128xf32, #tpu.memory_space<vmem>>, vector<2000x128xf32>
    %mul3A = arith.mulf %get3A_1, %get3A_1 : vector<2000x128xf32>
    %reduce_sum3A = arith.constant dense<0.000000e+00> : vector<2000xf32>
    %reduce_sum3A_2 = vector.multi_reduction <add>, %mul3A, %reduce_sum3A [1] : vector<2000x128xf32> to vector<2000xf32>
    %broadcast_in_dim3A = vector.shape_cast %reduce_sum3A_2 : vector<2000xf32> to vector<2000x1xf32>
    %sqrt3A = math.sqrt %broadcast_in_dim3A : vector<2000x1xf32>
    %max3A = arith.constant 9.99999996E-13 : f32
    %max3A_3 = vector.broadcast %max3A : f32 to vector<2000x1xf32>
    %max3A_4 = arith.maximumf %sqrt3A, %max3A_3 : vector<2000x1xf32>
    %div3A = vector.broadcast %max3A_4 : vector<2000x1xf32> to vector<2000x128xf32>
    %div3A_5 = arith.divf %get3A_1, %div3A : vector<2000x128xf32>
    %get3A_6 = arith.constant 0 : index
    %get3A_7 = arith.constant 0 : index
    %get3A_8 = vector.load %arg2[%get3A_6, %get3A_7] : memref<128x256xf32, #tpu.memory_space<vmem>>, vector<128x256xf32>
    %dot_general3A = arith.constant dense<0.000000e+00> : vector<2000x256xf32>
    %dot_general3A_9 = tpu.matmul %div3A_5, %get3A_8, %dot_general3A {dimension_numbers = #tpu.dot_dimension_numbers<[1], [0], [0], [1], [0, 0, 1, 1], [], []>, transpose_lhs_hint = false} : vector<2000x128xf32>, vector<128x256xf32>, vector<2000x256xf32> -> vector<2000x256xf32>
    %get3A_10 = arith.constant 0 : index
    %get3A_11 = arith.constant 0 : index
    %get3A_12 = vector.load %arg3[%get3A_10, %get3A_11] : memref<1x256xf32, #tpu.memory_space<vmem>>, vector<1x256xf32>
    %add3A = vector.broadcast %get3A_12 : vector<1x256xf32> to vector<2000x256xf32>
    %add3A_13 = arith.addf %dot_general3A_9, %add3A : vector<2000x256xf32>
    %ge3A = arith.constant 0.000000e+00 : f32
    %ge3A_14 = vector.broadcast %ge3A : f32 to vector<2000x256xf32>
    %ge3A_15 = arith.cmpf oge, %add3A_13, %ge3A_14 : vector<2000x256xf32>
    %mul3A_16 = arith.constant 0.00999999977 : f32
    %mul3A_17 = vector.broadcast %mul3A_16 : f32 to vector<2000x256xf32>
    %mul3A_18 = arith.mulf %mul3A_17, %add3A_13 : vector<2000x256xf32>
    %select_n3A = arith.select %ge3A_15, %add3A_13, %mul3A_18 : vector<2000x256xi1>, vector<2000x256xf32>
    %get3A_19 = arith.constant 0 : index
    %get3A_20 = arith.constant 0 : index
    %get3A_21 = vector.load %arg4[%get3A_19, %get3A_20] : memref<256x64xf32, #tpu.memory_space<vmem>>, vector<256x64xf32>
    %dot_general3A_22 = arith.constant dense<0.000000e+00> : vector<2000x64xf32>
    %dot_general3A_23 = tpu.matmul %select_n3A, %get3A_21, %dot_general3A_22 {dimension_numbers = #tpu.dot_dimension_numbers<[1], [0], [0], [1], [0, 0, 1, 1], [], []>, transpose_lhs_hint = false} : vector<2000x256xf32>, vector<256x64xf32>, vector<2000x64xf32> -> vector<2000x64xf32>
    %get3A_24 = arith.constant 0 : index
    %get3A_25 = arith.constant 0 : index
    %get3A_26 = vector.load %arg5[%get3A_24, %get3A_25] : memref<1x64xf32, #tpu.memory_space<vmem>>, vector<1x64xf32>
    %add3A_27 = vector.broadcast %get3A_26 : vector<1x64xf32> to vector<2000x64xf32>
    %add3A_28 = arith.addf %dot_general3A_23, %add3A_27 : vector<2000x64xf32>
    %swap3A = arith.constant 0 : index
    %swap3A_29 = arith.constant 0 : index
    %swap3A_30 = vector.load %arg6[%swap3A, %swap3A_29] : memref<2000x64xf32, #tpu.memory_space<vmem>>, vector<2000x64xf32>
    tpu.vector_store %arg6[%swap3A, %swap3A_29], %add3A_28 {strides = array<i32>} : memref<2000x64xf32, #tpu.memory_space<vmem>>, vector<2000x64xf32>,
    return
  }
  func.func @transform_0(%arg0: i32) -> (i32, i32) {
    %c0_i32 = arith.constant 0 : i32
    %c0_i32_0 = arith.constant 0 : i32
    return %arg0, %c0_i32 : i32, i32
  }
  func.func @transform_1(%arg0: i32) -> (i32, i32) {
    %c0_i32 = arith.constant 0 : i32
    %c0_i32_0 = arith.constant 0 : i32
    %c0_i32_1 = arith.constant 0 : i32
    return %c0_i32, %c0_i32_0 : i32, i32
  }
  func.func @transform_2(%arg0: i32) -> (i32, i32) {
    %c0_i32 = arith.constant 0 : i32
    %c0_i32_0 = arith.constant 0 : i32
    %c0_i32_1 = arith.constant 0 : i32
    return %c0_i32, %c0_i32_0 : i32, i32
  }
  func.func @transform_3(%arg0: i32) -> (i32, i32) {
    %c0_i32 = arith.constant 0 : i32
    %c0_i32_0 = arith.constant 0 : i32
    %c0_i32_1 = arith.constant 0 : i32
    return %c0_i32, %c0_i32_0 : i32, i32
  }
  func.func @transform_4(%arg0: i32) -> (i32, i32) {
    %c0_i32 = arith.constant 0 : i32
    %c0_i32_0 = arith.constant 0 : i32
    %c0_i32_1 = arith.constant 0 : i32
    return %c0_i32, %c0_i32_0 : i32, i32
  }
  func.func @transform_5(%arg0: i32) -> (i32, i32) {
    %c0_i32 = arith.constant 0 : i32
    %c0_i32_0 = arith.constant 0 : i32
    return %arg0, %c0_i32 : i32, i32
  }
}

module attributes {stable_mosaic.version = 14 : i64} {
  func.func @_fin_body(%arg0: i32, %arg1: memref<2048x128xf32, #tpu.memory_space<vmem>>, %arg2: memref<2048x128xf32, #tpu.memory_space<vmem>>, %arg3: memref<2048x128xf32, #tpu.memory_space<vmem>>, %arg4: memref<2048x128xf32, #tpu.memory_space<vmem>>, %arg5: memref<2048x128xf32, #tpu.memory_space<vmem>>, %arg6: memref<2048x128xf32, #tpu.memory_space<vmem>>, %arg7: memref<2048x8xf32, #tpu.memory_space<vmem>>, %arg8: memref<8x128xf32, #tpu.memory_space<vmem>>, %arg9: memref<8x128xf32, #tpu.memory_space<vmem>>, %arg10: memref<1x1xf32, #tpu.memory_space<vmem>>, %arg11: memref<1x1xf32, #tpu.memory_space<vmem>>) attributes {dimension_semantics = [#tpu.dimension_semantics<arbitrary>], iteration_bounds = array<i64: 8>, scalar_prefetch = 0 : i64, scratch_operands = 0 : i64, tpu.core_type = #tpu.core_type<tc>, window_params = [{transform_indices = @transform_0, window_bounds = array<i64: 2048, 128>}, {transform_indices = @transform_1, window_bounds = array<i64: 2048, 128>}, {transform_indices = @transform_2, window_bounds = array<i64: 2048, 128>}, {transform_indices = @transform_3, window_bounds = array<i64: 2048, 128>}, {transform_indices = @transform_4, window_bounds = array<i64: 2048, 128>}, {transform_indices = @transform_5, window_bounds = array<i64: 2048, 128>}, {transform_indices = @transform_6, window_bounds = array<i64: 2048, 8>}, {pipeline_mode = #tpu.pipeline_mode<synchronous>, transform_indices = @transform_7, window_bounds = array<i64: 8, 128>}, {pipeline_mode = #tpu.pipeline_mode<synchronous>, transform_indices = @transform_8, window_bounds = array<i64: 8, 128>}, {pipeline_mode = #tpu.pipeline_mode<synchronous>, transform_indices = @transform_9, window_bounds = array<i64: 1, 1>}, {pipeline_mode = #tpu.pipeline_mode<synchronous>, transform_indices = @transform_10, window_bounds = array<i64: 1, 1>}]} {
    %iota3A = tpu.iota {dimensions = array<i32: 0>} : vector<128x8xi32>
    %jit3A = arith.constant 16 : i32
    %div3A = vector.broadcast %jit3A : i32 to vector<128x8xi32>
    %div3A_0 = arith.divsi %iota3A, %div3A : vector<128x8xi32>
    %sign3A = arith.constant 0 : i32
    %sign3A_1 = vector.broadcast %sign3A : i32 to vector<128x8xi32>
    %sign3A_2 = arith.cmpi sgt, %iota3A, %sign3A_1 : vector<128x8xi32>
    %sign3A_3 = arith.extui %sign3A_2 : vector<128x8xi1> to vector<128x8xi32>
    %sign3A_4 = arith.constant 0 : i32
    %sign3A_5 = vector.broadcast %sign3A_4 : i32 to vector<128x8xi32>
    %sign3A_6 = arith.cmpi slt, %iota3A, %sign3A_5 : vector<128x8xi32>
    %sign3A_7 = arith.extui %sign3A_6 : vector<128x8xi1> to vector<128x8xi32>
    %sign3A_8 = arith.subi %sign3A_3, %sign3A_7 : vector<128x8xi32>
    %sign3A_9 = arith.constant 0 : i32
    %sign3A_10 = arith.cmpi sgt, %jit3A, %sign3A_9 : i32
    %sign3A_11 = arith.extui %sign3A_10 : i1 to i32
    %sign3A_12 = arith.constant 0 : i32
    %sign3A_13 = arith.cmpi slt, %jit3A, %sign3A_12 : i32
    %sign3A_14 = arith.extui %sign3A_13 : i1 to i32
    %sign3A_15 = arith.subi %sign3A_11, %sign3A_14 : i32
    %ne3A = vector.broadcast %sign3A_15 : i32 to vector<128x8xi32>
    %ne3A_16 = arith.cmpi ne, %sign3A_8, %ne3A : vector<128x8xi32>
    %rem3A = vector.broadcast %jit3A : i32 to vector<128x8xi32>
    %rem3A_17 = arith.remsi %iota3A, %rem3A : vector<128x8xi32>
    %ne3A_18 = arith.constant 0 : i32
    %ne3A_19 = vector.broadcast %ne3A_18 : i32 to vector<128x8xi32>
    %ne3A_20 = arith.cmpi ne, %rem3A_17, %ne3A_19 : vector<128x8xi32>
    %and3A = arith.andi %ne3A_16, %ne3A_20 : vector<128x8xi1>
    %sub3A = arith.constant 1 : i32
    %sub3A_21 = vector.broadcast %sub3A : i32 to vector<128x8xi32>
    %sub3A_22 = arith.subi %div3A_0, %sub3A_21 : vector<128x8xi32>
    %select_n3A = arith.select %and3A, %sub3A_22, %div3A_0 : vector<128x8xi1>, vector<128x8xi32>
    %iota3A_23 = tpu.iota {dimensions = array<i32: 1>} : vector<128x8xi32>
    %eq3A = arith.cmpi eq, %select_n3A, %iota3A_23 : vector<128x8xi32>
    %convert_element_type3A = arith.extui %eq3A : vector<128x8xi1> to vector<128x8xi32>
    %convert_element_type3A_24 = arith.sitofp %convert_element_type3A : vector<128x8xi32> to vector<128x8xf32>
    %get3A = arith.constant 0 : index
    %get3A_25 = arith.constant 0 : index
    %get3A_26 = vector.load %arg1[%get3A, %get3A_25] : memref<2048x128xf32, #tpu.memory_space<vmem>>, vector<2048x128xf32>
    %dot_general3A = arith.constant dense<0.000000e+00> : vector<2048x8xf32>
    %dot_general3A_27 = tpu.matmul %get3A_26, %convert_element_type3A_24, %dot_general3A {dimension_numbers = #tpu.dot_dimension_numbers<[1], [0], [0], [1], [0, 0, 1, 1], [], []>, transpose_lhs_hint = false} : vector<2048x128xf32>, vector<128x8xf32>, vector<2048x8xf32> -> vector<2048x8xf32>
    %get3A_28 = arith.constant 0 : index
    %get3A_29 = arith.constant 0 : index
    %get3A_30 = vector.load %arg2[%get3A_28, %get3A_29] : memref<2048x128xf32, #tpu.memory_space<vmem>>, vector<2048x128xf32>
    %dot_general3A_31 = arith.constant dense<0.000000e+00> : vector<2048x8xf32>
    %dot_general3A_32 = tpu.matmul %get3A_30, %convert_element_type3A_24, %dot_general3A_31 {dimension_numbers = #tpu.dot_dimension_numbers<[1], [0], [0], [1], [0, 0, 1, 1], [], []>, transpose_lhs_hint = false} : vector<2048x128xf32>, vector<128x8xf32>, vector<2048x8xf32> -> vector<2048x8xf32>
    %get3A_33 = arith.constant 0 : index
    %get3A_34 = arith.constant 0 : index
    %get3A_35 = vector.load %arg3[%get3A_33, %get3A_34] : memref<2048x128xf32, #tpu.memory_space<vmem>>, vector<2048x128xf32>
    %dot_general3A_36 = arith.constant dense<0.000000e+00> : vector<2048x8xf32>
    %dot_general3A_37 = tpu.matmul %get3A_35, %convert_element_type3A_24, %dot_general3A_36 {dimension_numbers = #tpu.dot_dimension_numbers<[1], [0], [0], [1], [0, 0, 1, 1], [], []>, transpose_lhs_hint = false} : vector<2048x128xf32>, vector<128x8xf32>, vector<2048x8xf32> -> vector<2048x8xf32>
    %get3A_38 = arith.constant 0 : index
    %get3A_39 = arith.constant 0 : index
    %get3A_40 = vector.load %arg4[%get3A_38, %get3A_39] : memref<2048x128xf32, #tpu.memory_space<vmem>>, vector<2048x128xf32>
    %dot_general3A_41 = arith.constant dense<0.000000e+00> : vector<2048x8xf32>
    %dot_general3A_42 = tpu.matmul %get3A_40, %convert_element_type3A_24, %dot_general3A_41 {dimension_numbers = #tpu.dot_dimension_numbers<[1], [0], [0], [1], [0, 0, 1, 1], [], []>, transpose_lhs_hint = false} : vector<2048x128xf32>, vector<128x8xf32>, vector<2048x8xf32> -> vector<2048x8xf32>
    %get3A_43 = arith.constant 0 : index
    %get3A_44 = arith.constant 0 : index
    %get3A_45 = vector.load %arg5[%get3A_43, %get3A_44] : memref<2048x128xf32, #tpu.memory_space<vmem>>, vector<2048x128xf32>
    %dot_general3A_46 = arith.constant dense<0.000000e+00> : vector<2048x8xf32>
    %dot_general3A_47 = tpu.matmul %get3A_45, %convert_element_type3A_24, %dot_general3A_46 {dimension_numbers = #tpu.dot_dimension_numbers<[1], [0], [0], [1], [0, 0, 1, 1], [], []>, transpose_lhs_hint = false} : vector<2048x128xf32>, vector<128x8xf32>, vector<2048x8xf32> -> vector<2048x8xf32>
    %get3A_48 = arith.constant 0 : index
    %get3A_49 = arith.constant 0 : index
    %get3A_50 = vector.load %arg6[%get3A_48, %get3A_49] : memref<2048x128xf32, #tpu.memory_space<vmem>>, vector<2048x128xf32>
    %dot_general3A_51 = arith.constant dense<0.000000e+00> : vector<2048x8xf32>
    %dot_general3A_52 = tpu.matmul %get3A_50, %convert_element_type3A_24, %dot_general3A_51 {dimension_numbers = #tpu.dot_dimension_numbers<[1], [0], [0], [1], [0, 0, 1, 1], [], []>, transpose_lhs_hint = false} : vector<2048x128xf32>, vector<128x8xf32>, vector<2048x8xf32> -> vector<2048x8xf32>
    %get3A_53 = arith.constant 0 : index
    %get3A_54 = arith.constant 0 : index
    %get3A_55 = vector.load %arg7[%get3A_53, %get3A_54] : memref<2048x8xf32, #tpu.memory_space<vmem>>, vector<2048x8xf32>
    %sub3A_56 = arith.subf %dot_general3A_52, %dot_general3A_47 : vector<2048x8xf32>
    %mul3A = arith.mulf %get3A_55, %sub3A_56 : vector<2048x8xf32>
    %add3A = arith.addf %dot_general3A_47, %mul3A : vector<2048x8xf32>
    %iota3A_57 = tpu.iota {dimensions = array<i32: 1>} : vector<128x2048xi32>
    %jit3A_58 = arith.constant 16 : i32
    %div3A_59 = vector.broadcast %jit3A_58 : i32 to vector<128x2048xi32>
    %div3A_60 = arith.divsi %iota3A_57, %div3A_59 : vector<128x2048xi32>
    %sign3A_61 = arith.constant 0 : i32
    %sign3A_62 = vector.broadcast %sign3A_61 : i32 to vector<128x2048xi32>
    %sign3A_63 = arith.cmpi sgt, %iota3A_57, %sign3A_62 : vector<128x2048xi32>
    %sign3A_64 = arith.extui %sign3A_63 : vector<128x2048xi1> to vector<128x2048xi32>
    %sign3A_65 = arith.constant 0 : i32
    %sign3A_66 = vector.broadcast %sign3A_65 : i32 to vector<128x2048xi32>
    %sign3A_67 = arith.cmpi slt, %iota3A_57, %sign3A_66 : vector<128x2048xi32>
    %sign3A_68 = arith.extui %sign3A_67 : vector<128x2048xi1> to vector<128x2048xi32>
    %sign3A_69 = arith.subi %sign3A_64, %sign3A_68 : vector<128x2048xi32>
    %sign3A_70 = arith.constant 0 : i32
    %sign3A_71 = arith.cmpi sgt, %jit3A_58, %sign3A_70 : i32
    %sign3A_72 = arith.extui %sign3A_71 : i1 to i32
    %sign3A_73 = arith.constant 0 : i32
    %sign3A_74 = arith.cmpi slt, %jit3A_58, %sign3A_73 : i32
    %sign3A_75 = arith.extui %sign3A_74 : i1 to i32
    %sign3A_76 = arith.subi %sign3A_72, %sign3A_75 : i32
    %ne3A_77 = vector.broadcast %sign3A_76 : i32 to vector<128x2048xi32>
    %ne3A_78 = arith.cmpi ne, %sign3A_69, %ne3A_77 : vector<128x2048xi32>
    %rem3A_79 = vector.broadcast %jit3A_58 : i32 to vector<128x2048xi32>
    %rem3A_80 = arith.remsi %iota3A_57, %rem3A_79 : vector<128x2048xi32>
    %ne3A_81 = arith.constant 0 : i32
    %ne3A_82 = vector.broadcast %ne3A_81 : i32 to vector<128x2048xi32>
    %ne3A_83 = arith.cmpi ne, %rem3A_80, %ne3A_82 : vector<128x2048xi32>
    %and3A_84 = arith.andi %ne3A_78, %ne3A_83 : vector<128x2048xi1>
    %sub3A_85 = arith.constant 1 : i32
    %sub3A_86 = vector.broadcast %sub3A_85 : i32 to vector<128x2048xi32>
    %sub3A_87 = arith.subi %div3A_60, %sub3A_86 : vector<128x2048xi32>
    %select_n3A_88 = arith.select %and3A_84, %sub3A_87, %div3A_60 : vector<128x2048xi1>, vector<128x2048xi32>
    %iota3A_89 = tpu.iota {dimensions = array<i32: 0>} : vector<128x2048xi32>
    %eq3A_90 = arith.cmpi eq, %select_n3A_88, %iota3A_89 : vector<128x2048xi32>
    %convert_element_type3A_91 = arith.extui %eq3A_90 : vector<128x2048xi1> to vector<128x2048xi32>
    %convert_element_type3A_92 = arith.sitofp %convert_element_type3A_91 : vector<128x2048xi32> to vector<128x2048xf32>
    %iota3A_93 = tpu.iota {dimensions = array<i32: 0>} : vector<2048x8xi32>
    %jit3A_94 = arith.constant 16 : i32
    %eq3A_95 = arith.constant 0 : i32
    %eq3A_96 = arith.cmpi eq, %jit3A_94, %eq3A_95 : i32
    %jit3A_97 = arith.constant 1 : i32
    %select_n3A_98 = arith.select %eq3A_96, %jit3A_97, %jit3A_94 : i32
    %rem3A_99 = vector.broadcast %select_n3A_98 : i32 to vector<2048x8xi32>
    %rem3A_100 = arith.remsi %iota3A_93, %rem3A_99 : vector<2048x8xi32>
    %ne3A_101 = arith.constant 0 : i32
    %ne3A_102 = vector.broadcast %ne3A_101 : i32 to vector<2048x8xi32>
    %ne3A_103 = arith.cmpi ne, %rem3A_100, %ne3A_102 : vector<2048x8xi32>
    %lt3A = arith.constant 0 : i32
    %lt3A_104 = vector.broadcast %lt3A : i32 to vector<2048x8xi32>
    %lt3A_105 = arith.cmpi slt, %rem3A_100, %lt3A_104 : vector<2048x8xi32>
    %lt3A_106 = arith.constant 0 : i32
    %lt3A_107 = arith.cmpi slt, %select_n3A_98, %lt3A_106 : i32
    %ne3A_108 = vector.broadcast %lt3A_107 : i1 to vector<2048x8xi1>
    %ne3A_109 = vector.broadcast %ne3A_108 : vector<2048x8xi1> to vector<2048x8xi1>
    %ne3A_110 = arith.xori %lt3A_105, %ne3A_109 : vector<2048x8xi1>
    %and3A_111 = arith.andi %ne3A_110, %ne3A_103 : vector<2048x8xi1>
    %add3A_112 = vector.broadcast %select_n3A_98 : i32 to vector<2048x8xi32>
    %add3A_113 = arith.addi %rem3A_100, %add3A_112 : vector<2048x8xi32>
    %select_n3A_114 = arith.select %and3A_111, %add3A_113, %rem3A_100 : vector<2048x8xi1>, vector<2048x8xi32>
    %eq3A_115 = arith.constant 0 : i32
    %eq3A_116 = vector.broadcast %eq3A_115 : i32 to vector<2048x8xi32>
    %eq3A_117 = arith.cmpi eq, %select_n3A_114, %eq3A_116 : vector<2048x8xi32>
    %iota3A_118 = tpu.iota {dimensions = array<i32: 1>} : vector<2048x8xi32>
    %eq3A_119 = arith.constant 0 : i32
    %eq3A_120 = vector.broadcast %eq3A_119 : i32 to vector<2048x8xi32>
    %eq3A_121 = arith.cmpi eq, %iota3A_118, %eq3A_120 : vector<2048x8xi32>
    %and3A_122 = arith.andi %eq3A_117, %eq3A_121 : vector<2048x8xi1>
    %convert_element_type3A_123 = arith.extui %and3A_122 : vector<2048x8xi1> to vector<2048x8xi32>
    %convert_element_type3A_124 = arith.sitofp %convert_element_type3A_123 : vector<2048x8xi32> to vector<2048x8xf32>
    %mul3A_125 = arith.mulf %dot_general3A_32, %convert_element_type3A_124 : vector<2048x8xf32>
    %dot_general3A_126 = arith.constant dense<0.000000e+00> : vector<128x8xf32>
    %dot_general3A_127 = tpu.matmul %convert_element_type3A_92, %mul3A_125, %dot_general3A_126 {dimension_numbers = #tpu.dot_dimension_numbers<[1], [0], [0], [1], [0, 0, 1, 1], [], []>, transpose_lhs_hint = false} : vector<128x2048xf32>, vector<2048x8xf32>, vector<128x8xf32> -> vector<128x8xf32>
    %reduce_sum3A = arith.constant dense<0.000000e+00> : vector<128xf32>
    %reduce_sum3A_128 = vector.multi_reduction <add>, %dot_general3A_127, %reduce_sum3A [1] : vector<128x8xf32> to vector<128xf32>
    %reshape3A = vector.shape_cast %reduce_sum3A_128 : vector<128xf32> to vector<128x1xf32>
    %dot_general3A_129 = arith.constant dense<0.000000e+00> : vector<2048x1xf32>
    %dot_general3A_130 = tpu.matmul %convert_element_type3A_92, %reshape3A, %dot_general3A_129 {dimension_numbers = #tpu.dot_dimension_numbers<[0], [0], [1], [1], [0, 1, 1, 1], [], []>, transpose_lhs_hint = false} : vector<128x2048xf32>, vector<128x1xf32>, vector<2048x1xf32> -> vector<2048x1xf32>
    %sqrt3A = math.sqrt %dot_general3A_37 : vector<2048x8xf32>
    %max3A = arith.constant 9.99999996E-13 : f32
    %max3A_131 = vector.broadcast %max3A : f32 to vector<2048x8xf32>
    %max3A_132 = arith.maximumf %sqrt3A, %max3A_131 : vector<2048x8xf32>
    %sqrt3A_133 = math.sqrt %dot_general3A_130 : vector<2048x1xf32>
    %max3A_134 = arith.constant 9.99999996E-13 : f32
    %max3A_135 = vector.broadcast %max3A_134 : f32 to vector<2048x1xf32>
    %max3A_136 = arith.maximumf %sqrt3A_133, %max3A_135 : vector<2048x1xf32>
    %mul3A_137 = vector.broadcast %max3A_136 : vector<2048x1xf32> to vector<2048x8xf32>
    %mul3A_138 = arith.mulf %max3A_132, %mul3A_137 : vector<2048x8xf32>
    %div3A_139 = arith.divf %dot_general3A_42, %mul3A_138 : vector<2048x8xf32>
    %mul3A_140 = arith.constant 5.000000e-01 : f32
    %mul3A_141 = vector.broadcast %mul3A_140 : f32 to vector<2048x8xf32>
    %mul3A_142 = arith.mulf %div3A_139, %mul3A_141 : vector<2048x8xf32>
    %exp3A = math.exp %mul3A_142 : vector<2048x8xf32>
    %mul3A_143 = arith.constant 5.000000e-01 : f32
    %mul3A_144 = vector.broadcast %mul3A_143 : f32 to vector<2048x8xf32>
    %mul3A_145 = arith.mulf %add3A, %mul3A_144 : vector<2048x8xf32>
    %exp3A_146 = math.exp %mul3A_145 : vector<2048x8xf32>
    %dot_general3A_147 = arith.constant dense<0.000000e+00> : vector<128x8xf32>
    %dot_general3A_148 = tpu.matmul %convert_element_type3A_92, %exp3A, %dot_general3A_147 {dimension_numbers = #tpu.dot_dimension_numbers<[1], [0], [0], [1], [0, 0, 1, 1], [], []>, transpose_lhs_hint = false} : vector<128x2048xf32>, vector<2048x8xf32>, vector<128x8xf32> -> vector<128x8xf32>
    %reduce_sum3A_149 = arith.constant dense<0.000000e+00> : vector<128xf32>
    %reduce_sum3A_150 = vector.multi_reduction <add>, %dot_general3A_148, %reduce_sum3A_149 [1] : vector<128x8xf32> to vector<128xf32>
    %dot_general3A_151 = arith.constant dense<0.000000e+00> : vector<128x8xf32>
    %dot_general3A_152 = tpu.matmul %convert_element_type3A_92, %exp3A_146, %dot_general3A_151 {dimension_numbers = #tpu.dot_dimension_numbers<[1], [0], [0], [1], [0, 0, 1, 1], [], []>, transpose_lhs_hint = false} : vector<128x2048xf32>, vector<2048x8xf32>, vector<128x8xf32> -> vector<128x8xf32>
    %reduce_sum3A_153 = arith.constant dense<0.000000e+00> : vector<128xf32>
    %reduce_sum3A_154 = vector.multi_reduction <add>, %dot_general3A_152, %reduce_sum3A_153 [1] : vector<128x8xf32> to vector<128xf32>
    %mul3A_155 = arith.mulf %exp3A, %convert_element_type3A_124 : vector<2048x8xf32>
    %dot_general3A_156 = arith.constant dense<0.000000e+00> : vector<128x8xf32>
    %dot_general3A_157 = tpu.matmul %convert_element_type3A_92, %mul3A_155, %dot_general3A_156 {dimension_numbers = #tpu.dot_dimension_numbers<[1], [0], [0], [1], [0, 0, 1, 1], [], []>, transpose_lhs_hint = false} : vector<128x2048xf32>, vector<2048x8xf32>, vector<128x8xf32> -> vector<128x8xf32>
    %reduce_sum3A_158 = arith.constant dense<0.000000e+00> : vector<128xf32>
    %reduce_sum3A_159 = vector.multi_reduction <add>, %dot_general3A_157, %reduce_sum3A_158 [1] : vector<128x8xf32> to vector<128xf32>
    %mul3A_160 = arith.mulf %exp3A_146, %convert_element_type3A_124 : vector<2048x8xf32>
    %dot_general3A_161 = arith.constant dense<0.000000e+00> : vector<128x8xf32>
    %dot_general3A_162 = tpu.matmul %convert_element_type3A_92, %mul3A_160, %dot_general3A_161 {dimension_numbers = #tpu.dot_dimension_numbers<[1], [0], [0], [1], [0, 0, 1, 1], [], []>, transpose_lhs_hint = false} : vector<128x2048xf32>, vector<2048x8xf32>, vector<128x8xf32> -> vector<128x8xf32>
    %reduce_sum3A_163 = arith.constant dense<0.000000e+00> : vector<128xf32>
    %reduce_sum3A_164 = vector.multi_reduction <add>, %dot_general3A_162, %reduce_sum3A_163 [1] : vector<128x8xf32> to vector<128xf32>
    %div3A_165 = arith.divf %reduce_sum3A_159, %reduce_sum3A_150 : vector<128xf32>
    %log3A = math.log %div3A_165 : vector<128xf32>
    %neg3A = arith.constant 0.000000e+00 : f32
    %neg3A_166 = vector.broadcast %neg3A : f32 to vector<128xf32>
    %neg3A_167 = arith.subf %neg3A_166, %log3A : vector<128xf32>
    %mul3A_168 = arith.constant 5.000000e-01 : f32
    %mul3A_169 = vector.broadcast %mul3A_168 : f32 to vector<128xf32>
    %mul3A_170 = arith.mulf %neg3A_167, %mul3A_169 : vector<128xf32>
    %swap3A = arith.index_cast %arg0 : i32 to index
    %swap3A_171 = arith.constant 0 : index
    %swap3A_172 = vector.load %arg8[%swap3A, %swap3A_171] : memref<8x128xf32, #tpu.memory_space<vmem>>, vector<1x128xf32>
    %swap3A_173 = vector.shape_cast %swap3A_172 : vector<1x128xf32> to vector<128xf32>
    %swap3A_174 = vector.shape_cast %mul3A_170 : vector<128xf32> to vector<1x128xf32>
    tpu.vector_store %arg8[%swap3A, %swap3A_171], %swap3A_174 {strides = array<i32>} : memref<8x128xf32, #tpu.memory_space<vmem>>, vector<1x128xf32>,
    %div3A_175 = arith.divf %reduce_sum3A_164, %reduce_sum3A_154 : vector<128xf32>
    %log3A_176 = math.log %div3A_175 : vector<128xf32>
    %neg3A_177 = arith.constant 0.000000e+00 : f32
    %neg3A_178 = vector.broadcast %neg3A_177 : f32 to vector<128xf32>
    %neg3A_179 = arith.subf %neg3A_178, %log3A_176 : vector<128xf32>
    %mul3A_180 = arith.constant 5.000000e-01 : f32
    %mul3A_181 = vector.broadcast %mul3A_180 : f32 to vector<128xf32>
    %mul3A_182 = arith.mulf %neg3A_179, %mul3A_181 : vector<128xf32>
    %swap3A_183 = arith.index_cast %arg0 : i32 to index
    %swap3A_184 = arith.constant 0 : index
    %swap3A_185 = vector.load %arg9[%swap3A_183, %swap3A_184] : memref<8x128xf32, #tpu.memory_space<vmem>>, vector<1x128xf32>
    %swap3A_186 = vector.shape_cast %swap3A_185 : vector<1x128xf32> to vector<128xf32>
    %swap3A_187 = vector.shape_cast %mul3A_182 : vector<128xf32> to vector<1x128xf32>
    tpu.vector_store %arg9[%swap3A_183, %swap3A_184], %swap3A_187 {strides = array<i32>} : memref<8x128xf32, #tpu.memory_space<vmem>>, vector<1x128xf32>,
    %sqrt3A_188 = math.sqrt %dot_general3A_27 : vector<2048x8xf32>
    %reduce_sum3A_189 = vector.shape_cast %sqrt3A_188 : vector<2048x8xf32> to vector<1x2048x8xf32>
    %reduce_sum3A_190 = arith.constant dense<0.000000e+00> : vector<1xf32>
    %reduce_sum3A_191 = vector.multi_reduction <add>, %reduce_sum3A_189, %reduce_sum3A_190 [1, 2] : vector<1x2048x8xf32> to vector<1xf32>
    %reduce_sum3A_192 = vector.shape_cast %reduce_sum3A_191 : vector<1xf32> to vector<1x1x1xf32>
    %reduce_sum3A_193 = vector.extract %reduce_sum3A_192[0, 0, 0] : f32 from vector<1x1x1xf32>
    %reshape3A_194 = vector.broadcast %reduce_sum3A_193 : f32 to vector<1x1xf32>
    %sqrt3A_195 = math.sqrt %dot_general3A_32 : vector<2048x8xf32>
    %reduce_sum3A_196 = vector.shape_cast %sqrt3A_195 : vector<2048x8xf32> to vector<1x2048x8xf32>
    %reduce_sum3A_197 = arith.constant dense<0.000000e+00> : vector<1xf32>
    %reduce_sum3A_198 = vector.multi_reduction <add>, %reduce_sum3A_196, %reduce_sum3A_197 [1, 2] : vector<1x2048x8xf32> to vector<1xf32>
    %reduce_sum3A_199 = vector.shape_cast %reduce_sum3A_198 : vector<1xf32> to vector<1x1x1xf32>
    %reduce_sum3A_200 = vector.extract %reduce_sum3A_199[0, 0, 0] : f32 from vector<1x1x1xf32>
    %reshape3A_201 = vector.broadcast %reduce_sum3A_200 : f32 to vector<1x1xf32>
    %eq3A_202 = arith.constant 0 : i32
    %eq3A_203 = arith.cmpi eq, %arg0, %eq3A_202 : i32
    %convert_element_type3A_204 = arith.extui %eq3A_203 : i1 to i32
    %cond3A = arith.constant 0 : i32
    %cond3A_205 = arith.cmpi ne, %convert_element_type3A_204, %cond3A : i32
    scf.if %cond3A_205 {
      %broadcast_in_dim3A = arith.constant 0.000000e+00 : f32
      %broadcast_in_dim3A_220 = vector.broadcast %broadcast_in_dim3A : f32 to vector<1x1xf32>
      %swap3A_221 = arith.constant 0 : index
      %swap3A_222 = arith.constant 0 : index
      %swap3A_223 = vector.load %arg10[%swap3A_221, %swap3A_222] : memref<1x1xf32, #tpu.memory_space<vmem>>, vector<1x1xf32>
      tpu.vector_store %arg10[%swap3A_221, %swap3A_222], %broadcast_in_dim3A_220 {strides = array<i32>} : memref<1x1xf32, #tpu.memory_space<vmem>>, vector<1x1xf32>,
      %broadcast_in_dim3A_224 = arith.constant 0.000000e+00 : f32
      %broadcast_in_dim3A_225 = vector.broadcast %broadcast_in_dim3A_224 : f32 to vector<1x1xf32>
      %swap3A_226 = arith.constant 0 : index
      %swap3A_227 = arith.constant 0 : index
      %swap3A_228 = vector.load %arg11[%swap3A_226, %swap3A_227] : memref<1x1xf32, #tpu.memory_space<vmem>>, vector<1x1xf32>
      tpu.vector_store %arg11[%swap3A_226, %swap3A_227], %broadcast_in_dim3A_225 {strides = array<i32>} : memref<1x1xf32, #tpu.memory_space<vmem>>, vector<1x1xf32>,
    } else {
    }
    %get3A_206 = arith.constant 0 : index
    %get3A_207 = arith.constant 0 : index
    %get3A_208 = vector.load %arg10[%get3A_206, %get3A_207] : memref<1x1xf32, #tpu.memory_space<vmem>>, vector<1x1xf32>
    %add3A_209 = arith.addf %get3A_208, %reshape3A_194 : vector<1x1xf32>
    %swap3A_210 = arith.constant 0 : index
    %swap3A_211 = arith.constant 0 : index
    %swap3A_212 = vector.load %arg10[%swap3A_210, %swap3A_211] : memref<1x1xf32, #tpu.memory_space<vmem>>, vector<1x1xf32>
    tpu.vector_store %arg10[%swap3A_210, %swap3A_211], %add3A_209 {strides = array<i32>} : memref<1x1xf32, #tpu.memory_space<vmem>>, vector<1x1xf32>,
    %get3A_213 = arith.constant 0 : index
    %get3A_214 = arith.constant 0 : index
    %get3A_215 = vector.load %arg11[%get3A_213, %get3A_214] : memref<1x1xf32, #tpu.memory_space<vmem>>, vector<1x1xf32>
    %add3A_216 = arith.addf %get3A_215, %reshape3A_201 : vector<1x1xf32>
    %swap3A_217 = arith.constant 0 : index
    %swap3A_218 = arith.constant 0 : index
    %swap3A_219 = vector.load %arg11[%swap3A_217, %swap3A_218] : memref<1x1xf32, #tpu.memory_space<vmem>>, vector<1x1xf32>
    tpu.vector_store %arg11[%swap3A_217, %swap3A_218], %add3A_216 {strides = array<i32>} : memref<1x1xf32, #tpu.memory_space<vmem>>, vector<1x1xf32>,
    return
  }
  func.func @transform_0(%arg0: i32) -> (i32, i32) {
    %c0_i32 = arith.constant 0 : i32
    %c0_i32_0 = arith.constant 0 : i32
    return %arg0, %c0_i32 : i32, i32
  }
  func.func @transform_1(%arg0: i32) -> (i32, i32) {
    %c0_i32 = arith.constant 0 : i32
    %c0_i32_0 = arith.constant 0 : i32
    return %arg0, %c0_i32 : i32, i32
  }
  func.func @transform_2(%arg0: i32) -> (i32, i32) {
    %c0_i32 = arith.constant 0 : i32
    %c0_i32_0 = arith.constant 0 : i32
    return %arg0, %c0_i32 : i32, i32
  }
  func.func @transform_3(%arg0: i32) -> (i32, i32) {
    %c0_i32 = arith.constant 0 : i32
    %c0_i32_0 = arith.constant 0 : i32
    return %arg0, %c0_i32 : i32, i32
  }
  func.func @transform_4(%arg0: i32) -> (i32, i32) {
    %c0_i32 = arith.constant 0 : i32
    %c0_i32_0 = arith.constant 0 : i32
    return %arg0, %c0_i32 : i32, i32
  }
  func.func @transform_5(%arg0: i32) -> (i32, i32) {
    %c0_i32 = arith.constant 0 : i32
    %c0_i32_0 = arith.constant 0 : i32
    return %arg0, %c0_i32 : i32, i32
  }
  func.func @transform_6(%arg0: i32) -> (i32, i32) {
    %c0_i32 = arith.constant 0 : i32
    %c0_i32_0 = arith.constant 0 : i32
    return %arg0, %c0_i32 : i32, i32
  }
  func.func @transform_7(%arg0: i32) -> (i32, i32) {
    %c0_i32 = arith.constant 0 : i32
    %c0_i32_0 = arith.constant 0 : i32
    %c0_i32_1 = arith.constant 0 : i32
    return %c0_i32, %c0_i32_0 : i32, i32
  }
  func.func @transform_8(%arg0: i32) -> (i32, i32) {
    %c0_i32 = arith.constant 0 : i32
    %c0_i32_0 = arith.constant 0 : i32
    %c0_i32_1 = arith.constant 0 : i32
    return %c0_i32, %c0_i32_0 : i32, i32
  }
  func.func @transform_9(%arg0: i32) -> (i32, i32) {
    %c0_i32 = arith.constant 0 : i32
    %c0_i32_0 = arith.constant 0 : i32
    %c0_i32_1 = arith.constant 0 : i32
    return %c0_i32, %c0_i32_0 : i32, i32
  }
  func.func @transform_10(%arg0: i32) -> (i32, i32) {
    %c0_i32 = arith.constant 0 : i32
    %c0_i32_0 = arith.constant 0 : i32
    %c0_i32_1 = arith.constant 0 : i32
    return %c0_i32, %c0_i32_0 : i32, i32
  }
}

</mosaic_0001>

<sc_bundles>
// kernel: kernel.5.cloned.1.call-start
scs
__scs_entry_jumppad:
0x0: {  	(pc) =	sbr.rel $0x88, $3  }
0x1: {  	(tag) =	ssettag $0x0;
	lr =	simm.s32 $0x1  }
0x2: {  	[smem:$0x3F99] =	sst lr;
	_ =	strace $0xD0000000  }
0x3: {  	_ = 	snop  }
0x4: {  	_ = 	snop  }
0x5: {  	_ = 	snop  }
0x6: {  	_ = 	snop  }
0x7: {  	_ = 	snop  }
__scs_overlays_trampoline_lowered:
0x8: {  	[smem:$0x3FA8] =	sst s0  }
0x9: {  	[smem:$0x3FA9] =	sst s1  }
0xa: {  	[smem:$0x3FAA] =	sst s2  }
0xb: {  	[smem:$0x3FAB] =	sst s3  }
0xc: {  	[smem:$0x3FAC] =	sst s4  }
0xd: {  	[smem:$0x3FAD] =	sst s5  }
0xe: {  	[smem:$0x3FAE] =	sst s6  }
0xf: {  	[smem:$0x3FAF] =	sst s7  }
0x10: {  	[smem:$0x3FB0] =	sst s8  }
0x11: {  	[smem:$0x3FB1] =	sst s9;
	s0 =	simm.s32 @!p0 $0x0  }
0x12: {  	s1 =	sld [smem:$0x3F97];
	s0 =	simm.s32 @p0 $0x1  }
0x13: {  	[smem:$0x3FB2] =	sst s0;
	s0 =	simm.s32 @!p1 $0x0  }
0x14: {  	s2 =	sld [smem:$0x3F96];
	s0 =	simm.s32 @p1 $0x1  }
0x15: {  	[smem:$0x3FB3] =	sst s0;
	s0 =	simm.s32 @!p2 $0x0  }
0x16: {  	s3 =	sld [smem:$0x3FDB];
	s0 =	simm.s32 @p2 $0x1  }
0x17: {  	s4 =	simm.s32 $0x1BF5;
	[smem:$0x3FB5] =	sst s0  }
0x18: {  	s0 =	sld [smem:$0x3F98];
	_ =	swait.ge [sflag:s4], $0x0  }
0x19: {  	s7 =	sld [smem:$0x3F99]  }
0x1a: {  	s8 =	sadd.s32 $0xFFFFE003, lr  }
0x1b: {  	s9 =	sadd.s32 $0xFFFFFEF7, lr;
	s5 =	simm.s32 $0xFFFFFFFF;
	p2 =	slt.u32 s8, $0xFFFFF086  }
0x1c: {  	p1 =	slt.u32 s9, $0xF7A;
	s5 =	simm.s32 @!p2 $0x0  }
0x1d: {  	s5 =	simm.s32 @p1 $0x1;
	p0 =	seq.s32 s7, s2  }
0x1e: {  	s7 =	smul.u32 @!p0 $0xF7A, s2;
	p2 =	seq.s32 @!p0 s5, $0x0  }
0x1f: {  	s9 =	smul.u32 $0xF7A, s1;
	s8 =	simm.s32 @!p0 $0x1BF5;
	p2 =	por !p2, p0  }
0x20: {  	[sflag:s8] =	ssyncset.s32 @!p0 $0xFFFFF086;
	s6 =	sadd.s32 @!p0 s3, s7;
	s7 =	simm.s32 @!p0 $0x108  }
0x21: {  	s3 =	sadd.s32 s3, s9;
	s6 =	sadd.s32 @!p0 $0x88, s6;
	s7 =	simm.s32 @p2 $0x1082  }
0x22: {  	[simem:s7], [sflag:s8] =	dma.local @!p0 [hbm:s6], $0xF7A  }
0x23: {  	s9 =	sor.u32 $0xD0000000, s2;
	s6 =	simm.s32 $0x108;
	_ =	swait.ge @!p0 [sflag:s8], $0x0  }
0x24: {  	s3 =	sadd.s32 $0x88, s3;
	s6 =	simm.s32 @!p1 $0x1082;
	[sflag:s4] =	ssyncset.s32 $0xFFFFF086  }
0x25: {  	[simem:s6], [sflag:s4] =	dma.local [hbm:s3], $0xF7A  }
0x26: {  	[smem:$0x3F99] =	sst s1;
	(tag) =	ssettag s2;
	_ =	strace s9  }
0x27: {  	s1 =	sld [smem:$0x3FA9]  }
0x28: {  	s2 =	sld [smem:$0x3FAA]  }
0x29: {  	s4 =	sld [smem:$0x3FAC]  }
0x2a: {  	p0 =	seq.s32 s5, $0x0;
	s5 =	sld [smem:$0x3FAD]  }
0x2b: {  	s6 =	sld [smem:$0x3FAE]  }
0x2c: {  	s7 =	sld [smem:$0x3FAF]  }
0x2d: {  	s3 =	simm.s32 $0x108;
	s8 =	sld [smem:$0x3FB0]  }
0x2e: {  	s3 =	simm.s32 @!p0 $0x1082;
	s9 =	sld [smem:$0x3FB1]  }
0x2f: {  	lr =	sadd.s32 s0, s3;
	s0 =	sld [smem:$0x3FA8]  }
0x30: {  	s3 =	sld [smem:$0x3FAB]  }
0x31: {  	[smem:$0x3FB4] =	sst s10  }
0x32: {  	s10 =	sld [smem:$0x3FB2];
	_ =	sdelay $0x3  }
0x33: {  	p0 =	seq.s32 s10, $0x1;
	s10 =	sld [smem:$0x3FB4];
	_ =	sdelay $0x3  }
0x34: {  	[smem:$0x3FB4] =	sst s10  }
0x35: {  	s10 =	sld [smem:$0x3FB3];
	_ =	sdelay $0x3  }
0x36: {  	p1 =	seq.s32 s10, $0x1;
	s10 =	sld [smem:$0x3FB4];
	_ =	sdelay $0x3  }
0x37: {  	[smem:$0x3FB4] =	sst s10  }
0x38: {  	s10 =	sld [smem:$0x3FB5]  }
0x39: {  	_ = 	snop;
	(pc) =	sbr.ind lr, $3  }
0x3a: {  	_ = 	snop  }
0x3b: {  	_ = 	snop  }
0x3c: {  	p2 =	seq.s32 s10, $0x1;
	s10 =	sld [smem:$0x3FB4]  }
0x3d: {  	_ =	shalt  }
0x3e: {  	_ =	shalt  }
0x3f: {  	_ =	shalt  }
0x40: {  	_ =	shalt  }
0x41: {  	_ =	shalt  }
0x42: {  	_ =	shalt  }
0x43: {  	_ =	shalt  }
0x44: {  	_ =	shalt  }
0x45: {  	_ =	shalt  }
0x46: {  	_ =	shalt  }
0x47: {  	_ =	shalt  }
0x48: {  	_ =	shalt  }
0x49: {  	_ =	shalt  }
0x4a: {  	_ =	shalt  }
0x4b: {  	_ =	shalt  }
0x4c: {  	_ =	shalt  }
0x4d: {  	_ =	shalt  }
0x4e: {  	_ =	shalt  }
0x4f: {  	_ =	shalt  }
0x50: {  	_ =	shalt  }
0x51: {  	_ =	shalt  }
0x52: {  	_ =	shalt  }
0x53: {  	_ =	shalt  }
0x54: {  	_ =	shalt  }
0x55: {  	_ =	shalt  }
0x56: {  	_ =	shalt  }
0x57: {  	_ =	shalt  }
0x58: {  	_ =	shalt  }
0x59: {  	_ =	shalt  }
0x5a: {  	_ =	shalt  }
0x5b: {  	_ =	shalt  }
0x5c: {  	_ =	shalt  }
0x5d: {  	_ =	shalt  }
0x5e: {  	_ =	shalt  }
0x5f: {  	_ =	shalt  }
0x60: {  	_ =	shalt  }
0x61: {  	_ =	shalt  }
0x62: {  	_ =	shalt  }
0x63: {  	_ =	shalt  }
0x64: {  	_ =	shalt  }
0x65: {  	_ =	shalt  }
0x66: {  	_ =	shalt  }
0x67: {  	_ =	shalt  }
0x68: {  	_ =	shalt  }
0x69: {  	_ =	shalt  }
0x6a: {  	_ =	shalt  }
0x6b: {  	_ =	shalt  }
0x6c: {  	_ =	shalt  }
0x6d: {  	_ =	shalt  }
0x6e: {  	_ =	shalt  }
0x6f: {  	_ =	shalt  }
0x70: {  	_ =	shalt  }
0x71: {  	_ =	shalt  }
0x72: {  	_ =	shalt  }
0x73: {  	_ =	shalt  }
0x74: {  	_ =	shalt  }
0x75: {  	_ =	shalt  }
0x76: {  	_ =	shalt  }
0x77: {  	_ =	shalt  }
0x78: {  	_ =	shalt  }
0x79: {  	_ =	shalt  }
0x7a: {  	_ =	shalt  }
0x7b: {  	_ =	shalt  }
0x7c: {  	_ =	shalt  }
0x7d: {  	_ =	shalt  }
0x7e: {  	_ =	shalt  }
0x7f: {  	_ =	shalt  }
0x80: {  	_ =	shalt  }
0x81: {  	_ =	shalt  }
0x82: {  	_ =	shalt  }
0x83: {  	_ =	shalt  }
0x84: {  	_ =	shalt  }
0x85: {  	_ =	shalt  }
0x86: {  	_ =	shalt  }
0x87: {  	_ =	shalt  }
.Lfunc_end0:
.L_simem_size_0:
called_computation_lowered:
.L_overlay_start_0:
0x88: {  	s2 =	sld [smem:$0x3FD9]  }
0x89: {  	s3 =	sld [smem:$0x3FFE];
	_ =	sdelay $0x1  }
0x8a: {  	s1 =	srdreg.scid  }
0x8b: {  	s0 =	sand.u32 $0x1, s1  }
0x8c: {  	s17 =	sshll.u32 s0, $0xA;
	s2 =	sadd.s32 s3, s2  }
0x8d: {  	s2 =	sadd.s32 s2, s17  }
0x8e: {  	[smem:$0x3FC0] =	sst s2  }
0x8f: {  	_ = 	snop  }
0x90: {  	s2 =	sld [smem:$0x3FC9]  }
0x91: {  	s18 =	sld [smem:$0x3FC8];
	(tm) =	ssettm $0x1  }
0x92: {  	s4 =	sld [smem:$0x3FFB];
	_ =	sdelay $0x3  }
0x93: {  	_ =	strace s4  }
0x94: {  	s4 =	sld [smem:$0x3FFC];
	_ =	sdelay $0x3  }
0x95: {  	_ =	strace s4  }
0x96: {  	s4 =	sld [smem:$0x3FFD];
	_ =	sdelay $0x3  }
0x97: {  	_ =	strace s4  }
0x98: {  	_ =	strace $0x8FFFFFFF  }
0x99: {  	s19 =	sld [smem:$0x3FDB];
	_ =	sdelay $0x1  }
0x9a: {  	s5 =	simm.s32 $_scs_section_size  }
0x9b: {  	s6 =	simm.s32 $_size__tile_overlayer_lowered;
	s7 =	simm.s32 $_tile_overlayer_lowered  }
0x9c: {  	s22 =	simm.s32 $0x1BFF;
	s21 =	sshll.u32 s7, $0x1;
	s4 =	sadd.s32 s5, s19  }
0x9d: {  	s8 =	simm.s32 $0x0;
	s20 =	sshll.u32 s6, $0x1;
	s6 =	sadd.s32 s21, s4  }
0x9e: {  	[timem:s8], [sflag:s22] =	dma.local [hbm:s6], s20  }
0x9f: {  	_ =	swait.ge [sflag:s22], s20  }
0xa0: {  	s5 =	ssub.s32 $0x0, s20;
	[sflag:s22] =	ssyncset.done $0x0  }
0xa1: {  	[sflag:s22] =	ssyncadd.s32 s5;
	_ =	sdelay $0x1  }
0xa2: {  	s23 =	simm.s32 $0x1B8B  }
0xa3: {  	_ =	swait.ge [sflag:s23], $0x1  }
0xa4: {  	[sflag:s23] =	ssyncset.done $0x0  }
0xa5: {  	s25 =	simm.s32 $0x1B8E;
	s24 =	sld [smem:$0x3FFE];
	[sflag:s23] =	ssyncadd.s32 $0xFFFFFFFF  }
0xa6: {  	s26 =	simm.s32 $execute0_lowered;
	[smem:$0x3FD2] =	sst s25  }
0xa7: {  	s6 =	sshll.u32 s26, $0x1;
	_ =	strace $0x80000046;
	[dreg:$0x1] =	wrdreg $0xFFFFFFFF  }
0xa8: {  	s28 =	simm.s32 $_size_execute0_lowered;
	s4 =	sadd.s32 s4, s6;
	[dreg:$0x0] =	wrdreg $0x0  }
0xa9: {  	s6 =	sshll.u32 s28, $0x1;
	[dreg:$0x2] =	wrdreg s4  }
0xaa: {  	[dreg:$0x3] =	wrdreg s6  }
0xab: {  	[dreg:$0x4] =	wrdreg $0xC0  }
0xac: {  	_ =	task [dreg:s8], $0x5FFFF  }
0xad: {  	[dreg:$0x1] =	wrdreg $0xFFFFFFFF  }
0xae: {  	[dreg:$0x0] =	wrdreg $0x60  }
0xaf: {  	[dreg:$0x2] =	wrdreg s24  }
0xb0: {  	[dreg:$0x3] =	wrdreg s2  }
0xb1: {  	[dreg:$0x4] =	wrdreg s18  }
0xb2: {  	[dreg:$0x5] =	wrdreg $0x9  }
0xb3: {  	_ =	task.clear_ibuf [dreg:s8], $0x6FFFF;
	_ =	strace $0x90000046  }
0xb4: {  	s29 =	simm.s32 $0x9;
	_ =	strace $0x80000048  }
0xb5: {  	_ =	swait.ge [sflag:s29], $0x1  }
0xb6: {  	[sflag:s29] =	ssyncadd.s32 $0xFFFFFFFF  }
0xb7: {  	_ =	strace $0x90000048  }
0xb8: {  	_ =	sfence  }
0xb9: {  	s30 =	sld [smem:$0x0];
	_ =	sdelay $0x2  }
0xba: {  	s31 =	sshll.u32 s1, $0xD;
	s1 =	sshrl.u32 s1, $0x2  }
0xbb: {  	s3 =	sand.u32 $0x4000, s31;
	s1 =	sadd.s32 s1, s30  }
0xbc: {  	s0 =	sor.u32 s3, s0;
	s1 =	sshll.u32 s1, $0x11  }
0xbd: {  	s0 =	sor.u32 s1, s0  }
0xbe: {  	s0 =	sadd.s32 $0x8F2B, s0  }
0xbf: {  	[sflag:s0] =	ssyncadd.remote.s32 $0x1  }
0xc0: {  	_ =	sfence.sel $0xFFFF  }
0xc1: {  	[dreg:$0x0] =	wrdreg $0xFFFFFFFF;
	(pc) =	sbr.abs _section_cstart, $3  }
0xc2: {  	[dreg:$0x1] =	wrdreg $0xFFFFFFFF  }
0xc3: {  	_ =	task.clear_ibuf [dreg:s8], $0x2FFFF;
	_ =	strace $0x9FFFFFFF  }
0xc4: {  	(tm) =	ssettm $0x7FFFFFFF  }
0xc5: {  	_ =	shalt  }
tec
execute0_lowered:
.L_overlay_start_1:
0x0: {  	(tag) =	ssettag $0x1  }
0x1: {  	s0 =	rddreg [dreg:$0x0]  }
0x2: {  	s1 =	rddreg [dreg:$0x1]  }
0x3: {  	s3 =	rddreg [dreg:$0x2];
	s2 =	srdreg.scid  }
0x4: {  	s4 =	stileid.u32;
	s30 =	simm.s32 $0x1;
	s6 =	sand.u32 $0x1, s2  }
0x5: {  	s2 =	simm.s32 $0x0;
	s4 =	sshll.u32 s4, $0xD;
	s8 =	sadd.s32 $0x24F800, s0  }
0x6: {  	s25 =	sadd.s32 $0x28F800, s0;
	s9 =	sadd.s32 $0x41800, s0;
	s10 =	sadd.s32 $0x81800, s0  }
0x7: {  	s11 =	sadd.s32 $0xC1800, s0;
	s5 =	sshll.u32 s6, $0xC;
	[smem:$0x7FF] =	sst s2  }
0x8: {  	s6 =	ssub.s32 $0x2, s6;
	s14 =	sor.u32 s5, s4;
	_ =	strace $0x80000047  }
0x9: {  	s4 =	sadd.s32 $0x30EC00, s0;
	s5 =	sadd.s32 $0x188200, s0;
	[dreg:$0x5] =	wrdreg s8  }
0xa: {  	[dreg:$0x6] =	wrdreg s25;
	s8 =	sadd.s32 $0x1800, s0;
	s13 =	sshrl.u32 s6, $0x1  }
0xb: {  	s7 =	sshrl.u32 s14, $0x3;
	[dreg:$0x4] =	wrdreg s14;
	s31 =	sshll.u32 s14, $0x1  }
.Ltmp0:
0xc: {  	s1 =	sadd.s32 s1, s7;
	[dreg:$0xa] =	wrdreg s31;
	(pc) =	sbr.rel .LBB2_1-.Ltmp0, $4  }
0xd: {  	s26 =	ssub.s32 s6, s13;
	s28 =	sadd.s32 s3, s7;
	[dreg:$0x7] =	wrdreg s1  }
0xe: {  	s12 =	sadd.s32 s7, s0;
	s0 =	smax.u32 s26, $0x1;
	[dreg:$0x8] =	wrdreg s28  }
0xf: {  	s17 =	simm.s32 $0x4;
	s29 =	sadd.s32 $0x24B800, s12;
	[dreg:$0xb] =	wrdreg s0  }
0x10: {  	s25 =	simm.s32 $0x2;
	s1 =	simm.s32 $0x0;
	[dreg:$0x9] =	wrdreg s29  }
.LBB2_8:
0x11: {  	s0 =	simm.s32 $0x3  }
0x12: {  	_ =	swait.ge [sflag:s0], $0x800  }
0x13: {  	[sflag:s0] =	ssyncset.done $0x0  }
0x14: {  	[sflag:s0] =	ssyncadd.s32 $0xFFFFF800  }
0x15: {  	_ =	swait.ge [sflag:s0], $0x800  }
0x16: {  	[sflag:s0] =	ssyncset.done $0x0  }
0x17: {  	[sflag:s0] =	ssyncadd.s32 $0xFFFFF800  }
0x18: {  	_ =	swait.ge [sflag:s0], $0x800  }
0x19: {  	[sflag:s0] =	ssyncset.done $0x0  }
0x1a: {  	[sflag:s0] =	ssyncadd.s32 $0xFFFFF800  }
0x1b: {  	_ =	swait.ge [sflag:s0], $0x800  }
0x1c: {  	[sflag:s0] =	ssyncset.done $0x0  }
0x1d: {  	[sflag:s0] =	ssyncadd.s32 $0xFFFFF800  }
0x1e: {  	_ =	swait.ge [sflag:s0], $0x800  }
0x1f: {  	[sflag:s0] =	ssyncset.done $0x0  }
0x20: {  	[sflag:s0] =	ssyncadd.s32 $0xFFFFF800  }
0x21: {  	_ =	swait.ge [sflag:s0], $0x800  }
0x22: {  	[sflag:s0] =	ssyncset.done $0x0  }
0x23: {  	[sflag:s0] =	ssyncadd.s32 $0xFFFFF800  }
0x24: {  	_ =	swait.ge [sflag:s17], $0x800  }
0x25: {  	[sflag:s17] =	ssyncset.done $0x0  }
0x26: {  	[sflag:s17] =	ssyncadd.s32 $0xFFFFF800  }
0x27: {  	_ =	swait.ge [sflag:s17], $0x800  }
0x28: {  	[sflag:s17] =	ssyncset.done $0x0  }
0x29: {  	[sflag:s17] =	ssyncadd.s32 $0xFFFFF800  }
0x2a: {  	_ =	swait.ge [sflag:s17], $0x800  }
0x2b: {  	[sflag:s17] =	ssyncset.done $0x0  }
0x2c: {  	[sflag:s17] =	ssyncadd.s32 $0xFFFFF800  }
0x2d: {  	_ =	swait.ge [sflag:s17], $0x800  }
0x2e: {  	[sflag:s17] =	ssyncset.done $0x0  }
0x2f: {  	[sflag:s17] =	ssyncadd.s32 $0xFFFFF800  }
0x30: {  	_ =	swait.ge [sflag:s17], $0x800  }
0x31: {  	[sflag:s17] =	ssyncset.done $0x0  }
0x32: {  	[sflag:s17] =	ssyncadd.s32 $0xFFFFF800  }
0x33: {  	_ =	swait.ge [sflag:s17], $0x800  }
0x34: {  	s1 =	rddreg [dreg:$0xc]  }
0x35: {  	s31 =	rddreg [dreg:$0xb];
	s1 =	sadd.s32 $0x1, s1  }
0x36: {  	p0 =	sne.s32 s1, s31  }
.Ltmp1:
0x37: {  	_ = 	snop;
	(pc) =	sbr.rel @!p0 .LBB2_9-.Ltmp1, $3  }
0x38: {  	_ =	sdelay $0x1  }
0x39: {  	[sflag:s17] =	ssyncset.done $0x0  }
0x3a: {  	[sflag:s17] =	ssyncadd.s32 $0xFFFFF800  }
.LBB2_1:
0x3b: {  	[dreg:$0xc] =	wrdreg s1  }
0x3c: {  	s0 =	rddreg [dreg:$0x7];
	s16 =	simm.s32 $0x5  }
0x3d: {  	[tilespmem:s2], [sflag:$0x5] =	stream.linear.gather [hbm4b:s0+s2], $0x1000, $0x38;
	[tilespmem:$0x15000] =	vst v63  }
0x3e: {  	_ =	swait.ge [sflag:s16], $0x1000  }
0x3f: {  	[sflag:s16] =	ssyncset.done $0x0  }
0x40: {  	s3 =	simm.s32 $0x1000;
	s18 =	rddreg [dreg:$0x8];
	[sflag:s16] =	ssyncadd.s32 $0xFFFFF000  }
0x41: {  	[tilespmem:s3], [sflag:$0x5] =	stream.linear.gather [hbm4b:s18+s2], $0x1000, $0x38;
	[tilespmem:$0x15000] =	vst v63  }
0x42: {  	_ =	swait.ge [sflag:s16], $0x1000  }
0x43: {  	[sflag:s16] =	ssyncset.done $0x0  }
0x44: {  	s6 =	simm.s32 $0x2000;
	s19 =	rddreg [dreg:$0x9];
	[sflag:s16] =	ssyncadd.s32 $0xFFFFF000  }
0x45: {  	[tilespmem:s6], [sflag:$0x5] =	stream.linear.gather [hbm4b:s19+s2], $0x1000, $0x38;
	[tilespmem:$0x15000] =	vst v63  }
0x46: {  	_ =	swait.ge [sflag:s16], $0x1000  }
0x47: {  	[sflag:s16] =	ssyncset.done $0x0  }
0x48: {  	s20 =	simm.s32 $0x80;
	s21 =	simm.s32 $0x3000;
	[sflag:s16] =	ssyncadd.s32 $0xFFFFF000  }
0x49: {  	[tilespmem:s21], [sflag:$0x1] =	stream.indirect.gather [hbm4b:s4+s20], $0x40, s2, s20, $0xb8;
	[tilespmem:$0x15000] =	vst v63  }
0x4a: {  	s22 =	simm.s32 $0x5000  }
0x4b: {  	[tilespmem:s22], [sflag:$0x1] =	stream.indirect.gather [hbm4b:s4+s20], $0x40, s3, s20, $0xb8;
	[tilespmem:$0x15000] =	vst v63  }
0x4c: {  	s23 =	simm.s32 $0x7000  }
0x4d: {  	[tilespmem:s23], [sflag:$0x1] =	stream.indirect.gather [hbm4b:s5+s20], $0x40, s6, s20, $0xb8;
	[tilespmem:$0x15000] =	vst v63  }
0x4e: {  	s24 =	simm.s32 $0x9000  }
0x4f: {  	[tilespmem:s24], [sflag:$0x2] =	stream.indirect.gather [hbm4b:s4+s20], $0x40, s20, s20, $0xb8;
	[tilespmem:$0x15000] =	vst v63  }
0x50: {  	s26 =	simm.s32 $0x1080;
	s28 =	simm.s32 $0xB000  }
0x51: {  	[tilespmem:s28], [sflag:$0x2] =	stream.indirect.gather [hbm4b:s4+s20], $0x40, s26, s20, $0xb8;
	[tilespmem:$0x15000] =	vst v63  }
0x52: {  	s29 =	simm.s32 $0x2080;
	s31 =	simm.s32 $0xD000;
	s16 =	simm.s32 $0x0  }
0x53: {  	[tilespmem:s31], [sflag:$0x2] =	stream.indirect.gather [hbm4b:s5+s20], $0x40, s29, s20, $0xb8;
	[tilespmem:$0x15000] =	vst v63  }
.LBB2_2:
0x54: {  	p0 =	seq.s32 s16, $0x0  }
0x55: {  	s0 =	simm.s32 @!p0 $0x3  }
0x56: {  	_ =	swait.ge @!p0 [sflag:s0], $0x800  }
0x57: {  	[sflag:s0] =	ssyncset.done @!p0 $0x0  }
0x58: {  	[sflag:s0] =	ssyncadd.s32 @!p0 $0xFFFFF800  }
0x59: {  	_ =	swait.ge @!p0 [sflag:s0], $0x800  }
0x5a: {  	[sflag:s0] =	ssyncset.done @!p0 $0x0  }
0x5b: {  	[sflag:s0] =	ssyncadd.s32 @!p0 $0xFFFFF800  }
0x5c: {  	_ =	swait.ge @!p0 [sflag:s0], $0x800  }
0x5d: {  	[sflag:s0] =	ssyncset.done @!p0 $0x0  }
0x5e: {  	[sflag:s0] =	ssyncadd.s32 @!p0 $0xFFFFF800  }
0x5f: {  	_ =	swait.ge @!p0 [sflag:s0], $0x800  }
0x60: {  	[sflag:s0] =	ssyncset.done @!p0 $0x0  }
0x61: {  	[sflag:s0] =	ssyncadd.s32 @!p0 $0xFFFFF800  }
0x62: {  	_ =	swait.ge @!p0 [sflag:s0], $0x800  }
0x63: {  	[sflag:s0] =	ssyncset.done @!p0 $0x0  }
0x64: {  	[sflag:s0] =	ssyncadd.s32 @!p0 $0xFFFFF800  }
0x65: {  	_ =	swait.ge @!p0 [sflag:s0], $0x800  }
0x66: {  	[sflag:s0] =	ssyncset.done @!p0 $0x0  }
0x67: {  	[sflag:s0] =	ssyncadd.s32 @!p0 $0xFFFFF800  }
0x68: {  	_ =	swait.ge [sflag:s30], $0x2000  }
0x69: {  	[sflag:s30] =	ssyncset.done $0x0  }
0x6a: {  	[sflag:s30] =	ssyncadd.s32 $0xFFFFE000  }
0x6b: {  	_ =	swait.ge [sflag:s30], $0x2000  }
0x6c: {  	[sflag:s30] =	ssyncset.done $0x0  }
0x6d: {  	[sflag:s30] =	ssyncadd.s32 $0xFFFFE000  }
0x6e: {  	_ =	swait.ge [sflag:s30], $0x2000  }
0x6f: {  	[sflag:s30] =	ssyncset.done $0x0  }
0x70: {  	s31 =	simm.s32 $0x5080;
	[sflag:s30] =	ssyncadd.s32 $0xFFFFE000  }
0x71: {  	v0 =	vld [tilespmem:s31+$0xFFFFFF90]  }
0x72: {  	s29 =	simm.s32 $0x3080;
	v2 =	vld [tilespmem:s31+$0xFFFFFF80]  }
0x73: {  	s26 =	simm.s32 $0x7080;
	v5 =	vld [tilespmem:s29+$0xFFFFFF80]  }
0x74: {  	v6 =	vld [tilespmem:s26+$0xFFFFFFA0]  }
0x75: {  	v7 =	vld [tilespmem:s29+$0xFFFFFF90]  }
0x76: {  	v8 =	vld [tilespmem:s31+$0xFFFFFFA0]  }
0x77: {  	v9 =	vld [tilespmem:s29+$0xFFFFFFA0]  }
0x78: {  	v4 =	vld [tilespmem:s26+$0xFFFFFF80]  }
0x79: {  	v12 =	vld [tilespmem:s26+$0xFFFFFF90];
	v10 =	vmul.f32 v5, v5;
	v11 =	vmul.f32 v0, v0  }
0x7a: {  	v1 =	vld [tilespmem:$0x5000];
	v13 =	vmul.f32 v2, v2;
	v14 =	vmul.f32 v2, v5  }
0x7b: {  	v15 =	vld [tilespmem:s31+$0xFFFFFFB0];
	v16 =	vmul.f32 v7, v7;
	v0 =	vmul.f32 v0, v7  }
0x7c: {  	v3 =	vld [tilespmem:$0x5010];
	v17 =	vmul.f32 v8, v8;
	v18 =	vmul.f32 v6, v9  }
0x7d: {  	v19 =	vld [tilespmem:s29+$0xFFFFFFB0];
	v8 =	vmul.f32 v8, v9;
	v9 =	vmul.f32 v9, v9  }
0x7e: {  	v2 =	vld [tilespmem:$0x5020];
	v7 =	vmul.f32 v12, v7;
	v21 =	vmul.f32 v12, v12;
	v11 =	vadd.f32 v11, v13  }
0x7f: {  	v20 =	vld [tilespmem:s26+$0xFFFFFFB0];
	v13 =	vmul.f32 v4, v4;
	v10 =	vadd.f32 v16, v10;
	v16 =	vmul.f32 v4, v1  }
0x80: {  	v14 =	vadd.f32 v0, v14;
	v0 =	vld [tilespmem:$0x5030];
	v4 =	vmul.f32 v4, v5;
	v11 =	vadd.f32 v17, v11  }
0x81: {  	v17 =	vmul.f32 v15, v15;
	v5 =	vadd.f32 v9, v10;
	v9 =	vmul.f32 v12, v3  }
0x82: {  	v10 =	vadd.f32 v21, v13;
	v12 =	vmul.f32 v6, v6;
	v13 =	vmul.f32 v19, v19  }
0x83: {  	v4 =	vadd.f32 v7, v4;
	v6 =	vmul.f32 v6, v2;
	v7 =	vadd.f32 v9, v16  }
0x84: {  	v9 =	vmul.f32 v20, v20;
	v10 =	vadd.f32 v12, v10;
	v5 =	vadd.f32 v13, v5  }
0x85: {  	s23 =	simm.s32 $0xF020;
	v11 =	vadd.f32 v17, v11;
	v12 =	vmul.f32 v20, v0;
	v6 =	vadd.f32 v6, v7  }
0x86: {  	s28 =	simm.s32 $0xF820;
	v7 =	vmul.f32 v15, v19;
	v9 =	vadd.f32 v9, v10;
	[tilespmem:s23+$0xFFFFFFE0] =	vst v5;
	v5 =	vadd.f32 v8, v14  }
0x87: {  	s0 =	simm.s32 $0x10020;
	v4 =	vadd.f32 v18, v4;
	v8 =	vmul.f32 v20, v19;
	[tilespmem:s28+$0xFFFFFFE0] =	vst v11;
	v6 =	vadd.f32 v12, v6  }
0x88: {  	s21 =	simm.s32 $0x10820;
	[tilespmem:s0+$0xFFFFFFE0] =	vst v9;
	v5 =	vadd.f32 v7, v5  }
0x89: {  	s1 =	simm.s32 $0x11020;
	v4 =	vadd.f32 v8, v4;
	[tilespmem:s21+$0xFFFFFFE0] =	vst v6  }
0x8a: {  	s22 =	simm.s32 $0x11820;
	[tilespmem:s1+$0xFFFFFFE0] =	vst v5  }
0x8b: {  	[tilespmem:s22+$0xFFFFFFE0] =	vst v4  }
0x8c: {  	v4 =	vld [tilespmem:s26+$0xFFFFFFD0]  }
0x8d: {  	v5 =	vld [tilespmem:s31+$0xFFFFFFD0]  }
0x8e: {  	v6 =	vld [tilespmem:s26+$0xFFFFFFC0]  }
0x8f: {  	v7 =	vld [tilespmem:s26+$0xFFFFFFE0]  }
0x90: {  	v8 =	vld [tilespmem:s26+$0xFFFFFFF0]  }
0x91: {  	v9 =	vld [tilespmem:s29+$0xFFFFFFE0]  }
0x92: {  	v10 =	vld [tilespmem:s29+$0xFFFFFFC0]  }
0x93: {  	v11 =	vld [tilespmem:s29+$0xFFFFFFD0]  }
0x94: {  	v14 =	vld [tilespmem:s31+$0xFFFFFFC0];
	v12 =	vmul.f32 v6, v6;
	v13 =	vmul.f32 v4, v4  }
0x95: {  	v15 =	vld [tilespmem:s31+$0xFFFFFFE0];
	v16 =	vmul.f32 v6, v1;
	v17 =	vmul.f32 v4, v3  }
0x96: {  	v18 =	vmul.f32 v5, v5;
	v12 =	vadd.f32 v13, v12;
	v13 =	vmul.f32 v7, v7  }
0x97: {  	v20 =	vld [tilespmem:s29+$0xFFFFFFF0];
	v19 =	vmul.f32 v9, v9;
	v16 =	vadd.f32 v17, v16;
	v17 =	vmul.f32 v7, v2  }
0x98: {  	v21 =	vmul.f32 v10, v10;
	v22 =	vmul.f32 v11, v11;
	v12 =	vadd.f32 v13, v12;
	v13 =	vld [tilespmem:s31+$0xFFFFFFF0]  }
0x99: {  	v23 =	vmul.f32 v8, v8;
	v16 =	vadd.f32 v17, v16;
	v17 =	vmul.f32 v14, v14  }
0x9a: {  	v24 =	vmul.f32 v15, v9;
	v6 =	vmul.f32 v6, v10;
	v21 =	vadd.f32 v22, v21  }
0x9b: {  	v10 =	vmul.f32 v14, v10;
	v14 =	vmul.f32 v15, v15;
	v15 =	vadd.f32 v18, v17  }
0x9c: {  	v5 =	vmul.f32 v5, v11;
	v17 =	vadd.f32 v19, v21;
	v18 =	vmul.f32 v20, v20  }
0x9d: {  	v4 =	vmul.f32 v4, v11;
	v11 =	vadd.f32 v14, v15;
	v14 =	vmul.f32 v13, v13  }
0x9e: {  	v7 =	vmul.f32 v7, v9;
	v5 =	vadd.f32 v5, v10;
	v9 =	vadd.f32 v18, v17  }
0x9f: {  	v4 =	vadd.f32 v4, v6;
	v10 =	vmul.f32 v8, v0;
	v6 =	vadd.f32 v14, v11  }
0xa0: {  	v5 =	vadd.f32 v24, v5;
	[tilespmem:s23+$0xFFFFFFF0] =	vst v9;
	v11 =	vadd.f32 v23, v12;
	v12 =	vmul.f32 v13, v20  }
0xa1: {  	v8 =	vmul.f32 v8, v20;
	v4 =	vadd.f32 v7, v4;
	[tilespmem:s28+$0xFFFFFFF0] =	vst v6;
	v6 =	vadd.f32 v10, v16  }
0xa2: {  	v5 =	vadd.f32 v12, v5;
	[tilespmem:s0+$0xFFFFFFF0] =	vst v11  }
0xa3: {  	v4 =	vadd.f32 v8, v4;
	[tilespmem:s21+$0xFFFFFFF0] =	vst v6  }
0xa4: {  	[tilespmem:s1+$0xFFFFFFF0] =	vst v5  }
0xa5: {  	[tilespmem:s22+$0xFFFFFFF0] =	vst v4  }
0xa6: {  	v6 =	vld [tilespmem:s31+$0x20]  }
0xa7: {  	v10 =	vld [tilespmem:s26+$0x10]  }
0xa8: {  	v12 =	vld [tilespmem:s29+$0x20]  }
0xa9: {  	v13 =	vld [tilespmem:s31+$0x10]  }
0xaa: {  	v14 =	vld [tilespmem:s29+$0x10]  }
0xab: {  	v11 =	vld [tilespmem:s26+$0x20]  }
0xac: {  	v4 =	vld [tilespmem:s29+$0x30]  }
0xad: {  	v20 =	vld [tilespmem:s26+$0x0];
	v5 =	vmul.f32 v6, v6;
	v6 =	vmul.f32 v6, v12  }
0xae: {  	v23 =	vld [tilespmem:s26+$0x30];
	v7 =	vmul.f32 v13, v13;
	v17 =	vmul.f32 v10, v10  }
0xaf: {  	v9 =	vld [tilespmem:s31+$0x0];
	v8 =	vmul.f32 v12, v12;
	v22 =	vmul.f32 v13, v14  }
0xb0: {  	v21 =	vld [tilespmem:s29+$0x0];
	v19 =	vmul.f32 v10, v3;
	v15 =	vmul.f32 v10, v14  }
0xb1: {  	v14 =	vmul.f32 v14, v14;
	v10 =	vmul.f32 v4, v4  }
0xb2: {  	v63 =	vmul.f32 v20, v1;
	v18 =	vmul.f32 v20, v20  }
0xb3: {  	v12 =	vmul.f32 v11, v12;
	v16 =	vmul.f32 v23, v0  }
0xb4: {  	s24 =	sshll.u32 s16, $0x8;
	s12 =	simm.s32 $0x0;
	v27 =	vmul.f32 v11, v11;
	v26 =	vadd.f32 v17, v18;
	v18 =	vmul.f32 v11, v2;
	v11 =	vld [tilespmem:s31+$0x30]  }
0xb5: {  	s13 =	simm.s32 $0x7180;
	s14 =	simm.s32 $0x11860;
	s3 =	simm.s32 $0x3180;
	v25 =	vmul.f32 v9, v21;
	v13 =	vmul.f32 v23, v4  }
0xb6: {  	s15 =	simm.s32 $0x5180;
	s20 =	simm.s32 $0x10060;
	s6 =	simm.s32 $0x10860;
	v20 =	vmul.f32 v20, v21;
	v23 =	vmul.f32 v23, v23;
	v19 =	vadd.f32 v19, v63  }
0xb7: {  	s7 =	simm.s32 $0x11060;
	s19 =	simm.s32 $0xF020;
	s18 =	simm.s32 $0xF820;
	v17 =	vadd.f32 v22, v25;
	v22 =	vmul.f32 v21, v21;
	v21 =	vadd.f32 v27, v26  }
.LBB2_3:
0xb8: {  	s12 =	sadd.s32 $0x4, s12;
	v9 =	vmul.f32 v9, v9;
	v18 =	vadd.f32 v18, v19;
	v15 =	vadd.f32 v15, v20;
	s23 =	sadd.s32 $0x40, s23;
	s28 =	sadd.s32 $0x40, s28  }
0xb9: {  	v6 =	vadd.f32 v6, v17;
	v4 =	vmul.f32 v11, v4;
	p0 =	slt.u32 s12, $0x7C;
	v19 =	vadd.f32 v23, v21  }
0xba: {  	v16 =	vadd.f32 v16, v18;
	v12 =	vadd.f32 v12, v15  }
0xbb: {  	v14 =	vadd.f32 v14, v22;
	v4 =	vadd.f32 v4, v6  }
0xbc: {  	v6 =	vadd.f32 v7, v9;
	v7 =	vadd.f32 v13, v12  }
0xbd: {  	v8 =	vadd.f32 v8, v14  }
0xbe: {  	v5 =	vadd.f32 v5, v6;
	v6 =	vmul.f32 v11, v11  }
0xbf: {  	v8 =	vadd.f32 v10, v8  }
0xc0: {  	v5 =	vadd.f32 v6, v5  }
0xc1: {  	[tilespmem:s19+$0x0] =	vst v8  }
0xc2: {  	[tilespmem:s18+$0x0] =	vst v5  }
0xc3: {  	[tilespmem:s0+$0x0] =	vst v19  }
0xc4: {  	[tilespmem:s21+$0x0] =	vst v16  }
0xc5: {  	[tilespmem:s1+$0x0] =	vst v4  }
0xc6: {  	[tilespmem:s22+$0x0] =	vst v7  }
0xc7: {  	v4 =	vld [tilespmem:s26+$0x50]  }
0xc8: {  	v5 =	vld [tilespmem:s29+$0x50]  }
0xc9: {  	v6 =	vld [tilespmem:s31+$0x50]  }
0xca: {  	v7 =	vld [tilespmem:s26+$0x40]  }
0xcb: {  	v8 =	vld [tilespmem:s31+$0x60]  }
0xcc: {  	v9 =	vld [tilespmem:s26+$0x60];
	v10 =	vmul.f32 v4, v4  }
0xcd: {  	v11 =	vld [tilespmem:s31+$0x70];
	v12 =	vmul.f32 v5, v5;
	v13 =	vmul.f32 v4, v5  }
0xce: {  	v4 =	vmul.f32 v4, v3;
	v14 =	vld [tilespmem:s26+$0x70];
	v15 =	vmul.f32 v6, v6;
	s26 =	smov.u32 s13  }
0xcf: {  	v16 =	vld [tilespmem:s29+$0x40];
	v17 =	vmul.f32 v7, v7;
	v18 =	vmul.f32 v7, v1  }
0xd0: {  	v5 =	vmul.f32 v6, v5;
	v19 =	vld [tilespmem:s29+$0x60];
	v20 =	vmul.f32 v8, v8  }
0xd1: {  	v6 =	vld [tilespmem:s29+$0x70];
	v10 =	vadd.f32 v10, v17;
	v17 =	vmul.f32 v9, v9;
	v4 =	vadd.f32 v4, v18;
	s29 =	smov.u32 s3  }
0xd2: {  	v21 =	vmul.f32 v9, v2;
	v18 =	vmul.f32 v11, v11  }
0xd3: {  	v22 =	vld [tilespmem:s31+$0x40];
	v10 =	vadd.f32 v17, v10;
	v17 =	vmul.f32 v14, v14;
	s31 =	smov.u32 s15  }
0xd4: {  	v4 =	vadd.f32 v21, v4;
	v7 =	vmul.f32 v7, v16  }
0xd5: {  	v10 =	vadd.f32 v17, v10;
	v8 =	vmul.f32 v8, v19;
	v9 =	vmul.f32 v9, v19  }
0xd6: {  	v7 =	vadd.f32 v13, v7;
	_ =	sdelay $0x1  }
0xd7: {  	v13 =	vmul.f32 v16, v16;
	v17 =	vmul.f32 v22, v22  }
0xd8: {  	v16 =	vmul.f32 v22, v16  }
0xd9: {  	v12 =	vadd.f32 v12, v13;
	v13 =	vmul.f32 v19, v19;
	v15 =	vadd.f32 v15, v17  }
0xda: {  	v5 =	vadd.f32 v5, v16  }
0xdb: {  	v12 =	vadd.f32 v13, v12;
	v13 =	vmul.f32 v6, v6;
	v15 =	vadd.f32 v20, v15  }
0xdc: {  	v5 =	vadd.f32 v8, v5  }
0xdd: {  	v8 =	vadd.f32 v13, v12;
	v12 =	vadd.f32 v18, v15  }
0xde: {  	v13 =	vmul.f32 v14, v0  }
0xdf: {  	[tilespmem:s19+$0x10] =	vst v8;
	v8 =	vmul.f32 v11, v6;
	s19 =	smov.u32 s23  }
0xe0: {  	v7 =	vadd.f32 v9, v7;
	v4 =	vadd.f32 v13, v4;
	v6 =	vmul.f32 v14, v6;
	[tilespmem:s18+$0x10] =	vst v12;
	s18 =	smov.u32 s28  }
0xe1: {  	[tilespmem:s0+$0x10] =	vst v10;
	v5 =	vadd.f32 v8, v5;
	s0 =	smov.u32 s20  }
0xe2: {  	[tilespmem:s21+$0x10] =	vst v4;
	v4 =	vadd.f32 v6, v7;
	s21 =	smov.u32 s6  }
0xe3: {  	[tilespmem:s1+$0x10] =	vst v5;
	s1 =	smov.u32 s7  }
0xe4: {  	[tilespmem:s22+$0x10] =	vst v4;
	s22 =	smov.u32 s14  }
0xe5: {  	v4 =	vld [tilespmem:s13+$0xFFFFFF80]  }
0xe6: {  	v5 =	vld [tilespmem:s15+$0xFFFFFF90]  }
0xe7: {  	v6 =	vld [tilespmem:s15+$0xFFFFFF80]  }
0xe8: {  	v7 =	vld [tilespmem:s3+$0xFFFFFF80]  }
0xe9: {  	v8 =	vld [tilespmem:s13+$0xFFFFFFA0]  }
0xea: {  	v9 =	vld [tilespmem:s3+$0xFFFFFF90]  }
0xeb: {  	v10 =	vld [tilespmem:s15+$0xFFFFFFA0]  }
0xec: {  	v11 =	vld [tilespmem:s3+$0xFFFFFFA0]  }
0xed: {  	v13 =	vmul.f32 v5, v5;
	v12 =	vmul.f32 v7, v7  }
0xee: {  	v15 =	vmul.f32 v6, v6;
	v6 =	vmul.f32 v6, v7;
	v14 =	vld [tilespmem:s13+$0xFFFFFF90]  }
0xef: {  	v16 =	vld [tilespmem:s15+$0xFFFFFFB0];
	v17 =	vmul.f32 v9, v9;
	v5 =	vmul.f32 v5, v9  }
0xf0: {  	v19 =	vmul.f32 v4, v4;
	v13 =	vadd.f32 v13, v15;
	v18 =	vld [tilespmem:s13+$0xFFFFFFB0];
	v15 =	vmul.f32 v10, v10  }
0xf1: {  	v12 =	vadd.f32 v17, v12;
	v5 =	vadd.f32 v5, v6;
	v6 =	vmul.f32 v8, v11  }
0xf2: {  	v10 =	vmul.f32 v10, v11;
	v13 =	vadd.f32 v15, v13;
	v15 =	vmul.f32 v4, v1  }
0xf3: {  	v11 =	vmul.f32 v11, v11;
	v17 =	vld [tilespmem:s3+$0xFFFFFFB0];
	v9 =	vmul.f32 v14, v9  }
0xf4: {  	v4 =	vmul.f32 v4, v7;
	v20 =	vmul.f32 v16, v16  }
0xf5: {  	v7 =	vadd.f32 v11, v12;
	v11 =	vmul.f32 v14, v14;
	v12 =	vmul.f32 v18, v18  }
0xf6: {  	v14 =	vmul.f32 v14, v3;
	v21 =	vmul.f32 v18, v0;
	v4 =	vadd.f32 v9, v4  }
0xf7: {  	v11 =	vadd.f32 v11, v19;
	v9 =	vadd.f32 v20, v13;
	v13 =	vmul.f32 v8, v8  }
0xf8: {  	v14 =	vadd.f32 v14, v15;
	v19 =	vmul.f32 v17, v17;
	v15 =	vmul.f32 v18, v17  }
0xf9: {  	v8 =	vmul.f32 v8, v2;
	v11 =	vadd.f32 v13, v11;
	v13 =	vmul.f32 v16, v17  }
0xfa: {  	v4 =	vadd.f32 v6, v4;
	v7 =	vadd.f32 v19, v7  }
0xfb: {  	v8 =	vadd.f32 v8, v14;
	v6 =	vadd.f32 v12, v11  }
0xfc: {  	v5 =	vadd.f32 v10, v5;
	[tilespmem:s23+$0xFFFFFFE0] =	vst v7  }
0xfd: {  	v7 =	vadd.f32 v21, v8;
	[tilespmem:s28+$0xFFFFFFE0] =	vst v9  }
0xfe: {  	v5 =	vadd.f32 v13, v5;
	[tilespmem:s20+$0xFFFFFFE0] =	vst v6  }
0xff: {  	v4 =	vadd.f32 v15, v4;
	[tilespmem:s6+$0xFFFFFFE0] =	vst v7  }
0x100: {  	[tilespmem:s7+$0xFFFFFFE0] =	vst v5  }
0x101: {  	[tilespmem:s14+$0xFFFFFFE0] =	vst v4  }
0x102: {  	v4 =	vld [tilespmem:s13+$0xFFFFFFD0]  }
0x103: {  	v5 =	vld [tilespmem:s15+$0xFFFFFFD0]  }
0x104: {  	v6 =	vld [tilespmem:s13+$0xFFFFFFC0]  }
0x105: {  	v7 =	vld [tilespmem:s13+$0xFFFFFFE0]  }
0x106: {  	v8 =	vld [tilespmem:s13+$0xFFFFFFF0]  }
0x107: {  	v9 =	vld [tilespmem:s15+$0xFFFFFFE0]  }
0x108: {  	v10 =	vld [tilespmem:s3+$0xFFFFFFE0];
	v11 =	vmul.f32 v5, v5  }
0x109: {  	v13 =	vmul.f32 v4, v4;
	v12 =	vmul.f32 v6, v6  }
0x10a: {  	v16 =	vmul.f32 v4, v3;
	v15 =	vmul.f32 v6, v1;
	v14 =	vld [tilespmem:s3+$0xFFFFFFC0]  }
0x10b: {  	v12 =	vadd.f32 v13, v12;
	v13 =	vmul.f32 v7, v7  }
0x10c: {  	v15 =	vadd.f32 v16, v15;
	v16 =	vmul.f32 v7, v2;
	v17 =	vld [tilespmem:s15+$0xFFFFFFC0]  }
0x10d: {  	v18 =	vmul.f32 v10, v10;
	v12 =	vadd.f32 v13, v12;
	v13 =	vmul.f32 v8, v8  }
0x10e: {  	v15 =	vadd.f32 v16, v15;
	v16 =	vmul.f32 v9, v10;
	v7 =	vmul.f32 v7, v10;
	v19 =	vld [tilespmem:s3+$0xFFFFFFD0]  }
0x10f: {  	v10 =	vadd.f32 v13, v12;
	v6 =	vmul.f32 v6, v14;
	_ =	sdelay $0x1  }
0x110: {  	v12 =	vmul.f32 v17, v17;
	v13 =	vmul.f32 v17, v14  }
0x111: {  	v9 =	vmul.f32 v9, v9;
	v17 =	vld [tilespmem:s3+$0xFFFFFFF0]  }
0x112: {  	v14 =	vmul.f32 v14, v14;
	v20 =	vld [tilespmem:s15+$0xFFFFFFF0];
	v21 =	vmul.f32 v19, v19;
	v11 =	vadd.f32 v11, v12  }
0x113: {  	v5 =	vmul.f32 v5, v19;
	v4 =	vmul.f32 v4, v19  }
0x114: {  	v12 =	vadd.f32 v21, v14;
	v9 =	vadd.f32 v9, v11  }
0x115: {  	v5 =	vadd.f32 v5, v13;
	v4 =	vadd.f32 v4, v6  }
0x116: {  	v6 =	vadd.f32 v18, v12;
	v11 =	vmul.f32 v17, v17;
	v12 =	vmul.f32 v8, v17  }
0x117: {  	v5 =	vadd.f32 v16, v5;
	v4 =	vadd.f32 v7, v4;
	v13 =	vmul.f32 v20, v20  }
0x118: {  	v7 =	vmul.f32 v20, v17;
	v6 =	vadd.f32 v11, v6  }
0x119: {  	v8 =	vmul.f32 v8, v0;
	v9 =	vadd.f32 v13, v9  }
0x11a: {  	[tilespmem:s23+$0xFFFFFFF0] =	vst v6  }
0x11b: {  	v6 =	vadd.f32 v8, v15;
	[tilespmem:s28+$0xFFFFFFF0] =	vst v9  }
0x11c: {  	v5 =	vadd.f32 v7, v5;
	[tilespmem:s20+$0xFFFFFFF0] =	vst v10  }
0x11d: {  	v4 =	vadd.f32 v12, v4;
	[tilespmem:s6+$0xFFFFFFF0] =	vst v6  }
0x11e: {  	[tilespmem:s7+$0xFFFFFFF0] =	vst v5  }
0x11f: {  	[tilespmem:s14+$0xFFFFFFF0] =	vst v4  }
0x120: {  	v17 =	vld [tilespmem:s13+$0x20]  }
0x121: {  	v4 =	vld [tilespmem:s3+$0x30]  }
0x122: {  	v6 =	vld [tilespmem:s15+$0x20]  }
0x123: {  	v10 =	vld [tilespmem:s13+$0x10]  }
0x124: {  	v12 =	vld [tilespmem:s3+$0x20]  }
0x125: {  	v13 =	vld [tilespmem:s15+$0x10]  }
0x126: {  	v14 =	vld [tilespmem:s3+$0x10]  }
0x127: {  	v9 =	vld [tilespmem:s15+$0x0]  }
0x128: {  	v21 =	vld [tilespmem:s3+$0x0]  }
0x129: {  	v5 =	vmul.f32 v6, v6;
	v20 =	vld [tilespmem:s13+$0x0];
	v6 =	vmul.f32 v6, v12  }
0x12a: {  	v18 =	vmul.f32 v10, v10;
	v23 =	vld [tilespmem:s13+$0x30];
	v7 =	vmul.f32 v13, v13  }
0x12b: {  	v8 =	vmul.f32 v12, v12;
	v11 =	vld [tilespmem:s15+$0x30];
	v22 =	vmul.f32 v13, v14  }
0x12c: {  	v19 =	vmul.f32 v10, v3;
	v15 =	vmul.f32 v10, v14  }
0x12d: {  	v14 =	vmul.f32 v14, v14;
	v10 =	vmul.f32 v4, v4  }
0x12e: {  	v12 =	vmul.f32 v17, v12;
	v24 =	vmul.f32 v20, v1  }
.Ltmp2:
0x12f: {  	v25 =	vmul.f32 v20, v20;
	v16 =	vmul.f32 v23, v0;
	(pc) =	sbr.rel @p0 .LBB2_3-.Ltmp2, $4  }
0x130: {  	v26 =	vmul.f32 v9, v21;
	v13 =	vmul.f32 v23, v4  }
0x131: {  	v27 =	vmul.f32 v17, v17;
	s13 =	sadd.s32 $0x100, s13;
	v25 =	vadd.f32 v18, v25;
	v18 =	vmul.f32 v17, v2  }
0x132: {  	s14 =	sadd.s32 $0x40, s14;
	s3 =	sadd.s32 $0x100, s3;
	s15 =	sadd.s32 $0x100, s15;
	v20 =	vmul.f32 v20, v21;
	v19 =	vadd.f32 v19, v24;
	v17 =	vadd.f32 v22, v26  }
0x133: {  	s20 =	sadd.s32 $0x40, s20;
	s6 =	sadd.s32 $0x40, s6;
	s7 =	sadd.s32 $0x40, s7;
	v23 =	vmul.f32 v23, v23;
	v22 =	vmul.f32 v21, v21;
	v21 =	vadd.f32 v27, v25  }
0x134: {  	v9 =	vmul.f32 v9, v9  }
0x135: {  	v14 =	vadd.f32 v14, v22  }
0x136: {  	v7 =	vadd.f32 v7, v9  }
0x137: {  	v8 =	vadd.f32 v8, v14  }
0x138: {  	v5 =	vadd.f32 v5, v7;
	v7 =	vmul.f32 v11, v11  }
0x139: {  	v9 =	vadd.f32 v18, v19;
	v8 =	vadd.f32 v10, v8  }
0x13a: {  	v10 =	vadd.f32 v15, v20;
	v5 =	vadd.f32 v7, v5  }
0x13b: {  	v6 =	vadd.f32 v6, v17;
	v4 =	vmul.f32 v11, v4;
	v7 =	vadd.f32 v23, v21;
	[tilespmem:s19+$0x0] =	vst v8  }
0x13c: {  	v8 =	vadd.f32 v16, v9;
	v9 =	vadd.f32 v12, v10;
	[tilespmem:s18+$0x0] =	vst v5  }
0x13d: {  	v4 =	vadd.f32 v4, v6;
	[tilespmem:s0+$0x0] =	vst v7  }
0x13e: {  	v5 =	vadd.f32 v13, v9;
	[tilespmem:s21+$0x0] =	vst v8  }
0x13f: {  	[tilespmem:s1+$0x0] =	vst v4  }
0x140: {  	[tilespmem:s22+$0x0] =	vst v5  }
0x141: {  	v4 =	vld [tilespmem:s26+$0x50]  }
0x142: {  	v5 =	vld [tilespmem:s29+$0x50]  }
0x143: {  	v6 =	vld [tilespmem:s31+$0x50]  }
0x144: {  	v7 =	vld [tilespmem:s26+$0x40]  }
0x145: {  	v8 =	vld [tilespmem:s31+$0x60]  }
0x146: {  	v9 =	vld [tilespmem:s26+$0x60]  }
0x147: {  	v13 =	vld [tilespmem:s29+$0x40];
	v11 =	vmul.f32 v4, v4;
	v12 =	vmul.f32 v5, v5  }
0x148: {  	v14 =	vld [tilespmem:s31+$0x40];
	v15 =	vmul.f32 v4, v5;
	v16 =	vmul.f32 v6, v6  }
0x149: {  	v17 =	vld [tilespmem:s29+$0x60];
	v3 =	vmul.f32 v4, v3;
	v4 =	vmul.f32 v7, v7  }
0x14a: {  	v1 =	vmul.f32 v7, v1;
	v19 =	vmul.f32 v8, v8  }
0x14b: {  	v20 =	vld [tilespmem:s29+$0x70];
	v5 =	vmul.f32 v6, v5;
	v6 =	vmul.f32 v9, v9  }
0x14c: {  	v10 =	vld [tilespmem:s31+$0x70];
	v21 =	vmul.f32 v13, v13;
	v2 =	vmul.f32 v9, v2;
	v4 =	vadd.f32 v11, v4  }
0x14d: {  	v18 =	vld [tilespmem:s26+$0x70];
	v7 =	vmul.f32 v7, v13;
	v1 =	vadd.f32 v3, v1;
	v3 =	vmul.f32 v14, v14  }
0x14e: {  	v4 =	vadd.f32 v6, v4;
	v6 =	vadd.f32 v12, v21;
	v12 =	vmul.f32 v17, v17  }
0x14f: {  	v8 =	vmul.f32 v8, v17;
	v1 =	vadd.f32 v2, v1;
	v2 =	vadd.f32 v16, v3  }
0x150: {  	v3 =	vmul.f32 v14, v13;
	v6 =	vadd.f32 v12, v6;
	v12 =	vmul.f32 v20, v20  }
0x151: {  	v9 =	vmul.f32 v9, v17;
	v11 =	vmul.f32 v10, v10;
	v2 =	vadd.f32 v19, v2  }
0x152: {  	v21 =	vmul.f32 v18, v18;
	v3 =	vadd.f32 v5, v3;
	v5 =	vadd.f32 v12, v6  }
0x153: {  	v0 =	vmul.f32 v18, v0;
	v6 =	vadd.f32 v15, v7;
	v2 =	vadd.f32 v11, v2  }
0x154: {  	v4 =	vadd.f32 v21, v4;
	v3 =	vadd.f32 v8, v3;
	[tilespmem:s19+$0x10] =	vst v5;
	v5 =	vmul.f32 v10, v20  }
0x155: {  	v0 =	vadd.f32 v0, v1;
	v1 =	vadd.f32 v9, v6;
	[tilespmem:s18+$0x10] =	vst v2;
	v2 =	vmul.f32 v18, v20  }
0x156: {  	[tilespmem:s0+$0x10] =	vst v4;
	v3 =	vadd.f32 v5, v3  }
0x157: {  	s7 =	sshll.u32 s16, $0x9;
	s12 =	rddreg [dreg:$0xa];
	[tilespmem:s21+$0x10] =	vst v0;
	v0 =	vadd.f32 v2, v1  }
0x158: {  	s13 =	rddreg [dreg:$0x5];
	s0 =	sadd.s32 s12, s7;
	[tilespmem:s1+$0x10] =	vst v3  }
0x159: {  	s3 =	simm.s32 $0xF000;
	s14 =	rddreg [dreg:$0x6];
	s1 =	sadd.s32 s13, s0;
	[tilespmem:s22+$0x10] =	vst v0  }
0x15a: {  	[hbm4b:s1+s2] =	stream.linear.scatter [tilespmem:s3], [sflag:$0x3], $0x800, $0x38;
	[tilespmem:$0x15000] =	vst v63  }
0x15b: {  	s15 =	simm.s32 $0xF800;
	s1 =	sadd.s32 s14, s0  }
0x15c: {  	[hbm4b:s1+s2] =	stream.linear.scatter [tilespmem:s15], [sflag:$0x3], $0x800, $0x38;
	[tilespmem:$0x15000] =	vst v63  }
0x15d: {  	s19 =	simm.s32 $0x10000;
	s18 =	sadd.s32 s8, s0  }
0x15e: {  	[hbm4b:s18+s2] =	stream.linear.scatter [tilespmem:s19], [sflag:$0x3], $0x800, $0x38;
	[tilespmem:$0x15000] =	vst v63  }
0x15f: {  	s20 =	sadd.s32 s9, s0;
	s21 =	simm.s32 $0x10800  }
0x160: {  	[hbm4b:s20+s2] =	stream.linear.scatter [tilespmem:s21], [sflag:$0x3], $0x800, $0x38;
	[tilespmem:$0x15000] =	vst v63  }
0x161: {  	s23 =	simm.s32 $0x11000;
	s22 =	sadd.s32 s10, s0  }
0x162: {  	[hbm4b:s22+s2] =	stream.linear.scatter [tilespmem:s23], [sflag:$0x3], $0x800, $0x38;
	[tilespmem:$0x15000] =	vst v63  }
0x163: {  	p0 =	seq.s32 s16, $0xF;
	s26 =	simm.s32 $0x11800;
	s0 =	sadd.s32 s11, s0  }
0x164: {  	[hbm4b:s0+s2] =	stream.linear.scatter [tilespmem:s26], [sflag:$0x3], $0x800, $0x38;
	[tilespmem:$0x15000] =	vst v63  }
0x165: {  	s3 =	simm.s32 @!p0 $0x3000;
	s1 =	simm.s32 @!p0 $0x80;
	s0 =	sadd.s32 @!p0 $0x100, s24  }
0x166: {  	[tilespmem:s3], [sflag:$0x1] =	stream.indirect.gather @!p0 [hbm4b:s4+s1], $0x40, s0, s1, $0xb8;
	[tilespmem:$0x15000] =	vst v63  }
0x167: {  	p1 =	seq.s32 @!p0 s16, $0x0;
	s0 =	sadd.s32 @!p0 $0x1100, s24;
	s3 =	simm.s32 @!p0 $0x5000  }
0x168: {  	[tilespmem:s3], [sflag:$0x1] =	stream.indirect.gather @!p0 [hbm4b:s4+s1], $0x40, s0, s1, $0xb8;
	[tilespmem:$0x15000] =	vst v63  }
0x169: {  	p1 =	por p0, !p1;
	s0 =	sadd.s32 @!p0 $0x2100, s24;
	s3 =	simm.s32 @!p0 $0x7000  }
0x16a: {  	[tilespmem:s3], [sflag:$0x1] =	stream.indirect.gather @!p0 [hbm4b:s5+s1], $0x40, s0, s1, $0xb8;
	[tilespmem:$0x15000] =	vst v63  }
0x16b: {  	_ =	swait.ge @p1 [sflag:s17], $0x800  }
0x16c: {  	[sflag:s17] =	ssyncset.done @p1 $0x0  }
0x16d: {  	[sflag:s17] =	ssyncadd.s32 @p1 $0xFFFFF800  }
0x16e: {  	_ =	swait.ge @p1 [sflag:s17], $0x800  }
0x16f: {  	[sflag:s17] =	ssyncset.done @p1 $0x0  }
0x170: {  	[sflag:s17] =	ssyncadd.s32 @p1 $0xFFFFF800  }
0x171: {  	_ =	swait.ge @p1 [sflag:s17], $0x800  }
0x172: {  	[sflag:s17] =	ssyncset.done @p1 $0x0  }
0x173: {  	[sflag:s17] =	ssyncadd.s32 @p1 $0xFFFFF800  }
0x174: {  	_ =	swait.ge @p1 [sflag:s17], $0x800  }
0x175: {  	[sflag:s17] =	ssyncset.done @p1 $0x0  }
0x176: {  	[sflag:s17] =	ssyncadd.s32 @p1 $0xFFFFF800  }
0x177: {  	_ =	swait.ge @p1 [sflag:s17], $0x800  }
0x178: {  	[sflag:s17] =	ssyncset.done @p1 $0x0  }
0x179: {  	[sflag:s17] =	ssyncadd.s32 @p1 $0xFFFFF800  }
0x17a: {  	_ =	swait.ge @p1 [sflag:s17], $0x800  }
0x17b: {  	[sflag:s17] =	ssyncset.done @p1 $0x0  }
0x17c: {  	[sflag:s17] =	ssyncadd.s32 @p1 $0xFFFFF800  }
0x17d: {  	_ =	swait.ge [sflag:s25], $0x2000  }
0x17e: {  	[sflag:s25] =	ssyncset.done $0x0  }
0x17f: {  	[sflag:s25] =	ssyncadd.s32 $0xFFFFE000  }
0x180: {  	_ =	swait.ge [sflag:s25], $0x2000  }
0x181: {  	[sflag:s25] =	ssyncset.done $0x0  }
0x182: {  	[sflag:s25] =	ssyncadd.s32 $0xFFFFE000  }
0x183: {  	_ =	swait.ge [sflag:s25], $0x2000  }
0x184: {  	[sflag:s25] =	ssyncset.done $0x0  }
0x185: {  	s31 =	simm.s32 $0xB080;
	[sflag:s25] =	ssyncadd.s32 $0xFFFFE000  }
0x186: {  	v0 =	vld [tilespmem:s31+$0xFFFFFF90]  }
0x187: {  	s29 =	simm.s32 $0x9080;
	v2 =	vld [tilespmem:s31+$0xFFFFFF80]  }
0x188: {  	s26 =	simm.s32 $0xD080;
	v5 =	vld [tilespmem:s29+$0xFFFFFF80]  }
0x189: {  	v6 =	vld [tilespmem:s26+$0xFFFFFFA0]  }
0x18a: {  	v7 =	vld [tilespmem:s29+$0xFFFFFF90]  }
0x18b: {  	v8 =	vld [tilespmem:s31+$0xFFFFFFA0]  }
0x18c: {  	v9 =	vld [tilespmem:s29+$0xFFFFFFA0]  }
0x18d: {  	v4 =	vld [tilespmem:s26+$0xFFFFFF80]  }
0x18e: {  	v12 =	vld [tilespmem:s26+$0xFFFFFF90];
	v10 =	vmul.f32 v5, v5;
	v11 =	vmul.f32 v0, v0  }
0x18f: {  	v1 =	vld [tilespmem:$0xB000];
	v13 =	vmul.f32 v2, v2;
	v14 =	vmul.f32 v2, v5  }
0x190: {  	v15 =	vld [tilespmem:s31+$0xFFFFFFB0];
	v16 =	vmul.f32 v7, v7;
	v0 =	vmul.f32 v0, v7  }
0x191: {  	v3 =	vld [tilespmem:$0xB010];
	v17 =	vmul.f32 v8, v8;
	v18 =	vmul.f32 v6, v9  }
0x192: {  	v19 =	vld [tilespmem:s29+$0xFFFFFFB0];
	v8 =	vmul.f32 v8, v9;
	v9 =	vmul.f32 v9, v9  }
0x193: {  	v2 =	vld [tilespmem:$0xB020];
	v7 =	vmul.f32 v12, v7;
	v21 =	vmul.f32 v12, v12;
	v11 =	vadd.f32 v11, v13  }
0x194: {  	v20 =	vld [tilespmem:s26+$0xFFFFFFB0];
	v13 =	vmul.f32 v4, v4;
	v10 =	vadd.f32 v16, v10;
	v16 =	vmul.f32 v4, v1  }
0x195: {  	v14 =	vadd.f32 v0, v14;
	v0 =	vld [tilespmem:$0xB030];
	v4 =	vmul.f32 v4, v5;
	v11 =	vadd.f32 v17, v11  }
0x196: {  	v17 =	vmul.f32 v15, v15;
	v5 =	vadd.f32 v9, v10;
	v9 =	vmul.f32 v12, v3  }
0x197: {  	v10 =	vadd.f32 v21, v13;
	v12 =	vmul.f32 v6, v6;
	v13 =	vmul.f32 v19, v19  }
0x198: {  	v4 =	vadd.f32 v7, v4;
	v6 =	vmul.f32 v6, v2;
	v7 =	vadd.f32 v9, v16  }
0x199: {  	v9 =	vmul.f32 v20, v20;
	v10 =	vadd.f32 v12, v10;
	v5 =	vadd.f32 v13, v5  }
0x19a: {  	s23 =	simm.s32 $0x12020;
	v11 =	vadd.f32 v17, v11;
	v12 =	vmul.f32 v20, v0;
	v6 =	vadd.f32 v6, v7  }
0x19b: {  	s28 =	simm.s32 $0x12820;
	v7 =	vmul.f32 v15, v19;
	v9 =	vadd.f32 v9, v10;
	[tilespmem:s23+$0xFFFFFFE0] =	vst v5;
	v5 =	vadd.f32 v8, v14  }
0x19c: {  	s0 =	simm.s32 $0x13020;
	v4 =	vadd.f32 v18, v4;
	v8 =	vmul.f32 v20, v19;
	[tilespmem:s28+$0xFFFFFFE0] =	vst v11;
	v6 =	vadd.f32 v12, v6  }
0x19d: {  	s21 =	simm.s32 $0x13820;
	[tilespmem:s0+$0xFFFFFFE0] =	vst v9;
	v5 =	vadd.f32 v7, v5  }
0x19e: {  	s1 =	simm.s32 $0x14020;
	v4 =	vadd.f32 v8, v4;
	[tilespmem:s21+$0xFFFFFFE0] =	vst v6  }
0x19f: {  	s22 =	simm.s32 $0x14820;
	[tilespmem:s1+$0xFFFFFFE0] =	vst v5  }
0x1a0: {  	[tilespmem:s22+$0xFFFFFFE0] =	vst v4  }
0x1a1: {  	v4 =	vld [tilespmem:s26+$0xFFFFFFD0]  }
0x1a2: {  	v5 =	vld [tilespmem:s31+$0xFFFFFFD0]  }
0x1a3: {  	v6 =	vld [tilespmem:s26+$0xFFFFFFC0]  }
0x1a4: {  	v7 =	vld [tilespmem:s26+$0xFFFFFFE0]  }
0x1a5: {  	v8 =	vld [tilespmem:s26+$0xFFFFFFF0]  }
0x1a6: {  	v9 =	vld [tilespmem:s29+$0xFFFFFFE0]  }
0x1a7: {  	v10 =	vld [tilespmem:s29+$0xFFFFFFC0]  }
0x1a8: {  	v11 =	vld [tilespmem:s29+$0xFFFFFFD0]  }
0x1a9: {  	v14 =	vld [tilespmem:s31+$0xFFFFFFC0];
	v12 =	vmul.f32 v6, v6;
	v13 =	vmul.f32 v4, v4  }
0x1aa: {  	v15 =	vld [tilespmem:s31+$0xFFFFFFE0];
	v16 =	vmul.f32 v6, v1;
	v17 =	vmul.f32 v4, v3  }
0x1ab: {  	v18 =	vmul.f32 v5, v5;
	v12 =	vadd.f32 v13, v12;
	v13 =	vmul.f32 v7, v7  }
0x1ac: {  	v20 =	vld [tilespmem:s29+$0xFFFFFFF0];
	v19 =	vmul.f32 v9, v9;
	v16 =	vadd.f32 v17, v16;
	v17 =	vmul.f32 v7, v2  }
0x1ad: {  	v21 =	vmul.f32 v10, v10;
	v22 =	vmul.f32 v11, v11;
	v12 =	vadd.f32 v13, v12;
	v13 =	vld [tilespmem:s31+$0xFFFFFFF0]  }
0x1ae: {  	v23 =	vmul.f32 v8, v8;
	v16 =	vadd.f32 v17, v16;
	v17 =	vmul.f32 v14, v14  }
0x1af: {  	v24 =	vmul.f32 v15, v9;
	v6 =	vmul.f32 v6, v10;
	v21 =	vadd.f32 v22, v21  }
0x1b0: {  	v10 =	vmul.f32 v14, v10;
	v14 =	vmul.f32 v15, v15;
	v15 =	vadd.f32 v18, v17  }
0x1b1: {  	v5 =	vmul.f32 v5, v11;
	v17 =	vadd.f32 v19, v21;
	v18 =	vmul.f32 v20, v20  }
0x1b2: {  	v4 =	vmul.f32 v4, v11;
	v11 =	vadd.f32 v14, v15;
	v14 =	vmul.f32 v13, v13  }
0x1b3: {  	v7 =	vmul.f32 v7, v9;
	v5 =	vadd.f32 v5, v10;
	v9 =	vadd.f32 v18, v17  }
0x1b4: {  	v4 =	vadd.f32 v4, v6;
	v10 =	vmul.f32 v8, v0;
	v6 =	vadd.f32 v14, v11  }
0x1b5: {  	v5 =	vadd.f32 v24, v5;
	[tilespmem:s23+$0xFFFFFFF0] =	vst v9;
	v11 =	vadd.f32 v23, v12;
	v12 =	vmul.f32 v13, v20  }
0x1b6: {  	v8 =	vmul.f32 v8, v20;
	v4 =	vadd.f32 v7, v4;
	[tilespmem:s28+$0xFFFFFFF0] =	vst v6;
	v6 =	vadd.f32 v10, v16  }
0x1b7: {  	v5 =	vadd.f32 v12, v5;
	[tilespmem:s0+$0xFFFFFFF0] =	vst v11  }
0x1b8: {  	v4 =	vadd.f32 v8, v4;
	[tilespmem:s21+$0xFFFFFFF0] =	vst v6  }
0x1b9: {  	[tilespmem:s1+$0xFFFFFFF0] =	vst v5  }
0x1ba: {  	[tilespmem:s22+$0xFFFFFFF0] =	vst v4  }
0x1bb: {  	v6 =	vld [tilespmem:s31+$0x20]  }
0x1bc: {  	v10 =	vld [tilespmem:s26+$0x10]  }
0x1bd: {  	v12 =	vld [tilespmem:s29+$0x20]  }
0x1be: {  	v13 =	vld [tilespmem:s31+$0x10]  }
0x1bf: {  	v14 =	vld [tilespmem:s29+$0x10]  }
0x1c0: {  	v11 =	vld [tilespmem:s26+$0x20]  }
0x1c1: {  	v4 =	vld [tilespmem:s29+$0x30]  }
0x1c2: {  	v20 =	vld [tilespmem:s26+$0x0];
	v5 =	vmul.f32 v6, v6;
	v6 =	vmul.f32 v6, v12  }
0x1c3: {  	v23 =	vld [tilespmem:s26+$0x30];
	v7 =	vmul.f32 v13, v13;
	v17 =	vmul.f32 v10, v10  }
0x1c4: {  	v9 =	vld [tilespmem:s31+$0x0];
	v8 =	vmul.f32 v12, v12;
	v22 =	vmul.f32 v13, v14  }
0x1c5: {  	v21 =	vld [tilespmem:s29+$0x0];
	v19 =	vmul.f32 v10, v3;
	v15 =	vmul.f32 v10, v14  }
0x1c6: {  	v14 =	vmul.f32 v14, v14;
	v10 =	vmul.f32 v4, v4  }
0x1c7: {  	v63 =	vmul.f32 v20, v1;
	v18 =	vmul.f32 v20, v20  }
0x1c8: {  	v12 =	vmul.f32 v11, v12;
	v16 =	vmul.f32 v23, v0  }
0x1c9: {  	s6 =	simm.s32 $0x13860;
	v27 =	vmul.f32 v11, v11;
	v26 =	vadd.f32 v17, v18;
	v18 =	vmul.f32 v11, v2;
	v11 =	vld [tilespmem:s31+$0x30]  }
0x1ca: {  	s12 =	simm.s32 $0x0;
	s7 =	simm.s32 $0x14060;
	s13 =	simm.s32 $0xD180;
	v25 =	vmul.f32 v9, v21;
	v13 =	vmul.f32 v23, v4  }
0x1cb: {  	s14 =	simm.s32 $0x14860;
	s15 =	simm.s32 $0xB180;
	s18 =	simm.s32 $0x12020;
	v20 =	vmul.f32 v20, v21;
	v23 =	vmul.f32 v23, v23;
	v19 =	vadd.f32 v19, v63  }
0x1cc: {  	s19 =	simm.s32 $0x12820;
	s20 =	simm.s32 $0x13060;
	s3 =	simm.s32 $0x9180;
	v17 =	vadd.f32 v22, v25;
	v22 =	vmul.f32 v21, v21;
	v21 =	vadd.f32 v27, v26  }
.LBB2_5:
0x1cd: {  	s12 =	sadd.s32 $0x4, s12;
	v9 =	vmul.f32 v9, v9;
	v18 =	vadd.f32 v18, v19;
	v15 =	vadd.f32 v15, v20;
	s23 =	sadd.s32 $0x40, s23;
	s28 =	sadd.s32 $0x40, s28  }
0x1ce: {  	v6 =	vadd.f32 v6, v17;
	v4 =	vmul.f32 v11, v4;
	p1 =	slt.u32 s12, $0x7C;
	v19 =	vadd.f32 v23, v21  }
0x1cf: {  	v16 =	vadd.f32 v16, v18;
	v12 =	vadd.f32 v12, v15  }
0x1d0: {  	v14 =	vadd.f32 v14, v22;
	v4 =	vadd.f32 v4, v6  }
0x1d1: {  	v6 =	vadd.f32 v7, v9;
	v7 =	vadd.f32 v13, v12  }
0x1d2: {  	v8 =	vadd.f32 v8, v14  }
0x1d3: {  	v5 =	vadd.f32 v5, v6;
	v6 =	vmul.f32 v11, v11  }
0x1d4: {  	v8 =	vadd.f32 v10, v8  }
0x1d5: {  	v5 =	vadd.f32 v6, v5  }
0x1d6: {  	[tilespmem:s18+$0x0] =	vst v8  }
0x1d7: {  	[tilespmem:s19+$0x0] =	vst v5  }
0x1d8: {  	[tilespmem:s0+$0x0] =	vst v19  }
0x1d9: {  	[tilespmem:s21+$0x0] =	vst v16  }
0x1da: {  	[tilespmem:s1+$0x0] =	vst v4  }
0x1db: {  	[tilespmem:s22+$0x0] =	vst v7  }
0x1dc: {  	v4 =	vld [tilespmem:s26+$0x50]  }
0x1dd: {  	v5 =	vld [tilespmem:s29+$0x50]  }
0x1de: {  	v6 =	vld [tilespmem:s31+$0x50]  }
0x1df: {  	v7 =	vld [tilespmem:s26+$0x40]  }
0x1e0: {  	v8 =	vld [tilespmem:s31+$0x60]  }
0x1e1: {  	v9 =	vld [tilespmem:s26+$0x60];
	v10 =	vmul.f32 v4, v4  }
0x1e2: {  	v11 =	vld [tilespmem:s31+$0x70];
	v12 =	vmul.f32 v5, v5;
	v13 =	vmul.f32 v4, v5  }
0x1e3: {  	v4 =	vmul.f32 v4, v3;
	v14 =	vld [tilespmem:s26+$0x70];
	v15 =	vmul.f32 v6, v6;
	s26 =	smov.u32 s13  }
0x1e4: {  	v16 =	vld [tilespmem:s29+$0x40];
	v17 =	vmul.f32 v7, v7;
	v18 =	vmul.f32 v7, v1  }
0x1e5: {  	v5 =	vmul.f32 v6, v5;
	v19 =	vld [tilespmem:s29+$0x60];
	v20 =	vmul.f32 v8, v8  }
0x1e6: {  	v6 =	vld [tilespmem:s29+$0x70];
	v10 =	vadd.f32 v10, v17;
	v17 =	vmul.f32 v9, v9;
	v4 =	vadd.f32 v4, v18;
	s29 =	smov.u32 s3  }
0x1e7: {  	v21 =	vmul.f32 v9, v2;
	v18 =	vmul.f32 v11, v11  }
0x1e8: {  	v22 =	vld [tilespmem:s31+$0x40];
	v10 =	vadd.f32 v17, v10;
	v17 =	vmul.f32 v14, v14;
	s31 =	smov.u32 s15  }
0x1e9: {  	v4 =	vadd.f32 v21, v4;
	v7 =	vmul.f32 v7, v16  }
0x1ea: {  	v10 =	vadd.f32 v17, v10;
	v8 =	vmul.f32 v8, v19;
	v9 =	vmul.f32 v9, v19  }
0x1eb: {  	v7 =	vadd.f32 v13, v7;
	_ =	sdelay $0x1  }
0x1ec: {  	v13 =	vmul.f32 v16, v16;
	v17 =	vmul.f32 v22, v22  }
0x1ed: {  	v16 =	vmul.f32 v22, v16  }
0x1ee: {  	v12 =	vadd.f32 v12, v13;
	v13 =	vmul.f32 v19, v19;
	v15 =	vadd.f32 v15, v17  }
0x1ef: {  	v5 =	vadd.f32 v5, v16  }
0x1f0: {  	v12 =	vadd.f32 v13, v12;
	v13 =	vmul.f32 v6, v6;
	v15 =	vadd.f32 v20, v15  }
0x1f1: {  	v5 =	vadd.f32 v8, v5  }
0x1f2: {  	v8 =	vadd.f32 v13, v12;
	v12 =	vadd.f32 v18, v15  }
0x1f3: {  	v13 =	vmul.f32 v14, v0  }
0x1f4: {  	[tilespmem:s18+$0x10] =	vst v8;
	v8 =	vmul.f32 v11, v6;
	s18 =	smov.u32 s23  }
0x1f5: {  	v7 =	vadd.f32 v9, v7;
	v4 =	vadd.f32 v13, v4;
	v6 =	vmul.f32 v14, v6;
	[tilespmem:s19+$0x10] =	vst v12;
	s19 =	smov.u32 s28  }
0x1f6: {  	[tilespmem:s0+$0x10] =	vst v10;
	v5 =	vadd.f32 v8, v5;
	s0 =	smov.u32 s20  }
0x1f7: {  	[tilespmem:s21+$0x10] =	vst v4;
	v4 =	vadd.f32 v6, v7;
	s21 =	smov.u32 s6  }
0x1f8: {  	[tilespmem:s1+$0x10] =	vst v5;
	s1 =	smov.u32 s7  }
0x1f9: {  	[tilespmem:s22+$0x10] =	vst v4;
	s22 =	smov.u32 s14  }
0x1fa: {  	v4 =	vld [tilespmem:s13+$0xFFFFFF80]  }
0x1fb: {  	v5 =	vld [tilespmem:s15+$0xFFFFFF90]  }
0x1fc: {  	v6 =	vld [tilespmem:s15+$0xFFFFFF80]  }
0x1fd: {  	v7 =	vld [tilespmem:s3+$0xFFFFFF80]  }
0x1fe: {  	v8 =	vld [tilespmem:s13+$0xFFFFFFA0]  }
0x1ff: {  	v9 =	vld [tilespmem:s3+$0xFFFFFF90]  }
0x200: {  	v10 =	vld [tilespmem:s15+$0xFFFFFFA0]  }
0x201: {  	v11 =	vld [tilespmem:s3+$0xFFFFFFA0]  }
0x202: {  	v13 =	vmul.f32 v5, v5;
	v12 =	vmul.f32 v7, v7  }
0x203: {  	v15 =	vmul.f32 v6, v6;
	v6 =	vmul.f32 v6, v7;
	v14 =	vld [tilespmem:s13+$0xFFFFFF90]  }
0x204: {  	v16 =	vld [tilespmem:s15+$0xFFFFFFB0];
	v17 =	vmul.f32 v9, v9;
	v5 =	vmul.f32 v5, v9  }
0x205: {  	v19 =	vmul.f32 v4, v4;
	v13 =	vadd.f32 v13, v15;
	v18 =	vld [tilespmem:s13+$0xFFFFFFB0];
	v15 =	vmul.f32 v10, v10  }
0x206: {  	v12 =	vadd.f32 v17, v12;
	v5 =	vadd.f32 v5, v6;
	v6 =	vmul.f32 v8, v11  }
0x207: {  	v10 =	vmul.f32 v10, v11;
	v13 =	vadd.f32 v15, v13;
	v15 =	vmul.f32 v4, v1  }
0x208: {  	v11 =	vmul.f32 v11, v11;
	v17 =	vld [tilespmem:s3+$0xFFFFFFB0];
	v9 =	vmul.f32 v14, v9  }
0x209: {  	v4 =	vmul.f32 v4, v7;
	v20 =	vmul.f32 v16, v16  }
0x20a: {  	v7 =	vadd.f32 v11, v12;
	v11 =	vmul.f32 v14, v14;
	v12 =	vmul.f32 v18, v18  }
0x20b: {  	v14 =	vmul.f32 v14, v3;
	v21 =	vmul.f32 v18, v0;
	v4 =	vadd.f32 v9, v4  }
0x20c: {  	v11 =	vadd.f32 v11, v19;
	v9 =	vadd.f32 v20, v13;
	v13 =	vmul.f32 v8, v8  }
0x20d: {  	v14 =	vadd.f32 v14, v15;
	v19 =	vmul.f32 v17, v17;
	v15 =	vmul.f32 v18, v17  }
0x20e: {  	v8 =	vmul.f32 v8, v2;
	v11 =	vadd.f32 v13, v11;
	v13 =	vmul.f32 v16, v17  }
0x20f: {  	v4 =	vadd.f32 v6, v4;
	v7 =	vadd.f32 v19, v7  }
0x210: {  	v8 =	vadd.f32 v8, v14;
	v6 =	vadd.f32 v12, v11  }
0x211: {  	v5 =	vadd.f32 v10, v5;
	[tilespmem:s23+$0xFFFFFFE0] =	vst v7  }
0x212: {  	v7 =	vadd.f32 v21, v8;
	[tilespmem:s28+$0xFFFFFFE0] =	vst v9  }
0x213: {  	v5 =	vadd.f32 v13, v5;
	[tilespmem:s20+$0xFFFFFFE0] =	vst v6  }
0x214: {  	v4 =	vadd.f32 v15, v4;
	[tilespmem:s6+$0xFFFFFFE0] =	vst v7  }
0x215: {  	[tilespmem:s7+$0xFFFFFFE0] =	vst v5  }
0x216: {  	[tilespmem:s14+$0xFFFFFFE0] =	vst v4  }
0x217: {  	v4 =	vld [tilespmem:s13+$0xFFFFFFD0]  }
0x218: {  	v5 =	vld [tilespmem:s15+$0xFFFFFFD0]  }
0x219: {  	v6 =	vld [tilespmem:s13+$0xFFFFFFC0]  }
0x21a: {  	v7 =	vld [tilespmem:s13+$0xFFFFFFE0]  }
0x21b: {  	v8 =	vld [tilespmem:s13+$0xFFFFFFF0]  }
0x21c: {  	v9 =	vld [tilespmem:s15+$0xFFFFFFE0]  }
0x21d: {  	v10 =	vld [tilespmem:s3+$0xFFFFFFE0];
	v11 =	vmul.f32 v5, v5  }
0x21e: {  	v13 =	vmul.f32 v4, v4;
	v12 =	vmul.f32 v6, v6  }
0x21f: {  	v16 =	vmul.f32 v4, v3;
	v15 =	vmul.f32 v6, v1;
	v14 =	vld [tilespmem:s3+$0xFFFFFFC0]  }
0x220: {  	v12 =	vadd.f32 v13, v12;
	v13 =	vmul.f32 v7, v7  }
0x221: {  	v15 =	vadd.f32 v16, v15;
	v16 =	vmul.f32 v7, v2;
	v17 =	vld [tilespmem:s15+$0xFFFFFFC0]  }
0x222: {  	v18 =	vmul.f32 v10, v10;
	v12 =	vadd.f32 v13, v12;
	v13 =	vmul.f32 v8, v8  }
0x223: {  	v15 =	vadd.f32 v16, v15;
	v16 =	vmul.f32 v9, v10;
	v7 =	vmul.f32 v7, v10;
	v19 =	vld [tilespmem:s3+$0xFFFFFFD0]  }
0x224: {  	v10 =	vadd.f32 v13, v12;
	v6 =	vmul.f32 v6, v14;
	_ =	sdelay $0x1  }
0x225: {  	v12 =	vmul.f32 v17, v17;
	v13 =	vmul.f32 v17, v14  }
0x226: {  	v9 =	vmul.f32 v9, v9;
	v17 =	vld [tilespmem:s3+$0xFFFFFFF0]  }
0x227: {  	v14 =	vmul.f32 v14, v14;
	v20 =	vld [tilespmem:s15+$0xFFFFFFF0];
	v21 =	vmul.f32 v19, v19;
	v11 =	vadd.f32 v11, v12  }
0x228: {  	v5 =	vmul.f32 v5, v19;
	v4 =	vmul.f32 v4, v19  }
0x229: {  	v12 =	vadd.f32 v21, v14;
	v9 =	vadd.f32 v9, v11  }
0x22a: {  	v5 =	vadd.f32 v5, v13;
	v4 =	vadd.f32 v4, v6  }
0x22b: {  	v6 =	vadd.f32 v18, v12;
	v11 =	vmul.f32 v17, v17;
	v12 =	vmul.f32 v8, v17  }
0x22c: {  	v5 =	vadd.f32 v16, v5;
	v4 =	vadd.f32 v7, v4;
	v13 =	vmul.f32 v20, v20  }
0x22d: {  	v7 =	vmul.f32 v20, v17;
	v6 =	vadd.f32 v11, v6  }
0x22e: {  	v8 =	vmul.f32 v8, v0;
	v9 =	vadd.f32 v13, v9  }
0x22f: {  	[tilespmem:s23+$0xFFFFFFF0] =	vst v6  }
0x230: {  	v6 =	vadd.f32 v8, v15;
	[tilespmem:s28+$0xFFFFFFF0] =	vst v9  }
0x231: {  	v5 =	vadd.f32 v7, v5;
	[tilespmem:s20+$0xFFFFFFF0] =	vst v10  }
0x232: {  	v4 =	vadd.f32 v12, v4;
	[tilespmem:s6+$0xFFFFFFF0] =	vst v6  }
0x233: {  	[tilespmem:s7+$0xFFFFFFF0] =	vst v5  }
0x234: {  	[tilespmem:s14+$0xFFFFFFF0] =	vst v4  }
0x235: {  	v17 =	vld [tilespmem:s13+$0x20]  }
0x236: {  	v4 =	vld [tilespmem:s3+$0x30]  }
0x237: {  	v6 =	vld [tilespmem:s15+$0x20]  }
0x238: {  	v10 =	vld [tilespmem:s13+$0x10]  }
0x239: {  	v12 =	vld [tilespmem:s3+$0x20]  }
0x23a: {  	v13 =	vld [tilespmem:s15+$0x10]  }
0x23b: {  	v14 =	vld [tilespmem:s3+$0x10]  }
0x23c: {  	v9 =	vld [tilespmem:s15+$0x0]  }
0x23d: {  	v21 =	vld [tilespmem:s3+$0x0]  }
0x23e: {  	v5 =	vmul.f32 v6, v6;
	v20 =	vld [tilespmem:s13+$0x0];
	v6 =	vmul.f32 v6, v12  }
0x23f: {  	v18 =	vmul.f32 v10, v10;
	v23 =	vld [tilespmem:s13+$0x30];
	v7 =	vmul.f32 v13, v13  }
0x240: {  	v8 =	vmul.f32 v12, v12;
	v11 =	vld [tilespmem:s15+$0x30];
	v22 =	vmul.f32 v13, v14  }
0x241: {  	v19 =	vmul.f32 v10, v3;
	v15 =	vmul.f32 v10, v14  }
0x242: {  	v14 =	vmul.f32 v14, v14;
	v10 =	vmul.f32 v4, v4  }
0x243: {  	v12 =	vmul.f32 v17, v12;
	v24 =	vmul.f32 v20, v1  }
.Ltmp3:
0x244: {  	v25 =	vmul.f32 v20, v20;
	v16 =	vmul.f32 v23, v0;
	(pc) =	sbr.rel @p1 .LBB2_5-.Ltmp3, $4  }
0x245: {  	v26 =	vmul.f32 v9, v21;
	v13 =	vmul.f32 v23, v4  }
0x246: {  	v27 =	vmul.f32 v17, v17;
	s13 =	sadd.s32 $0x100, s13;
	v25 =	vadd.f32 v18, v25;
	v18 =	vmul.f32 v17, v2  }
0x247: {  	s14 =	sadd.s32 $0x40, s14;
	s3 =	sadd.s32 $0x100, s3;
	s15 =	sadd.s32 $0x100, s15;
	v20 =	vmul.f32 v20, v21;
	v19 =	vadd.f32 v19, v24;
	v17 =	vadd.f32 v22, v26  }
0x248: {  	s20 =	sadd.s32 $0x40, s20;
	s6 =	sadd.s32 $0x40, s6;
	s7 =	sadd.s32 $0x40, s7;
	v23 =	vmul.f32 v23, v23;
	v22 =	vmul.f32 v21, v21;
	v21 =	vadd.f32 v27, v25  }
0x249: {  	v9 =	vmul.f32 v9, v9  }
0x24a: {  	v14 =	vadd.f32 v14, v22  }
0x24b: {  	v7 =	vadd.f32 v7, v9  }
0x24c: {  	v8 =	vadd.f32 v8, v14  }
0x24d: {  	v29 =	vmul.f32 v11, v11;
	v5 =	vadd.f32 v5, v7  }
0x24e: {  	v30 =	vadd.f32 v18, v19;
	v8 =	vadd.f32 v10, v8  }
0x24f: {  	v31 =	vadd.f32 v15, v20;
	v5 =	vadd.f32 v29, v5  }
0x250: {  	v6 =	vadd.f32 v6, v17;
	v4 =	vmul.f32 v11, v4;
	v32 =	vadd.f32 v23, v21;
	[tilespmem:s18+$0x0] =	vst v8  }
0x251: {  	v33 =	vadd.f32 v16, v30;
	v34 =	vadd.f32 v12, v31;
	[tilespmem:s19+$0x0] =	vst v5  }
0x252: {  	v4 =	vadd.f32 v4, v6;
	[tilespmem:s0+$0x0] =	vst v32  }
0x253: {  	v35 =	vadd.f32 v13, v34;
	[tilespmem:s21+$0x0] =	vst v33  }
0x254: {  	[tilespmem:s1+$0x0] =	vst v4  }
0x255: {  	[tilespmem:s22+$0x0] =	vst v35  }
0x256: {  	v4 =	vld [tilespmem:s26+$0x50]  }
0x257: {  	v5 =	vld [tilespmem:s29+$0x50]  }
0x258: {  	v36 =	vld [tilespmem:s31+$0x50]  }
0x259: {  	v7 =	vld [tilespmem:s26+$0x40]  }
0x25a: {  	v8 =	vld [tilespmem:s31+$0x60]  }
0x25b: {  	v37 =	vld [tilespmem:s26+$0x60]  }
0x25c: {  	v38 =	vld [tilespmem:s31+$0x70]  }
0x25d: {  	v41 =	vld [tilespmem:s29+$0x40]  }
0x25e: {  	v44 =	vld [tilespmem:s31+$0x40];
	v39 =	vmul.f32 v4, v4;
	v40 =	vmul.f32 v5, v5  }
0x25f: {  	v46 =	vld [tilespmem:s29+$0x60];
	v42 =	vmul.f32 v4, v5;
	v43 =	vmul.f32 v36, v36  }
0x260: {  	v47 =	vld [tilespmem:s26+$0x70];
	v3 =	vmul.f32 v4, v3;
	v45 =	vmul.f32 v7, v7  }
0x261: {  	v1 =	vmul.f32 v7, v1;
	v48 =	vmul.f32 v8, v8  }
0x262: {  	v49 =	vld [tilespmem:s29+$0x70];
	v5 =	vmul.f32 v36, v5;
	v50 =	vmul.f32 v37, v37  }
0x263: {  	v51 =	vmul.f32 v38, v38;
	v52 =	vmul.f32 v41, v41  }
0x264: {  	v2 =	vmul.f32 v37, v2;
	v53 =	vmul.f32 v44, v44  }
0x265: {  	v54 =	vmul.f32 v46, v46;
	v55 =	vmul.f32 v47, v47  }
0x266: {  	v57 =	vmul.f32 v44, v41;
	v4 =	vadd.f32 v39, v45;
	v12 =	vadd.f32 v40, v52  }
0x267: {  	v58 =	vmul.f32 v49, v49;
	v1 =	vadd.f32 v3, v1;
	v56 =	vadd.f32 v43, v53  }
0x268: {  	v7 =	vmul.f32 v7, v41;
	v3 =	vadd.f32 v5, v57;
	v12 =	vadd.f32 v54, v12  }
0x269: {  	v8 =	vmul.f32 v8, v46;
	v1 =	vadd.f32 v2, v1;
	v2 =	vadd.f32 v48, v56  }
0x26a: {  	v9 =	vmul.f32 v37, v46;
	v4 =	vadd.f32 v50, v4;
	v59 =	vadd.f32 v58, v12  }
0x26b: {  	v0 =	vmul.f32 v47, v0;
	v7 =	vadd.f32 v42, v7;
	v2 =	vadd.f32 v51, v2  }
0x26c: {  	v60 =	vmul.f32 v38, v49;
	v3 =	vadd.f32 v8, v3;
	v4 =	vadd.f32 v55, v4;
	[tilespmem:s18+$0x10] =	vst v59  }
0x26d: {  	s15 =	rddreg [dreg:$0x4];
	v62 =	vmul.f32 v47, v49;
	v61 =	vadd.f32 v9, v7;
	v0 =	vadd.f32 v0, v1;
	[tilespmem:s19+$0x10] =	vst v2  }
0x26e: {  	v3 =	vadd.f32 v60, v3;
	[tilespmem:s0+$0x10] =	vst v4;
	s0 =	sor.u32 s24, s15  }
0x26f: {  	v63 =	vadd.f32 v62, v61;
	[tilespmem:s21+$0x10] =	vst v0;
	s0 =	sshll.u32 s0, $0x1  }
0x270: {  	s18 =	rddreg [dreg:$0x5];
	[tilespmem:s1+$0x10] =	vst v3;
	s0 =	sor.u32 $0x100, s0  }
0x271: {  	s3 =	simm.s32 $0x12000;
	s19 =	rddreg [dreg:$0x6];
	[tilespmem:s22+$0x10] =	vst v63;
	s1 =	sadd.s32 s18, s0  }
0x272: {  	[hbm4b:s1+s2] =	stream.linear.scatter [tilespmem:s3], [sflag:$0x4], $0x800, $0x38;
	[tilespmem:$0x15000] =	vst v63  }
0x273: {  	s20 =	simm.s32 $0x12800;
	s1 =	sadd.s32 s19, s0  }
0x274: {  	[hbm4b:s1+s2] =	stream.linear.scatter [tilespmem:s20], [sflag:$0x4], $0x800, $0x38;
	[tilespmem:$0x15000] =	vst v63  }
0x275: {  	s21 =	sadd.s32 s8, s0;
	s22 =	simm.s32 $0x13000  }
0x276: {  	[hbm4b:s21+s2] =	stream.linear.scatter [tilespmem:s22], [sflag:$0x4], $0x800, $0x38;
	[tilespmem:$0x15000] =	vst v63  }
0x277: {  	s26 =	simm.s32 $0x13800;
	s23 =	sadd.s32 s9, s0  }
0x278: {  	[hbm4b:s23+s2] =	stream.linear.scatter [tilespmem:s26], [sflag:$0x4], $0x800, $0x38;
	[tilespmem:$0x15000] =	vst v63  }
.Ltmp4:
0x279: {  	_ = 	snop;
	(pc) =	sbr.rel @p0 .LBB2_8-.Ltmp4, $4  }
0x27a: {  	s29 =	simm.s32 $0x14000;
	s28 =	sadd.s32 s10, s0  }
0x27b: {  	[hbm4b:s28+s2] =	stream.linear.scatter [tilespmem:s29], [sflag:$0x4], $0x800, $0x38;
	[tilespmem:$0x15000] =	vst v63  }
0x27c: {  	s31 =	simm.s32 $0x14800;
	s0 =	sadd.s32 s11, s0  }
0x27d: {  	[hbm4b:s0+s2] =	stream.linear.scatter [tilespmem:s31], [sflag:$0x4], $0x800, $0x38;
	[tilespmem:$0x15000] =	vst v63  }
0x27e: {  	s0 =	sadd.s32 $0x180, s24;
	s1 =	simm.s32 $0x80;
	s3 =	simm.s32 $0x9000  }
0x27f: {  	[tilespmem:s3], [sflag:$0x2] =	stream.indirect.gather [hbm4b:s4+s1], $0x40, s0, s1, $0xb8;
	[tilespmem:$0x15000] =	vst v63  }
.Ltmp5:
0x280: {  	_ = 	snop;
	(pc) =	sbr.rel .LBB2_2-.Ltmp5, $4  }
0x281: {  	s26 =	sadd.s32 $0x1180, s24;
	s28 =	simm.s32 $0xB000  }
0x282: {  	[tilespmem:s28], [sflag:$0x2] =	stream.indirect.gather [hbm4b:s4+s1], $0x40, s26, s1, $0xb8;
	[tilespmem:$0x15000] =	vst v63  }
0x283: {  	s29 =	sadd.s32 $0x2180, s24;
	s31 =	simm.s32 $0xD000;
	s16 =	sadd.s32 $0x1, s16  }
0x284: {  	[tilespmem:s31], [sflag:$0x2] =	stream.indirect.gather [hbm4b:s5+s1], $0x40, s29, s1, $0xb8;
	[tilespmem:$0x15000] =	vst v63  }
.LBB2_9:
0x285: {  	_ =	sfence.sel $0x180000  }
0x286: {  	[bflag:$0x0] =	sbarrier.arrive $0xFFFF  }
0x287: {  	_ =	strace $0x90000047  }
0x288: {  	s0 =	stileid.u32;
	[bflag:$0x2] =	sbarrier.arrive $0xFFFF  }
0x289: {  	p0 =	sne.s32 s0, $0x0;
	s0 =	rddreg [dreg:$0x3]  }
0x28a: {  	s0 =	sadd.s32 @!p0 $0x100000, s0  }
0x28b: {  	[sflag:s0] =	ssyncadd.tile.s32 @!p0 $0x1;
	_ =	shalt  }
.Lfunc_end2:
_tile_overlayer_lowered:
.L_overlay_start_2:
0x28c: {  	(tag) =	ssettag $0x2  }
0x28d: {  	s0 =	rddreg [dreg:$0x0];
	s2 =	stileid.u32  }
0x28e: {  	s1 =	rddreg [dreg:$0x1];
	p0 =	sne.s32 s2, $0x0  }
0x28f: {  	s3 =	rddreg [dreg:$0x2];
	[bflag:$0x3] =	sbarrier.arrive $0xFFFF;
	s2 =	simm.s32 @!p0 $0x1C05  }
0x290: {  	[timem:s3], [sflag:s2] =	dma.local @!p0 [hbm:s0], s1  }
0x291: {  	s0 =	simm.s32 @!p0 $0x5  }
0x292: {  	_ =	swait.ge @!p0 [sflag:s0], s1  }
0x293: {  	s1 =	ssub.s32 @!p0 $0x0, s1;
	[sflag:s0] =	ssyncset.done @!p0 $0x0  }
0x294: {  	[sflag:s0] =	ssyncadd.s32 @!p0 s1  }
0x295: {  	[bflag:$0x3] =	sbarrier.arrive $0xFFFF  }
0x296: {  	_ =	shalt  }

</sc_bundles>
